<compile_context>
chip_gen: v7x
topology: tpu7x:2x2x1
jax: 0.10.2.dev20260603
libtpu: 0.0.44.dev20260713+nightly
codegen_flags: <defaults>
</compile_context>

<pallas_src>
import jax
import jax.numpy as jnp
from jax import lax
from jax.experimental import pallas as pl
from jax.experimental.pallas import tpu as pltpu
from jax.experimental.pallas import tpu_sc as plsc

_B = 16384
_L = 200
_D = 64
_V = 1000000
_NC = 2
_NS = 16
_NW = _NC * _NS
_RPT = _B // _NW
_SPLIT = 128
_REST = _L - _SPLIT
_TC = 8192
_NBLK = 61
_A = _NBLK * _TC
_TAILB = 640
_PR = _A + _TAILB


def _sigmoid(x):
    return 1.0 / (1.0 + jnp.exp(-x))


def _tr_body(xlo_ref, xhi_ref, o_ref):
    c = 1024
    for k in range(0, _TC, c):
        o_ref[k:k + c, 0:_D] = xlo_ref[:, k:k + c].T
        o_ref[k:k + c, _D:2 * _D] = xhi_ref[:, k:k + c].T


def _tail_body(x_ref, alias_ref, o_ref):
    del alias_ref
    o_ref[:, 0:_D] = jnp.zeros((128, _D), jnp.float32)
    o_ref[:, _D:2 * _D] = x_ref[...].T


def _to_row_major(table):
    tpairs = pl.pallas_call(
        _tr_body,
        grid=(_NBLK,),
        in_specs=[pl.BlockSpec((_D, _TC), lambda i: (0, i)),
                  pl.BlockSpec((_D, _TC), lambda i: (0, i + _NBLK))],
        out_specs=pl.BlockSpec((_TC, 2 * _D), lambda i: (i, 0)),
        out_shape=jax.ShapeDtypeStruct((_PR, 2 * _D), jnp.float32),
    )(table.T, table.T)
    tpairs = pl.pallas_call(
        _tail_body,
        grid=(_TAILB // 128,),
        in_specs=[pl.BlockSpec((_D, 128), lambda i: (0, 2 * _A // 128 + i)),
                  pl.BlockSpec(memory_space=pl.ANY)],
        out_specs=pl.BlockSpec((128, 2 * _D), lambda i: (_A // 128 + i, 0)),
        out_shape=jax.ShapeDtypeStruct((_PR, 2 * _D), jnp.float32),
        input_output_aliases={1: 0},
    )(table.T, tpairs)
    return tpairs.reshape(2 * _PR, _D)


def _remap_body(i_ref, o_ref):
    v = i_ref[...]
    o_ref[...] = jnp.where(v < _A, 2 * v, 2 * (v - _A) + 1)


def _remap_ids(ids):
    blk = 2048
    return pl.pallas_call(
        _remap_body,
        grid=(_B // blk,),
        in_specs=[pl.BlockSpec((blk, _L), lambda i: (i, 0))],
        out_specs=pl.BlockSpec((blk, _L), lambda i: (i, 0)),
        out_shape=jax.ShapeDtypeStruct((_B, _L), jnp.int32),
    )(ids)


def _body(idx_hbm, wb_hbm, table_hbm, out_hbm, idx_v, buf0, buf1, wb_v,
          out_v, out_smem, sem0, sem1):
    wid = lax.axis_index("s") * _NC + lax.axis_index("c")
    base = wid * _RPT

    pltpu.sync_copy(wb_hbm, wb_v)
    pltpu.sync_copy(idx_hbm.at[pl.ds(base, _RPT)], idx_v)

    w0 = wb_v[pl.ds(0, 16)]
    w1 = wb_v[pl.ds(16, 16)]
    w2 = wb_v[pl.ds(32, 16)]
    w3 = wb_v[pl.ds(48, 16)]
    bvec = wb_v[pl.ds(64, 16)]

    def fire(r, buf, sem):
        pltpu.async_copy(
            table_hbm.at[idx_v.at[r, pl.ds(0, _SPLIT)]],
            buf.at[pl.ds(0, _SPLIT)], sem)
        pltpu.async_copy(
            table_hbm.at[idx_v.at[r, pl.ds(_SPLIT, _REST)]],
            buf.at[pl.ds(_SPLIT, _REST)], sem)

    def wait(buf, sem):
        pltpu.make_async_copy(table_hbm.at[pl.ds(0, _L)], buf, sem).wait()

    def process(r, buf):
        def red(j, accs):
            a0, a1, a2, a3, b0, b1, b2, b3 = accs
            row = buf.at[j]
            row2 = buf.at[j + _L // 2]
            return (a0 + row[pl.ds(0, 16)],
                    a1 + row[pl.ds(16, 16)],
                    a2 + row[pl.ds(32, 16)],
                    a3 + row[pl.ds(48, 16)],
                    b0 + row2[pl.ds(0, 16)],
                    b1 + row2[pl.ds(16, 16)],
                    b2 + row2[pl.ds(32, 16)],
                    b3 + row2[pl.ds(48, 16)])

        z = jnp.zeros((16,), jnp.float32)
        a0, a1, a2, a3, b0, b1, b2, b3 = lax.fori_loop(
            0, _L // 2, red, (z, z, z, z, z, z, z, z), unroll=8)
        a0, a1, a2, a3 = a0 + b0, a1 + b1, a2 + b2, a3 + b3
        inv = jnp.float32(1.0 / _L)
        h0 = _sigmoid(a0 * inv)
        h1 = _sigmoid(a1 * inv)
        h2 = _sigmoid(a2 * inv)
        h3 = _sigmoid(a3 * inv)
        t = h0 * w0 + h1 * w1 + h2 * w2 + h3 * w3 + bvec
        out_smem[r] = jnp.sum(t)

    fire(0, buf0, sem0)

    def loop(i, carry):
        r0 = 2 * i
        fire(r0 + 1, buf1, sem1)
        wait(buf0, sem0)
        process(r0, buf0)

        @pl.when(r0 + 2 < _RPT)
        def _():
            fire(r0 + 2, buf0, sem0)

        wait(buf1, sem1)
        process(r0 + 1, buf1)
        return carry

    lax.fori_loop(0, _RPT // 2, loop, 0)

    lane = lax.iota(jnp.int32, 16)

    def pack(g, carry):
        def ins(k, v):
            return jnp.where(lane == k, out_smem[g * 16 + k], v)

        v = lax.fori_loop(0, 16, ins, jnp.zeros((16,), jnp.float32))
        out_v[pl.ds(g * 16, 16)] = _sigmoid(v)
        return carry

    lax.fori_loop(0, _RPT // 16, pack, 0)

    pltpu.sync_copy(out_v, out_hbm.at[pl.ds(base, _RPT)])


@jax.jit
def _run(idx, wb, table):
    table = _to_row_major(table)
    idx = _remap_ids(idx)
    mesh = plsc.VectorSubcoreMesh(core_axis_name="c", subcore_axis_name="s")
    f = pl.kernel(
        _body,
        out_type=jax.ShapeDtypeStruct((_B,), jnp.float32),
        mesh=mesh,
        compiler_params=pltpu.CompilerParams(
            needs_layout_passes=False, use_tc_tiling_on_sc=False),
        scratch_types=[
            pltpu.VMEM((_RPT, _L), jnp.int32),
            pltpu.VMEM((_L, _D), jnp.float32),
            pltpu.VMEM((_L, _D), jnp.float32),
            pltpu.VMEM((80,), jnp.float32),
            pltpu.VMEM((_RPT,), jnp.float32),
            pltpu.SMEM((_RPT,), jnp.float32),
            pltpu.SemaphoreType.DMA,
            pltpu.SemaphoreType.DMA,
        ],
    )
    return f(idx, wb, table)


def kernel(input_ids, emb_table, W, b):
    wb = jnp.concatenate(
        [W.reshape(-1), b.reshape(-1),
         jnp.zeros((15,), jnp.float32)]).astype(jnp.float32)
    out = _run(input_ids, wb, emb_table)
    return out.reshape(_B, 1)

# --- scband reference (transcript-rebuilt; emitter-appended) ---
"""Pipeline reference for scband-logistic-regression-classifier-84980222918862 (READ-ONLY COPY).

The authoritative reference and input builder live on the scoring server;
editing this copy changes nothing except your own understanding.
"""

import jax, jax.numpy as jnp
import numpy as np

VOCAB = 1000000
DIM = 64
BATCH = 16384
SEQ = 200


def setup_inputs(seed: int = 0) -> dict:
    key = jax.random.key(seed)
    k1, k2, k3 = jax.random.split(key, 3)
    input_ids = jax.random.randint(k1, (BATCH, SEQ), 0, VOCAB, dtype=jnp.int64 if jax.config.jax_enable_x64 else jnp.int32).astype(jnp.int32)
    # xavier_normal for embedding table: std = sqrt(2/(fan_in+fan_out))
    emb_table = jax.random.normal(k2, (VOCAB, DIM), dtype=jnp.float32) * np.sqrt(2.0 / (VOCAB + DIM))
    W = jax.random.normal(k3, (1, DIM), dtype=jnp.float32) * np.sqrt(2.0 / (DIM + 1))
    b = jnp.zeros((1,), dtype=jnp.float32)
    return {"input_ids": input_ids, "emb_table": emb_table, "W": W, "b": b}


def reference(input_ids, emb_table, W, b):
    # EmbeddingBag(mode='mean') over 2D input: gather then mean over sequence dim
    gathered = jnp.take(emb_table, input_ids, axis=0)  # [B, L, D]
    pooled = jnp.mean(gathered, axis=1)  # [B, D]
    h = jax.nn.sigmoid(pooled)
    logits = jax.nn.sigmoid(h @ W.T + b)  # [B, 1]
    return logits

if __name__ == "__main__":
    import jax
    _d = setup_inputs()
    print(jax.jit(kernel)(*tuple(_d.values())))

</pallas_src>

<mosaic_0001>
#map = affine_map<(d0, d1) -> (0, 0)>
#map1 = affine_map<(d0, d1) -> (0)>
module attributes {stable_mosaic.version = 14 : i64} {
  func.func @_body(%arg0: i32, %arg1: i32, %arg2: memref<16384x200xi32, #tpu.memory_space<hbm>>, %arg3: memref<80xf32, #tpu.memory_space<hbm>>, %arg4: memref<1000704x64xf32, #tpu.memory_space<hbm>>, %arg5: memref<16384xf32, #tpu.memory_space<hbm>>, %arg6: memref<512x200xi32, #tpu.memory_space<vmem>>, %arg7: memref<200x64xf32, #tpu.memory_space<vmem>>, %arg8: memref<200x64xf32, #tpu.memory_space<vmem>>, %arg9: memref<80xf32, #tpu.memory_space<vmem>>, %arg10: memref<512xf32, #tpu.memory_space<vmem>>, %arg11: memref<512xf32, #tpu.memory_space<smem>>, %arg12: memref<!tpu.dma_semaphore, #tpu.memory_space<semaphore_mem>>, %arg13: memref<!tpu.dma_semaphore, #tpu.memory_space<semaphore_mem>>) attributes {dimension_semantics = [#tpu.dimension_semantics<core_parallel>, #tpu.dimension_semantics<subcore_parallel>], iteration_bounds = array<i64: 2, 16>, scalar_prefetch = 0 : i64, scratch_operands = 8 : i64, tpu.core_type = #tpu.core_type<sc_vector_subcore>, window_params = [{transform_indices = #map}, {transform_indices = #map1}, {transform_indices = #map}, {transform_indices = #map1}]} {
    %mul3A = arith.constant 2 : i32
    %mul3A_0 = arith.muli %arg1, %mul3A : i32
    %add3A = arith.addi %mul3A_0, %arg0 : i32
    %mul3A_1 = arith.constant 512 : i32
    %mul3A_2 = arith.muli %add3A, %mul3A_1 : i32
    "tpu.region"() ({
      %run_scoped3A = tpu.sem_alloc : memref<!tpu.dma_semaphore, #tpu.memory_space<semaphore_mem>>
      tpu.enqueue_dma source(%arg3 : memref<80xf32, #tpu.memory_space<hbm>>) target(%arg9 : memref<80xf32, #tpu.memory_space<vmem>>) target_semaphore(%run_scoped3A : memref<!tpu.dma_semaphore, #tpu.memory_space<semaphore_mem>>)
      tpu.wait_dma2 semaphore(%run_scoped3A : memref<!tpu.dma_semaphore, #tpu.memory_space<semaphore_mem>>) src(%arg3 : memref<80xf32, #tpu.memory_space<hbm>>) dst(%arg9 : memref<80xf32, #tpu.memory_space<vmem>>)
      tpu.yield
    }) : () -> ()
    "tpu.region"() ({
      %run_scoped3A = tpu.sem_alloc : memref<!tpu.dma_semaphore, #tpu.memory_space<semaphore_mem>>
      %dma_start3A_42 = arith.constant 0 : i32
      %dma_start3A_43 = tpu.memref_slice %arg2[%mul3A_2, %dma_start3A_42] : memref<16384x200xi32, #tpu.memory_space<hbm>> -> memref<512x200xi32, #tpu.memory_space<hbm>>
      %dma_start3A_44 = arith.constant 0 : i32
      %dma_start3A_45 = tpu.memref_slice %arg2[%mul3A_2, %dma_start3A_44] : memref<16384x200xi32, #tpu.memory_space<hbm>> -> memref<512x200xi32, #tpu.memory_space<hbm>>
      tpu.enqueue_dma source(%dma_start3A_45 : memref<512x200xi32, #tpu.memory_space<hbm>>) target(%arg6 : memref<512x200xi32, #tpu.memory_space<vmem>>) target_semaphore(%run_scoped3A : memref<!tpu.dma_semaphore, #tpu.memory_space<semaphore_mem>>)
      %dma_wait3A = arith.constant 0 : i32
      %dma_wait3A_46 = tpu.memref_slice %arg2[%mul3A_2, %dma_wait3A] : memref<16384x200xi32, #tpu.memory_space<hbm>> -> memref<512x200xi32, #tpu.memory_space<hbm>>
      %dma_wait3A_47 = arith.constant 0 : i32
      %dma_wait3A_48 = tpu.memref_slice %arg2[%mul3A_2, %dma_wait3A_47] : memref<16384x200xi32, #tpu.memory_space<hbm>> -> memref<512x200xi32, #tpu.memory_space<hbm>>
      tpu.wait_dma2 semaphore(%run_scoped3A : memref<!tpu.dma_semaphore, #tpu.memory_space<semaphore_mem>>) src(%dma_wait3A_48 : memref<512x200xi32, #tpu.memory_space<hbm>>) dst(%arg6 : memref<512x200xi32, #tpu.memory_space<vmem>>)
      tpu.yield
    }) : () -> ()
    %get3A = arith.constant 0 : index
    %get3A_3 = tpu.vector_load %arg9[%get3A] {strides = array<i32>} : memref<80xf32, #tpu.memory_space<vmem>>, vector<16xf32>,
    %get3A_4 = arith.constant 16 : index
    %get3A_5 = tpu.vector_load %arg9[%get3A_4] {strides = array<i32>} : memref<80xf32, #tpu.memory_space<vmem>>, vector<16xf32>,
    %get3A_6 = arith.constant 32 : index
    %get3A_7 = tpu.vector_load %arg9[%get3A_6] {strides = array<i32>} : memref<80xf32, #tpu.memory_space<vmem>>, vector<16xf32>,
    %get3A_8 = arith.constant 48 : index
    %get3A_9 = tpu.vector_load %arg9[%get3A_8] {strides = array<i32>} : memref<80xf32, #tpu.memory_space<vmem>>, vector<16xf32>,
    %get3A_10 = arith.constant 64 : index
    %get3A_11 = tpu.vector_load %arg9[%get3A_10] {strides = array<i32>} : memref<80xf32, #tpu.memory_space<vmem>>, vector<16xf32>,
    %dma_start3A = arith.constant 0 : i32
    %dma_start3A_12 = arith.constant 0 : i32
    %dma_start3A_13 = arith.constant 0 : i32
    %dma_start3A_14 = tpu.memref_slice %arg7[%dma_start3A_12, %dma_start3A_13] : memref<200x64xf32, #tpu.memory_space<vmem>> -> memref<128x64xf32, #tpu.memory_space<vmem>>
    %dma_start3A_15 = arith.constant 0 : i32
    %dma_start3A_16 = tpu.memref_slice %arg6[%dma_start3A, %dma_start3A_15] : memref<512x200xi32, #tpu.memory_space<vmem>> -> memref<1x128xi32, #tpu.memory_space<vmem>>
    %dma_start3A_17 = tpu.memref_squeeze %dma_start3A_16 : memref<1x128xi32, #tpu.memory_space<vmem>> -> memref<128xi32, #tpu.memory_space<vmem>>
    %dma_start3A_18 = arith.constant 0 : i32
    %dma_start3A_19 = arith.constant 0 : i32
    %dma_start3A_20 = tpu.memref_slice %arg4[%dma_start3A_18, %dma_start3A_19] : memref<1000704x64xf32, #tpu.memory_space<hbm>> -> memref<1000704x64xf32, #tpu.memory_space<hbm>>
    tpu.enqueue_indirect_dma source(%dma_start3A_20 : memref<1000704x64xf32, #tpu.memory_space<hbm>>) target(%dma_start3A_14 : memref<128x64xf32, #tpu.memory_space<vmem>>) offsets(%dma_start3A_17 : memref<128xi32, #tpu.memory_space<vmem>>) semaphore(%arg12 : memref<!tpu.dma_semaphore, #tpu.memory_space<semaphore_mem>>)
    %dma_start3A_21 = arith.constant 0 : i32
    %dma_start3A_22 = arith.constant 128 : i32
    %dma_start3A_23 = arith.constant 0 : i32
    %dma_start3A_24 = tpu.memref_slice %arg7[%dma_start3A_22, %dma_start3A_23] : memref<200x64xf32, #tpu.memory_space<vmem>> -> memref<72x64xf32, #tpu.memory_space<vmem>>
    %dma_start3A_25 = arith.constant 128 : i32
    %dma_start3A_26 = tpu.memref_slice %arg6[%dma_start3A_21, %dma_start3A_25] : memref<512x200xi32, #tpu.memory_space<vmem>> -> memref<1x72xi32, #tpu.memory_space<vmem>>
    %dma_start3A_27 = tpu.memref_squeeze %dma_start3A_26 : memref<1x72xi32, #tpu.memory_space<vmem>> -> memref<72xi32, #tpu.memory_space<vmem>>
    %dma_start3A_28 = arith.constant 0 : i32
    %dma_start3A_29 = arith.constant 0 : i32
    %dma_start3A_30 = tpu.memref_slice %arg4[%dma_start3A_28, %dma_start3A_29] : memref<1000704x64xf32, #tpu.memory_space<hbm>> -> memref<1000704x64xf32, #tpu.memory_space<hbm>>
    tpu.enqueue_indirect_dma source(%dma_start3A_30 : memref<1000704x64xf32, #tpu.memory_space<hbm>>) target(%dma_start3A_24 : memref<72x64xf32, #tpu.memory_space<vmem>>) offsets(%dma_start3A_27 : memref<72xi32, #tpu.memory_space<vmem>>) semaphore(%arg12 : memref<!tpu.dma_semaphore, #tpu.memory_space<semaphore_mem>>)
    %scan3A = arith.constant 0 : i32
    %scan3A_31 = arith.constant 0 : i32
    %scan3A_32 = arith.constant 256 : i32
    %scan3A_33 = arith.addi %scan3A_31, %scan3A_32 : i32
    %scan3A_34 = arith.constant 1 : i32
    scf.for %scan3A_42 = %scan3A_31 to %scan3A_33 step %scan3A_34  : i32 {
      %mul3A_43 = arith.constant 2 : i32
      %mul3A_44 = arith.muli %mul3A_43, %scan3A_42 : i32
      %add3A_45 = arith.constant 1 : i32
      %add3A_46 = arith.addi %mul3A_44, %add3A_45 : i32
      %dma_start3A_47 = arith.constant 0 : i32
      %dma_start3A_48 = arith.constant 0 : i32
      %dma_start3A_49 = tpu.memref_slice %arg8[%dma_start3A_47, %dma_start3A_48] : memref<200x64xf32, #tpu.memory_space<vmem>> -> memref<128x64xf32, #tpu.memory_space<vmem>>
      %dma_start3A_50 = arith.constant 0 : i32
      %dma_start3A_51 = tpu.memref_slice %arg6[%add3A_46, %dma_start3A_50] : memref<512x200xi32, #tpu.memory_space<vmem>> -> memref<1x128xi32, #tpu.memory_space<vmem>>
      %dma_start3A_52 = tpu.memref_squeeze %dma_start3A_51 : memref<1x128xi32, #tpu.memory_space<vmem>> -> memref<128xi32, #tpu.memory_space<vmem>>
      %dma_start3A_53 = arith.constant 0 : i32
      %dma_start3A_54 = arith.constant 0 : i32
      %dma_start3A_55 = tpu.memref_slice %arg4[%dma_start3A_53, %dma_start3A_54] : memref<1000704x64xf32, #tpu.memory_space<hbm>> -> memref<1000704x64xf32, #tpu.memory_space<hbm>>
      tpu.enqueue_indirect_dma source(%dma_start3A_55 : memref<1000704x64xf32, #tpu.memory_space<hbm>>) target(%dma_start3A_49 : memref<128x64xf32, #tpu.memory_space<vmem>>) offsets(%dma_start3A_52 : memref<128xi32, #tpu.memory_space<vmem>>) semaphore(%arg13 : memref<!tpu.dma_semaphore, #tpu.memory_space<semaphore_mem>>)
      %dma_start3A_56 = arith.constant 128 : i32
      %dma_start3A_57 = arith.constant 0 : i32
      %dma_start3A_58 = tpu.memref_slice %arg8[%dma_start3A_56, %dma_start3A_57] : memref<200x64xf32, #tpu.memory_space<vmem>> -> memref<72x64xf32, #tpu.memory_space<vmem>>
      %dma_start3A_59 = arith.constant 128 : i32
      %dma_start3A_60 = tpu.memref_slice %arg6[%add3A_46, %dma_start3A_59] : memref<512x200xi32, #tpu.memory_space<vmem>> -> memref<1x72xi32, #tpu.memory_space<vmem>>
      %dma_start3A_61 = tpu.memref_squeeze %dma_start3A_60 : memref<1x72xi32, #tpu.memory_space<vmem>> -> memref<72xi32, #tpu.memory_space<vmem>>
      %dma_start3A_62 = arith.constant 0 : i32
      %dma_start3A_63 = arith.constant 0 : i32
      %dma_start3A_64 = tpu.memref_slice %arg4[%dma_start3A_62, %dma_start3A_63] : memref<1000704x64xf32, #tpu.memory_space<hbm>> -> memref<1000704x64xf32, #tpu.memory_space<hbm>>
      tpu.enqueue_indirect_dma source(%dma_start3A_64 : memref<1000704x64xf32, #tpu.memory_space<hbm>>) target(%dma_start3A_58 : memref<72x64xf32, #tpu.memory_space<vmem>>) offsets(%dma_start3A_61 : memref<72xi32, #tpu.memory_space<vmem>>) semaphore(%arg13 : memref<!tpu.dma_semaphore, #tpu.memory_space<semaphore_mem>>)
      %dma_wait3A = arith.constant 0 : i32
      %dma_wait3A_65 = arith.constant 0 : i32
      %dma_wait3A_66 = tpu.memref_slice %arg4[%dma_wait3A, %dma_wait3A_65] : memref<1000704x64xf32, #tpu.memory_space<hbm>> -> memref<200x64xf32, #tpu.memory_space<hbm>>
      %dma_wait3A_67 = arith.constant 0 : i32
      %dma_wait3A_68 = arith.constant 0 : i32
      %dma_wait3A_69 = tpu.memref_slice %arg4[%dma_wait3A_67, %dma_wait3A_68] : memref<1000704x64xf32, #tpu.memory_space<hbm>> -> memref<200x64xf32, #tpu.memory_space<hbm>>
      tpu.wait_dma2 semaphore(%arg12 : memref<!tpu.dma_semaphore, #tpu.memory_space<semaphore_mem>>) src(%dma_wait3A_69 : memref<200x64xf32, #tpu.memory_space<hbm>>) dst(%arg7 : memref<200x64xf32, #tpu.memory_space<vmem>>)
      %broadcast_in_dim3A = arith.constant 0.000000e+00 : f32
      %broadcast_in_dim3A_70 = vector.broadcast %broadcast_in_dim3A : f32 to vector<16xf32>
      %scan3A_71 = arith.constant 0 : i32
      %scan3A_72 = arith.constant 96 : i32
      %scan3A_73 = arith.addi %scan3A_71, %scan3A_72 : i32
      %scan3A_74 = arith.constant 8 : i32
      %scan3A_75:8 = scf.for %scan3A_648 = %scan3A_71 to %scan3A_73 step %scan3A_74 iter_args(%scan3A_649 = %broadcast_in_dim3A_70, %scan3A_650 = %broadcast_in_dim3A_70, %scan3A_651 = %broadcast_in_dim3A_70, %scan3A_652 = %broadcast_in_dim3A_70, %scan3A_653 = %broadcast_in_dim3A_70, %scan3A_654 = %broadcast_in_dim3A_70, %scan3A_655 = %broadcast_in_dim3A_70, %scan3A_656 = %broadcast_in_dim3A_70) -> (vector<16xf32>, vector<16xf32>, vector<16xf32>, vector<16xf32>, vector<16xf32>, vector<16xf32>, vector<16xf32>, vector<16xf32>)  : i32 {
        %add3A_657 = arith.constant 100 : i32
        %add3A_658 = arith.addi %scan3A_648, %add3A_657 : i32
        %get3A_659 = arith.constant 0 : i32
        %get3A_660 = tpu.memref_slice %arg7[%scan3A_648, %get3A_659] : memref<200x64xf32, #tpu.memory_space<vmem>> -> memref<1x64xf32, #tpu.memory_space<vmem>>
        %get3A_661 = tpu.memref_squeeze %get3A_660 : memref<1x64xf32, #tpu.memory_space<vmem>> -> memref<64xf32, #tpu.memory_space<vmem>>
        %get3A_662 = arith.constant 0 : index
        %get3A_663 = tpu.vector_load %get3A_661[%get3A_662] {strides = array<i32>} : memref<64xf32, #tpu.memory_space<vmem>>, vector<16xf32>,
        %add3A_664 = arith.addf %scan3A_649, %get3A_663 : vector<16xf32>
        %get3A_665 = arith.constant 0 : i32
        %get3A_666 = tpu.memref_slice %arg7[%scan3A_648, %get3A_665] : memref<200x64xf32, #tpu.memory_space<vmem>> -> memref<1x64xf32, #tpu.memory_space<vmem>>
        %get3A_667 = tpu.memref_squeeze %get3A_666 : memref<1x64xf32, #tpu.memory_space<vmem>> -> memref<64xf32, #tpu.memory_space<vmem>>
        %get3A_668 = arith.constant 16 : index
        %get3A_669 = tpu.vector_load %get3A_667[%get3A_668] {strides = array<i32>} : memref<64xf32, #tpu.memory_space<vmem>>, vector<16xf32>,
        %add3A_670 = arith.addf %scan3A_650, %get3A_669 : vector<16xf32>
        %get3A_671 = arith.constant 0 : i32
        %get3A_672 = tpu.memref_slice %arg7[%scan3A_648, %get3A_671] : memref<200x64xf32, #tpu.memory_space<vmem>> -> memref<1x64xf32, #tpu.memory_space<vmem>>
        %get3A_673 = tpu.memref_squeeze %get3A_672 : memref<1x64xf32, #tpu.memory_space<vmem>> -> memref<64xf32, #tpu.memory_space<vmem>>
        %get3A_674 = arith.constant 32 : index
        %get3A_675 = tpu.vector_load %get3A_673[%get3A_674] {strides = array<i32>} : memref<64xf32, #tpu.memory_space<vmem>>, vector<16xf32>,
        %add3A_676 = arith.addf %scan3A_651, %get3A_675 : vector<16xf32>
        %get3A_677 = arith.constant 0 : i32
        %get3A_678 = tpu.memref_slice %arg7[%scan3A_648, %get3A_677] : memref<200x64xf32, #tpu.memory_space<vmem>> -> memref<1x64xf32, #tpu.memory_space<vmem>>
        %get3A_679 = tpu.memref_squeeze %get3A_678 : memref<1x64xf32, #tpu.memory_space<vmem>> -> memref<64xf32, #tpu.memory_space<vmem>>
        %get3A_680 = arith.constant 48 : index
        %get3A_681 = tpu.vector_load %get3A_679[%get3A_680] {strides = array<i32>} : memref<64xf32, #tpu.memory_space<vmem>>, vector<16xf32>,
        %add3A_682 = arith.addf %scan3A_652, %get3A_681 : vector<16xf32>
        %get3A_683 = arith.constant 0 : i32
        %get3A_684 = tpu.memref_slice %arg7[%add3A_658, %get3A_683] : memref<200x64xf32, #tpu.memory_space<vmem>> -> memref<1x64xf32, #tpu.memory_space<vmem>>
        %get3A_685 = tpu.memref_squeeze %get3A_684 : memref<1x64xf32, #tpu.memory_space<vmem>> -> memref<64xf32, #tpu.memory_space<vmem>>
        %get3A_686 = arith.constant 0 : index
        %get3A_687 = tpu.vector_load %get3A_685[%get3A_686] {strides = array<i32>} : memref<64xf32, #tpu.memory_space<vmem>>, vector<16xf32>,
        %add3A_688 = arith.addf %scan3A_653, %get3A_687 : vector<16xf32>
        %get3A_689 = arith.constant 0 : i32
        %get3A_690 = tpu.memref_slice %arg7[%add3A_658, %get3A_689] : memref<200x64xf32, #tpu.memory_space<vmem>> -> memref<1x64xf32, #tpu.memory_space<vmem>>
        %get3A_691 = tpu.memref_squeeze %get3A_690 : memref<1x64xf32, #tpu.memory_space<vmem>> -> memref<64xf32, #tpu.memory_space<vmem>>
        %get3A_692 = arith.constant 16 : index
        %get3A_693 = tpu.vector_load %get3A_691[%get3A_692] {strides = array<i32>} : memref<64xf32, #tpu.memory_space<vmem>>, vector<16xf32>,
        %add3A_694 = arith.addf %scan3A_654, %get3A_693 : vector<16xf32>
        %get3A_695 = arith.constant 0 : i32
        %get3A_696 = tpu.memref_slice %arg7[%add3A_658, %get3A_695] : memref<200x64xf32, #tpu.memory_space<vmem>> -> memref<1x64xf32, #tpu.memory_space<vmem>>
        %get3A_697 = tpu.memref_squeeze %get3A_696 : memref<1x64xf32, #tpu.memory_space<vmem>> -> memref<64xf32, #tpu.memory_space<vmem>>
        %get3A_698 = arith.constant 32 : index
        %get3A_699 = tpu.vector_load %get3A_697[%get3A_698] {strides = array<i32>} : memref<64xf32, #tpu.memory_space<vmem>>, vector<16xf32>,
        %add3A_700 = arith.addf %scan3A_655, %get3A_699 : vector<16xf32>
        %get3A_701 = arith.constant 0 : i32
        %get3A_702 = tpu.memref_slice %arg7[%add3A_658, %get3A_701] : memref<200x64xf32, #tpu.memory_space<vmem>> -> memref<1x64xf32, #tpu.memory_space<vmem>>
        %get3A_703 = tpu.memref_squeeze %get3A_702 : memref<1x64xf32, #tpu.memory_space<vmem>> -> memref<64xf32, #tpu.memory_space<vmem>>
        %get3A_704 = arith.constant 48 : index
        %get3A_705 = tpu.vector_load %get3A_703[%get3A_704] {strides = array<i32>} : memref<64xf32, #tpu.memory_space<vmem>>, vector<16xf32>,
        %add3A_706 = arith.addf %scan3A_656, %get3A_705 : vector<16xf32>
        %scan3A_707 = arith.constant 1 : i32
        %scan3A_708 = arith.addi %scan3A_648, %scan3A_707 : i32
        %add3A_709 = arith.constant 100 : i32
        %add3A_710 = arith.addi %scan3A_708, %add3A_709 : i32
        %get3A_711 = arith.constant 0 : i32
        %get3A_712 = tpu.memref_slice %arg7[%scan3A_708, %get3A_711] : memref<200x64xf32, #tpu.memory_space<vmem>> -> memref<1x64xf32, #tpu.memory_space<vmem>>
        %get3A_713 = tpu.memref_squeeze %get3A_712 : memref<1x64xf32, #tpu.memory_space<vmem>> -> memref<64xf32, #tpu.memory_space<vmem>>
        %get3A_714 = arith.constant 0 : index
        %get3A_715 = tpu.vector_load %get3A_713[%get3A_714] {strides = array<i32>} : memref<64xf32, #tpu.memory_space<vmem>>, vector<16xf32>,
        %add3A_716 = arith.addf %add3A_664, %get3A_715 : vector<16xf32>
        %get3A_717 = arith.constant 0 : i32
        %get3A_718 = tpu.memref_slice %arg7[%scan3A_708, %get3A_717] : memref<200x64xf32, #tpu.memory_space<vmem>> -> memref<1x64xf32, #tpu.memory_space<vmem>>
        %get3A_719 = tpu.memref_squeeze %get3A_718 : memref<1x64xf32, #tpu.memory_space<vmem>> -> memref<64xf32, #tpu.memory_space<vmem>>
        %get3A_720 = arith.constant 16 : index
        %get3A_721 = tpu.vector_load %get3A_719[%get3A_720] {strides = array<i32>} : memref<64xf32, #tpu.memory_space<vmem>>, vector<16xf32>,
        %add3A_722 = arith.addf %add3A_670, %get3A_721 : vector<16xf32>
        %get3A_723 = arith.constant 0 : i32
        %get3A_724 = tpu.memref_slice %arg7[%scan3A_708, %get3A_723] : memref<200x64xf32, #tpu.memory_space<vmem>> -> memref<1x64xf32, #tpu.memory_space<vmem>>
        %get3A_725 = tpu.memref_squeeze %get3A_724 : memref<1x64xf32, #tpu.memory_space<vmem>> -> memref<64xf32, #tpu.memory_space<vmem>>
        %get3A_726 = arith.constant 32 : index
        %get3A_727 = tpu.vector_load %get3A_725[%get3A_726] {strides = array<i32>} : memref<64xf32, #tpu.memory_space<vmem>>, vector<16xf32>,
        %add3A_728 = arith.addf %add3A_676, %get3A_727 : vector<16xf32>
        %get3A_729 = arith.constant 0 : i32
        %get3A_730 = tpu.memref_slice %arg7[%scan3A_708, %get3A_729] : memref<200x64xf32, #tpu.memory_space<vmem>> -> memref<1x64xf32, #tpu.memory_space<vmem>>
        %get3A_731 = tpu.memref_squeeze %get3A_730 : memref<1x64xf32, #tpu.memory_space<vmem>> -> memref<64xf32, #tpu.memory_space<vmem>>
        %get3A_732 = arith.constant 48 : index
        %get3A_733 = tpu.vector_load %get3A_731[%get3A_732] {strides = array<i32>} : memref<64xf32, #tpu.memory_space<vmem>>, vector<16xf32>,
        %add3A_734 = arith.addf %add3A_682, %get3A_733 : vector<16xf32>
        %get3A_735 = arith.constant 0 : i32
        %get3A_736 = tpu.memref_slice %arg7[%add3A_710, %get3A_735] : memref<200x64xf32, #tpu.memory_space<vmem>> -> memref<1x64xf32, #tpu.memory_space<vmem>>
        %get3A_737 = tpu.memref_squeeze %get3A_736 : memref<1x64xf32, #tpu.memory_space<vmem>> -> memref<64xf32, #tpu.memory_space<vmem>>
        %get3A_738 = arith.constant 0 : index
        %get3A_739 = tpu.vector_load %get3A_737[%get3A_738] {strides = array<i32>} : memref<64xf32, #tpu.memory_space<vmem>>, vector<16xf32>,
        %add3A_740 = arith.addf %add3A_688, %get3A_739 : vector<16xf32>
        %get3A_741 = arith.constant 0 : i32
        %get3A_742 = tpu.memref_slice %arg7[%add3A_710, %get3A_741] : memref<200x64xf32, #tpu.memory_space<vmem>> -> memref<1x64xf32, #tpu.memory_space<vmem>>
        %get3A_743 = tpu.memref_squeeze %get3A_742 : memref<1x64xf32, #tpu.memory_space<vmem>> -> memref<64xf32, #tpu.memory_space<vmem>>
        %get3A_744 = arith.constant 16 : index
        %get3A_745 = tpu.vector_load %get3A_743[%get3A_744] {strides = array<i32>} : memref<64xf32, #tpu.memory_space<vmem>>, vector<16xf32>,
        %add3A_746 = arith.addf %add3A_694, %get3A_745 : vector<16xf32>
        %get3A_747 = arith.constant 0 : i32
        %get3A_748 = tpu.memref_slice %arg7[%add3A_710, %get3A_747] : memref<200x64xf32, #tpu.memory_space<vmem>> -> memref<1x64xf32, #tpu.memory_space<vmem>>
        %get3A_749 = tpu.memref_squeeze %get3A_748 : memref<1x64xf32, #tpu.memory_space<vmem>> -> memref<64xf32, #tpu.memory_space<vmem>>
        %get3A_750 = arith.constant 32 : index
        %get3A_751 = tpu.vector_load %get3A_749[%get3A_750] {strides = array<i32>} : memref<64xf32, #tpu.memory_space<vmem>>, vector<16xf32>,
        %add3A_752 = arith.addf %add3A_700, %get3A_751 : vector<16xf32>
        %get3A_753 = arith.constant 0 : i32
        %get3A_754 = tpu.memref_slice %arg7[%add3A_710, %get3A_753] : memref<200x64xf32, #tpu.memory_space<vmem>> -> memref<1x64xf32, #tpu.memory_space<vmem>>
        %get3A_755 = tpu.memref_squeeze %get3A_754 : memref<1x64xf32, #tpu.memory_space<vmem>> -> memref<64xf32, #tpu.memory_space<vmem>>
        %get3A_756 = arith.constant 48 : index
        %get3A_757 = tpu.vector_load %get3A_755[%get3A_756] {strides = array<i32>} : memref<64xf32, #tpu.memory_space<vmem>>, vector<16xf32>,
        %add3A_758 = arith.addf %add3A_706, %get3A_757 : vector<16xf32>
        %scan3A_759 = arith.constant 2 : i32
        %scan3A_760 = arith.addi %scan3A_648, %scan3A_759 : i32
        %add3A_761 = arith.constant 100 : i32
        %add3A_762 = arith.addi %scan3A_760, %add3A_761 : i32
        %get3A_763 = arith.constant 0 : i32
        %get3A_764 = tpu.memref_slice %arg7[%scan3A_760, %get3A_763] : memref<200x64xf32, #tpu.memory_space<vmem>> -> memref<1x64xf32, #tpu.memory_space<vmem>>
        %get3A_765 = tpu.memref_squeeze %get3A_764 : memref<1x64xf32, #tpu.memory_space<vmem>> -> memref<64xf32, #tpu.memory_space<vmem>>
        %get3A_766 = arith.constant 0 : index
        %get3A_767 = tpu.vector_load %get3A_765[%get3A_766] {strides = array<i32>} : memref<64xf32, #tpu.memory_space<vmem>>, vector<16xf32>,
        %add3A_768 = arith.addf %add3A_716, %get3A_767 : vector<16xf32>
        %get3A_769 = arith.constant 0 : i32
        %get3A_770 = tpu.memref_slice %arg7[%scan3A_760, %get3A_769] : memref<200x64xf32, #tpu.memory_space<vmem>> -> memref<1x64xf32, #tpu.memory_space<vmem>>
        %get3A_771 = tpu.memref_squeeze %get3A_770 : memref<1x64xf32, #tpu.memory_space<vmem>> -> memref<64xf32, #tpu.memory_space<vmem>>
        %get3A_772 = arith.constant 16 : index
        %get3A_773 = tpu.vector_load %get3A_771[%get3A_772] {strides = array<i32>} : memref<64xf32, #tpu.memory_space<vmem>>, vector<16xf32>,
        %add3A_774 = arith.addf %add3A_722, %get3A_773 : vector<16xf32>
        %get3A_775 = arith.constant 0 : i32
        %get3A_776 = tpu.memref_slice %arg7[%scan3A_760, %get3A_775] : memref<200x64xf32, #tpu.memory_space<vmem>> -> memref<1x64xf32, #tpu.memory_space<vmem>>
        %get3A_777 = tpu.memref_squeeze %get3A_776 : memref<1x64xf32, #tpu.memory_space<vmem>> -> memref<64xf32, #tpu.memory_space<vmem>>
        %get3A_778 = arith.constant 32 : index
        %get3A_779 = tpu.vector_load %get3A_777[%get3A_778] {strides = array<i32>} : memref<64xf32, #tpu.memory_space<vmem>>, vector<16xf32>,
        %add3A_780 = arith.addf %add3A_728, %get3A_779 : vector<16xf32>
        %get3A_781 = arith.constant 0 : i32
        %get3A_782 = tpu.memref_slice %arg7[%scan3A_760, %get3A_781] : memref<200x64xf32, #tpu.memory_space<vmem>> -> memref<1x64xf32, #tpu.memory_space<vmem>>
        %get3A_783 = tpu.memref_squeeze %get3A_782 : memref<1x64xf32, #tpu.memory_space<vmem>> -> memref<64xf32, #tpu.memory_space<vmem>>
        %get3A_784 = arith.constant 48 : index
        %get3A_785 = tpu.vector_load %get3A_783[%get3A_784] {strides = array<i32>} : memref<64xf32, #tpu.memory_space<vmem>>, vector<16xf32>,
        %add3A_786 = arith.addf %add3A_734, %get3A_785 : vector<16xf32>
        %get3A_787 = arith.constant 0 : i32
        %get3A_788 = tpu.memref_slice %arg7[%add3A_762, %get3A_787] : memref<200x64xf32, #tpu.memory_space<vmem>> -> memref<1x64xf32, #tpu.memory_space<vmem>>
        %get3A_789 = tpu.memref_squeeze %get3A_788 : memref<1x64xf32, #tpu.memory_space<vmem>> -> memref<64xf32, #tpu.memory_space<vmem>>
        %get3A_790 = arith.constant 0 : index
        %get3A_791 = tpu.vector_load %get3A_789[%get3A_790] {strides = array<i32>} : memref<64xf32, #tpu.memory_space<vmem>>, vector<16xf32>,
        %add3A_792 = arith.addf %add3A_740, %get3A_791 : vector<16xf32>
        %get3A_793 = arith.constant 0 : i32
        %get3A_794 = tpu.memref_slice %arg7[%add3A_762, %get3A_793] : memref<200x64xf32, #tpu.memory_space<vmem>> -> memref<1x64xf32, #tpu.memory_space<vmem>>
        %get3A_795 = tpu.memref_squeeze %get3A_794 : memref<1x64xf32, #tpu.memory_space<vmem>> -> memref<64xf32, #tpu.memory_space<vmem>>
        %get3A_796 = arith.constant 16 : index
        %get3A_797 = tpu.vector_load %get3A_795[%get3A_796] {strides = array<i32>} : memref<64xf32, #tpu.memory_space<vmem>>, vector<16xf32>,
        %add3A_798 = arith.addf %add3A_746, %get3A_797 : vector<16xf32>
        %get3A_799 = arith.constant 0 : i32
        %get3A_800 = tpu.memref_slice %arg7[%add3A_762, %get3A_799] : memref<200x64xf32, #tpu.memory_space<vmem>> -> memref<1x64xf32, #tpu.memory_space<vmem>>
        %get3A_801 = tpu.memref_squeeze %get3A_800 : memref<1x64xf32, #tpu.memory_space<vmem>> -> memref<64xf32, #tpu.memory_space<vmem>>
        %get3A_802 = arith.constant 32 : index
        %get3A_803 = tpu.vector_load %get3A_801[%get3A_802] {strides = array<i32>} : memref<64xf32, #tpu.memory_space<vmem>>, vector<16xf32>,
        %add3A_804 = arith.addf %add3A_752, %get3A_803 : vector<16xf32>
        %get3A_805 = arith.constant 0 : i32
        %get3A_806 = tpu.memref_slice %arg7[%add3A_762, %get3A_805] : memref<200x64xf32, #tpu.memory_space<vmem>> -> memref<1x64xf32, #tpu.memory_space<vmem>>
        %get3A_807 = tpu.memref_squeeze %get3A_806 : memref<1x64xf32, #tpu.memory_space<vmem>> -> memref<64xf32, #tpu.memory_space<vmem>>
        %get3A_808 = arith.constant 48 : index
        %get3A_809 = tpu.vector_load %get3A_807[%get3A_808] {strides = array<i32>} : memref<64xf32, #tpu.memory_space<vmem>>, vector<16xf32>,
        %add3A_810 = arith.addf %add3A_758, %get3A_809 : vector<16xf32>
        %scan3A_811 = arith.constant 3 : i32
        %scan3A_812 = arith.addi %scan3A_648, %scan3A_811 : i32
        %add3A_813 = arith.constant 100 : i32
        %add3A_814 = arith.addi %scan3A_812, %add3A_813 : i32
        %get3A_815 = arith.constant 0 : i32
        %get3A_816 = tpu.memref_slice %arg7[%scan3A_812, %get3A_815] : memref<200x64xf32, #tpu.memory_space<vmem>> -> memref<1x64xf32, #tpu.memory_space<vmem>>
        %get3A_817 = tpu.memref_squeeze %get3A_816 : memref<1x64xf32, #tpu.memory_space<vmem>> -> memref<64xf32, #tpu.memory_space<vmem>>
        %get3A_818 = arith.constant 0 : index
        %get3A_819 = tpu.vector_load %get3A_817[%get3A_818] {strides = array<i32>} : memref<64xf32, #tpu.memory_space<vmem>>, vector<16xf32>,
        %add3A_820 = arith.addf %add3A_768, %get3A_819 : vector<16xf32>
        %get3A_821 = arith.constant 0 : i32
        %get3A_822 = tpu.memref_slice %arg7[%scan3A_812, %get3A_821] : memref<200x64xf32, #tpu.memory_space<vmem>> -> memref<1x64xf32, #tpu.memory_space<vmem>>
        %get3A_823 = tpu.memref_squeeze %get3A_822 : memref<1x64xf32, #tpu.memory_space<vmem>> -> memref<64xf32, #tpu.memory_space<vmem>>
        %get3A_824 = arith.constant 16 : index
        %get3A_825 = tpu.vector_load %get3A_823[%get3A_824] {strides = array<i32>} : memref<64xf32, #tpu.memory_space<vmem>>, vector<16xf32>,
        %add3A_826 = arith.addf %add3A_774, %get3A_825 : vector<16xf32>
        %get3A_827 = arith.constant 0 : i32
        %get3A_828 = tpu.memref_slice %arg7[%scan3A_812, %get3A_827] : memref<200x64xf32, #tpu.memory_space<vmem>> -> memref<1x64xf32, #tpu.memory_space<vmem>>
        %get3A_829 = tpu.memref_squeeze %get3A_828 : memref<1x64xf32, #tpu.memory_space<vmem>> -> memref<64xf32, #tpu.memory_space<vmem>>
        %get3A_830 = arith.constant 32 : index
        %get3A_831 = tpu.vector_load %get3A_829[%get3A_830] {strides = array<i32>} : memref<64xf32, #tpu.memory_space<vmem>>, vector<16xf32>,
        %add3A_832 = arith.addf %add3A_780, %get3A_831 : vector<16xf32>
        %get3A_833 = arith.constant 0 : i32
        %get3A_834 = tpu.memref_slice %arg7[%scan3A_812, %get3A_833] : memref<200x64xf32, #tpu.memory_space<vmem>> -> memref<1x64xf32, #tpu.memory_space<vmem>>
        %get3A_835 = tpu.memref_squeeze %get3A_834 : memref<1x64xf32, #tpu.memory_space<vmem>> -> memref<64xf32, #tpu.memory_space<vmem>>
        %get3A_836 = arith.constant 48 : index
        %get3A_837 = tpu.vector_load %get3A_835[%get3A_836] {strides = array<i32>} : memref<64xf32, #tpu.memory_space<vmem>>, vector<16xf32>,
        %add3A_838 = arith.addf %add3A_786, %get3A_837 : vector<16xf32>
        %get3A_839 = arith.constant 0 : i32
        %get3A_840 = tpu.memref_slice %arg7[%add3A_814, %get3A_839] : memref<200x64xf32, #tpu.memory_space<vmem>> -> memref<1x64xf32, #tpu.memory_space<vmem>>
        %get3A_841 = tpu.memref_squeeze %get3A_840 : memref<1x64xf32, #tpu.memory_space<vmem>> -> memref<64xf32, #tpu.memory_space<vmem>>
        %get3A_842 = arith.constant 0 : index
        %get3A_843 = tpu.vector_load %get3A_841[%get3A_842] {strides = array<i32>} : memref<64xf32, #tpu.memory_space<vmem>>, vector<16xf32>,
        %add3A_844 = arith.addf %add3A_792, %get3A_843 : vector<16xf32>
        %get3A_845 = arith.constant 0 : i32
        %get3A_846 = tpu.memref_slice %arg7[%add3A_814, %get3A_845] : memref<200x64xf32, #tpu.memory_space<vmem>> -> memref<1x64xf32, #tpu.memory_space<vmem>>
        %get3A_847 = tpu.memref_squeeze %get3A_846 : memref<1x64xf32, #tpu.memory_space<vmem>> -> memref<64xf32, #tpu.memory_space<vmem>>
        %get3A_848 = arith.constant 16 : index
        %get3A_849 = tpu.vector_load %get3A_847[%get3A_848] {strides = array<i32>} : memref<64xf32, #tpu.memory_space<vmem>>, vector<16xf32>,
        %add3A_850 = arith.addf %add3A_798, %get3A_849 : vector<16xf32>
        %get3A_851 = arith.constant 0 : i32
        %get3A_852 = tpu.memref_slice %arg7[%add3A_814, %get3A_851] : memref<200x64xf32, #tpu.memory_space<vmem>> -> memref<1x64xf32, #tpu.memory_space<vmem>>
        %get3A_853 = tpu.memref_squeeze %get3A_852 : memref<1x64xf32, #tpu.memory_space<vmem>> -> memref<64xf32, #tpu.memory_space<vmem>>
        %get3A_854 = arith.constant 32 : index
        %get3A_855 = tpu.vector_load %get3A_853[%get3A_854] {strides = array<i32>} : memref<64xf32, #tpu.memory_space<vmem>>, vector<16xf32>,
        %add3A_856 = arith.addf %add3A_804, %get3A_855 : vector<16xf32>
        %get3A_857 = arith.constant 0 : i32
        %get3A_858 = tpu.memref_slice %arg7[%add3A_814, %get3A_857] : memref<200x64xf32, #tpu.memory_space<vmem>> -> memref<1x64xf32, #tpu.memory_space<vmem>>
        %get3A_859 = tpu.memref_squeeze %get3A_858 : memref<1x64xf32, #tpu.memory_space<vmem>> -> memref<64xf32, #tpu.memory_space<vmem>>
        %get3A_860 = arith.constant 48 : index
        %get3A_861 = tpu.vector_load %get3A_859[%get3A_860] {strides = array<i32>} : memref<64xf32, #tpu.memory_space<vmem>>, vector<16xf32>,
        %add3A_862 = arith.addf %add3A_810, %get3A_861 : vector<16xf32>
        %scan3A_863 = arith.constant 4 : i32
        %scan3A_864 = arith.addi %scan3A_648, %scan3A_863 : i32
        %add3A_865 = arith.constant 100 : i32
        %add3A_866 = arith.addi %scan3A_864, %add3A_865 : i32
        %get3A_867 = arith.constant 0 : i32
        %get3A_868 = tpu.memref_slice %arg7[%scan3A_864, %get3A_867] : memref<200x64xf32, #tpu.memory_space<vmem>> -> memref<1x64xf32, #tpu.memory_space<vmem>>
        %get3A_869 = tpu.memref_squeeze %get3A_868 : memref<1x64xf32, #tpu.memory_space<vmem>> -> memref<64xf32, #tpu.memory_space<vmem>>
        %get3A_870 = arith.constant 0 : index
        %get3A_871 = tpu.vector_load %get3A_869[%get3A_870] {strides = array<i32>} : memref<64xf32, #tpu.memory_space<vmem>>, vector<16xf32>,
        %add3A_872 = arith.addf %add3A_820, %get3A_871 : vector<16xf32>
        %get3A_873 = arith.constant 0 : i32
        %get3A_874 = tpu.memref_slice %arg7[%scan3A_864, %get3A_873] : memref<200x64xf32, #tpu.memory_space<vmem>> -> memref<1x64xf32, #tpu.memory_space<vmem>>
        %get3A_875 = tpu.memref_squeeze %get3A_874 : memref<1x64xf32, #tpu.memory_space<vmem>> -> memref<64xf32, #tpu.memory_space<vmem>>
        %get3A_876 = arith.constant 16 : index
        %get3A_877 = tpu.vector_load %get3A_875[%get3A_876] {strides = array<i32>} : memref<64xf32, #tpu.memory_space<vmem>>, vector<16xf32>,
        %add3A_878 = arith.addf %add3A_826, %get3A_877 : vector<16xf32>
        %get3A_879 = arith.constant 0 : i32
        %get3A_880 = tpu.memref_slice %arg7[%scan3A_864, %get3A_879] : memref<200x64xf32, #tpu.memory_space<vmem>> -> memref<1x64xf32, #tpu.memory_space<vmem>>
        %get3A_881 = tpu.memref_squeeze %get3A_880 : memref<1x64xf32, #tpu.memory_space<vmem>> -> memref<64xf32, #tpu.memory_space<vmem>>
        %get3A_882 = arith.constant 32 : index
        %get3A_883 = tpu.vector_load %get3A_881[%get3A_882] {strides = array<i32>} : memref<64xf32, #tpu.memory_space<vmem>>, vector<16xf32>,
        %add3A_884 = arith.addf %add3A_832, %get3A_883 : vector<16xf32>
        %get3A_885 = arith.constant 0 : i32
        %get3A_886 = tpu.memref_slice %arg7[%scan3A_864, %get3A_885] : memref<200x64xf32, #tpu.memory_space<vmem>> -> memref<1x64xf32, #tpu.memory_space<vmem>>
        %get3A_887 = tpu.memref_squeeze %get3A_886 : memref<1x64xf32, #tpu.memory_space<vmem>> -> memref<64xf32, #tpu.memory_space<vmem>>
        %get3A_888 = arith.constant 48 : index
        %get3A_889 = tpu.vector_load %get3A_887[%get3A_888] {strides = array<i32>} : memref<64xf32, #tpu.memory_space<vmem>>, vector<16xf32>,
        %add3A_890 = arith.addf %add3A_838, %get3A_889 : vector<16xf32>
        %get3A_891 = arith.constant 0 : i32
        %get3A_892 = tpu.memref_slice %arg7[%add3A_866, %get3A_891] : memref<200x64xf32, #tpu.memory_space<vmem>> -> memref<1x64xf32, #tpu.memory_space<vmem>>
        %get3A_893 = tpu.memref_squeeze %get3A_892 : memref<1x64xf32, #tpu.memory_space<vmem>> -> memref<64xf32, #tpu.memory_space<vmem>>
        %get3A_894 = arith.constant 0 : index
        %get3A_895 = tpu.vector_load %get3A_893[%get3A_894] {strides = array<i32>} : memref<64xf32, #tpu.memory_space<vmem>>, vector<16xf32>,
        %add3A_896 = arith.addf %add3A_844, %get3A_895 : vector<16xf32>
        %get3A_897 = arith.constant 0 : i32
        %get3A_898 = tpu.memref_slice %arg7[%add3A_866, %get3A_897] : memref<200x64xf32, #tpu.memory_space<vmem>> -> memref<1x64xf32, #tpu.memory_space<vmem>>
        %get3A_899 = tpu.memref_squeeze %get3A_898 : memref<1x64xf32, #tpu.memory_space<vmem>> -> memref<64xf32, #tpu.memory_space<vmem>>
        %get3A_900 = arith.constant 16 : index
        %get3A_901 = tpu.vector_load %get3A_899[%get3A_900] {strides = array<i32>} : memref<64xf32, #tpu.memory_space<vmem>>, vector<16xf32>,
        %add3A_902 = arith.addf %add3A_850, %get3A_901 : vector<16xf32>
        %get3A_903 = arith.constant 0 : i32
        %get3A_904 = tpu.memref_slice %arg7[%add3A_866, %get3A_903] : memref<200x64xf32, #tpu.memory_space<vmem>> -> memref<1x64xf32, #tpu.memory_space<vmem>>
        %get3A_905 = tpu.memref_squeeze %get3A_904 : memref<1x64xf32, #tpu.memory_space<vmem>> -> memref<64xf32, #tpu.memory_space<vmem>>
        %get3A_906 = arith.constant 32 : index
        %get3A_907 = tpu.vector_load %get3A_905[%get3A_906] {strides = array<i32>} : memref<64xf32, #tpu.memory_space<vmem>>, vector<16xf32>,
        %add3A_908 = arith.addf %add3A_856, %get3A_907 : vector<16xf32>
        %get3A_909 = arith.constant 0 : i32
        %get3A_910 = tpu.memref_slice %arg7[%add3A_866, %get3A_909] : memref<200x64xf32, #tpu.memory_space<vmem>> -> memref<1x64xf32, #tpu.memory_space<vmem>>
        %get3A_911 = tpu.memref_squeeze %get3A_910 : memref<1x64xf32, #tpu.memory_space<vmem>> -> memref<64xf32, #tpu.memory_space<vmem>>
        %get3A_912 = arith.constant 48 : index
        %get3A_913 = tpu.vector_load %get3A_911[%get3A_912] {strides = array<i32>} : memref<64xf32, #tpu.memory_space<vmem>>, vector<16xf32>,
        %add3A_914 = arith.addf %add3A_862, %get3A_913 : vector<16xf32>
        %scan3A_915 = arith.constant 5 : i32
        %scan3A_916 = arith.addi %scan3A_648, %scan3A_915 : i32
        %add3A_917 = arith.constant 100 : i32
        %add3A_918 = arith.addi %scan3A_916, %add3A_917 : i32
        %get3A_919 = arith.constant 0 : i32
        %get3A_920 = tpu.memref_slice %arg7[%scan3A_916, %get3A_919] : memref<200x64xf32, #tpu.memory_space<vmem>> -> memref<1x64xf32, #tpu.memory_space<vmem>>
        %get3A_921 = tpu.memref_squeeze %get3A_920 : memref<1x64xf32, #tpu.memory_space<vmem>> -> memref<64xf32, #tpu.memory_space<vmem>>
        %get3A_922 = arith.constant 0 : index
        %get3A_923 = tpu.vector_load %get3A_921[%get3A_922] {strides = array<i32>} : memref<64xf32, #tpu.memory_space<vmem>>, vector<16xf32>,
        %add3A_924 = arith.addf %add3A_872, %get3A_923 : vector<16xf32>
        %get3A_925 = arith.constant 0 : i32
        %get3A_926 = tpu.memref_slice %arg7[%scan3A_916, %get3A_925] : memref<200x64xf32, #tpu.memory_space<vmem>> -> memref<1x64xf32, #tpu.memory_space<vmem>>
        %get3A_927 = tpu.memref_squeeze %get3A_926 : memref<1x64xf32, #tpu.memory_space<vmem>> -> memref<64xf32, #tpu.memory_space<vmem>>
        %get3A_928 = arith.constant 16 : index
        %get3A_929 = tpu.vector_load %get3A_927[%get3A_928] {strides = array<i32>} : memref<64xf32, #tpu.memory_space<vmem>>, vector<16xf32>,
        %add3A_930 = arith.addf %add3A_878, %get3A_929 : vector<16xf32>
        %get3A_931 = arith.constant 0 : i32
        %get3A_932 = tpu.memref_slice %arg7[%scan3A_916, %get3A_931] : memref<200x64xf32, #tpu.memory_space<vmem>> -> memref<1x64xf32, #tpu.memory_space<vmem>>
        %get3A_933 = tpu.memref_squeeze %get3A_932 : memref<1x64xf32, #tpu.memory_space<vmem>> -> memref<64xf32, #tpu.memory_space<vmem>>
        %get3A_934 = arith.constant 32 : index
        %get3A_935 = tpu.vector_load %get3A_933[%get3A_934] {strides = array<i32>} : memref<64xf32, #tpu.memory_space<vmem>>, vector<16xf32>,
        %add3A_936 = arith.addf %add3A_884, %get3A_935 : vector<16xf32>
        %get3A_937 = arith.constant 0 : i32
        %get3A_938 = tpu.memref_slice %arg7[%scan3A_916, %get3A_937] : memref<200x64xf32, #tpu.memory_space<vmem>> -> memref<1x64xf32, #tpu.memory_space<vmem>>
        %get3A_939 = tpu.memref_squeeze %get3A_938 : memref<1x64xf32, #tpu.memory_space<vmem>> -> memref<64xf32, #tpu.memory_space<vmem>>
        %get3A_940 = arith.constant 48 : index
        %get3A_941 = tpu.vector_load %get3A_939[%get3A_940] {strides = array<i32>} : memref<64xf32, #tpu.memory_space<vmem>>, vector<16xf32>,
        %add3A_942 = arith.addf %add3A_890, %get3A_941 : vector<16xf32>
        %get3A_943 = arith.constant 0 : i32
        %get3A_944 = tpu.memref_slice %arg7[%add3A_918, %get3A_943] : memref<200x64xf32, #tpu.memory_space<vmem>> -> memref<1x64xf32, #tpu.memory_space<vmem>>
        %get3A_945 = tpu.memref_squeeze %get3A_944 : memref<1x64xf32, #tpu.memory_space<vmem>> -> memref<64xf32, #tpu.memory_space<vmem>>
        %get3A_946 = arith.constant 0 : index
        %get3A_947 = tpu.vector_load %get3A_945[%get3A_946] {strides = array<i32>} : memref<64xf32, #tpu.memory_space<vmem>>, vector<16xf32>,
        %add3A_948 = arith.addf %add3A_896, %get3A_947 : vector<16xf32>
        %get3A_949 = arith.constant 0 : i32
        %get3A_950 = tpu.memref_slice %arg7[%add3A_918, %get3A_949] : memref<200x64xf32, #tpu.memory_space<vmem>> -> memref<1x64xf32, #tpu.memory_space<vmem>>
        %get3A_951 = tpu.memref_squeeze %get3A_950 : memref<1x64xf32, #tpu.memory_space<vmem>> -> memref<64xf32, #tpu.memory_space<vmem>>
        %get3A_952 = arith.constant 16 : index
        %get3A_953 = tpu.vector_load %get3A_951[%get3A_952] {strides = array<i32>} : memref<64xf32, #tpu.memory_space<vmem>>, vector<16xf32>,
        %add3A_954 = arith.addf %add3A_902, %get3A_953 : vector<16xf32>
        %get3A_955 = arith.constant 0 : i32
        %get3A_956 = tpu.memref_slice %arg7[%add3A_918, %get3A_955] : memref<200x64xf32, #tpu.memory_space<vmem>> -> memref<1x64xf32, #tpu.memory_space<vmem>>
        %get3A_957 = tpu.memref_squeeze %get3A_956 : memref<1x64xf32, #tpu.memory_space<vmem>> -> memref<64xf32, #tpu.memory_space<vmem>>
        %get3A_958 = arith.constant 32 : index
        %get3A_959 = tpu.vector_load %get3A_957[%get3A_958] {strides = array<i32>} : memref<64xf32, #tpu.memory_space<vmem>>, vector<16xf32>,
        %add3A_960 = arith.addf %add3A_908, %get3A_959 : vector<16xf32>
        %get3A_961 = arith.constant 0 : i32
        %get3A_962 = tpu.memref_slice %arg7[%add3A_918, %get3A_961] : memref<200x64xf32, #tpu.memory_space<vmem>> -> memref<1x64xf32, #tpu.memory_space<vmem>>
        %get3A_963 = tpu.memref_squeeze %get3A_962 : memref<1x64xf32, #tpu.memory_space<vmem>> -> memref<64xf32, #tpu.memory_space<vmem>>
        %get3A_964 = arith.constant 48 : index
        %get3A_965 = tpu.vector_load %get3A_963[%get3A_964] {strides = array<i32>} : memref<64xf32, #tpu.memory_space<vmem>>, vector<16xf32>,
        %add3A_966 = arith.addf %add3A_914, %get3A_965 : vector<16xf32>
        %scan3A_967 = arith.constant 6 : i32
        %scan3A_968 = arith.addi %scan3A_648, %scan3A_967 : i32
        %add3A_969 = arith.constant 100 : i32
        %add3A_970 = arith.addi %scan3A_968, %add3A_969 : i32
        %get3A_971 = arith.constant 0 : i32
        %get3A_972 = tpu.memref_slice %arg7[%scan3A_968, %get3A_971] : memref<200x64xf32, #tpu.memory_space<vmem>> -> memref<1x64xf32, #tpu.memory_space<vmem>>
        %get3A_973 = tpu.memref_squeeze %get3A_972 : memref<1x64xf32, #tpu.memory_space<vmem>> -> memref<64xf32, #tpu.memory_space<vmem>>
        %get3A_974 = arith.constant 0 : index
        %get3A_975 = tpu.vector_load %get3A_973[%get3A_974] {strides = array<i32>} : memref<64xf32, #tpu.memory_space<vmem>>, vector<16xf32>,
        %add3A_976 = arith.addf %add3A_924, %get3A_975 : vector<16xf32>
        %get3A_977 = arith.constant 0 : i32
        %get3A_978 = tpu.memref_slice %arg7[%scan3A_968, %get3A_977] : memref<200x64xf32, #tpu.memory_space<vmem>> -> memref<1x64xf32, #tpu.memory_space<vmem>>
        %get3A_979 = tpu.memref_squeeze %get3A_978 : memref<1x64xf32, #tpu.memory_space<vmem>> -> memref<64xf32, #tpu.memory_space<vmem>>
        %get3A_980 = arith.constant 16 : index
        %get3A_981 = tpu.vector_load %get3A_979[%get3A_980] {strides = array<i32>} : memref<64xf32, #tpu.memory_space<vmem>>, vector<16xf32>,
        %add3A_982 = arith.addf %add3A_930, %get3A_981 : vector<16xf32>
        %get3A_983 = arith.constant 0 : i32
        %get3A_984 = tpu.memref_slice %arg7[%scan3A_968, %get3A_983] : memref<200x64xf32, #tpu.memory_space<vmem>> -> memref<1x64xf32, #tpu.memory_space<vmem>>
        %get3A_985 = tpu.memref_squeeze %get3A_984 : memref<1x64xf32, #tpu.memory_space<vmem>> -> memref<64xf32, #tpu.memory_space<vmem>>
        %get3A_986 = arith.constant 32 : index
        %get3A_987 = tpu.vector_load %get3A_985[%get3A_986] {strides = array<i32>} : memref<64xf32, #tpu.memory_space<vmem>>, vector<16xf32>,
        %add3A_988 = arith.addf %add3A_936, %get3A_987 : vector<16xf32>
        %get3A_989 = arith.constant 0 : i32
        %get3A_990 = tpu.memref_slice %arg7[%scan3A_968, %get3A_989] : memref<200x64xf32, #tpu.memory_space<vmem>> -> memref<1x64xf32, #tpu.memory_space<vmem>>
        %get3A_991 = tpu.memref_squeeze %get3A_990 : memref<1x64xf32, #tpu.memory_space<vmem>> -> memref<64xf32, #tpu.memory_space<vmem>>
        %get3A_992 = arith.constant 48 : index
        %get3A_993 = tpu.vector_load %get3A_991[%get3A_992] {strides = array<i32>} : memref<64xf32, #tpu.memory_space<vmem>>, vector<16xf32>,
        %add3A_994 = arith.addf %add3A_942, %get3A_993 : vector<16xf32>
        %get3A_995 = arith.constant 0 : i32
        %get3A_996 = tpu.memref_slice %arg7[%add3A_970, %get3A_995] : memref<200x64xf32, #tpu.memory_space<vmem>> -> memref<1x64xf32, #tpu.memory_space<vmem>>
        %get3A_997 = tpu.memref_squeeze %get3A_996 : memref<1x64xf32, #tpu.memory_space<vmem>> -> memref<64xf32, #tpu.memory_space<vmem>>
        %get3A_998 = arith.constant 0 : index
        %get3A_999 = tpu.vector_load %get3A_997[%get3A_998] {strides = array<i32>} : memref<64xf32, #tpu.memory_space<vmem>>, vector<16xf32>,
        %add3A_1000 = arith.addf %add3A_948, %get3A_999 : vector<16xf32>
        %get3A_1001 = arith.constant 0 : i32
        %get3A_1002 = tpu.memref_slice %arg7[%add3A_970, %get3A_1001] : memref<200x64xf32, #tpu.memory_space<vmem>> -> memref<1x64xf32, #tpu.memory_space<vmem>>
        %get3A_1003 = tpu.memref_squeeze %get3A_1002 : memref<1x64xf32, #tpu.memory_space<vmem>> -> memref<64xf32, #tpu.memory_space<vmem>>
        %get3A_1004 = arith.constant 16 : index
        %get3A_1005 = tpu.vector_load %get3A_1003[%get3A_1004] {strides = array<i32>} : memref<64xf32, #tpu.memory_space<vmem>>, vector<16xf32>,
        %add3A_1006 = arith.addf %add3A_954, %get3A_1005 : vector<16xf32>
        %get3A_1007 = arith.constant 0 : i32
        %get3A_1008 = tpu.memref_slice %arg7[%add3A_970, %get3A_1007] : memref<200x64xf32, #tpu.memory_space<vmem>> -> memref<1x64xf32, #tpu.memory_space<vmem>>
        %get3A_1009 = tpu.memref_squeeze %get3A_1008 : memref<1x64xf32, #tpu.memory_space<vmem>> -> memref<64xf32, #tpu.memory_space<vmem>>
        %get3A_1010 = arith.constant 32 : index
        %get3A_1011 = tpu.vector_load %get3A_1009[%get3A_1010] {strides = array<i32>} : memref<64xf32, #tpu.memory_space<vmem>>, vector<16xf32>,
        %add3A_1012 = arith.addf %add3A_960, %get3A_1011 : vector<16xf32>
        %get3A_1013 = arith.constant 0 : i32
        %get3A_1014 = tpu.memref_slice %arg7[%add3A_970, %get3A_1013] : memref<200x64xf32, #tpu.memory_space<vmem>> -> memref<1x64xf32, #tpu.memory_space<vmem>>
        %get3A_1015 = tpu.memref_squeeze %get3A_1014 : memref<1x64xf32, #tpu.memory_space<vmem>> -> memref<64xf32, #tpu.memory_space<vmem>>
        %get3A_1016 = arith.constant 48 : index
        %get3A_1017 = tpu.vector_load %get3A_1015[%get3A_1016] {strides = array<i32>} : memref<64xf32, #tpu.memory_space<vmem>>, vector<16xf32>,
        %add3A_1018 = arith.addf %add3A_966, %get3A_1017 : vector<16xf32>
        %scan3A_1019 = arith.constant 7 : i32
        %scan3A_1020 = arith.addi %scan3A_648, %scan3A_1019 : i32
        %add3A_1021 = arith.constant 100 : i32
        %add3A_1022 = arith.addi %scan3A_1020, %add3A_1021 : i32
        %get3A_1023 = arith.constant 0 : i32
        %get3A_1024 = tpu.memref_slice %arg7[%scan3A_1020, %get3A_1023] : memref<200x64xf32, #tpu.memory_space<vmem>> -> memref<1x64xf32, #tpu.memory_space<vmem>>
        %get3A_1025 = tpu.memref_squeeze %get3A_1024 : memref<1x64xf32, #tpu.memory_space<vmem>> -> memref<64xf32, #tpu.memory_space<vmem>>
        %get3A_1026 = arith.constant 0 : index
        %get3A_1027 = tpu.vector_load %get3A_1025[%get3A_1026] {strides = array<i32>} : memref<64xf32, #tpu.memory_space<vmem>>, vector<16xf32>,
        %add3A_1028 = arith.addf %add3A_976, %get3A_1027 : vector<16xf32>
        %get3A_1029 = arith.constant 0 : i32
        %get3A_1030 = tpu.memref_slice %arg7[%scan3A_1020, %get3A_1029] : memref<200x64xf32, #tpu.memory_space<vmem>> -> memref<1x64xf32, #tpu.memory_space<vmem>>
        %get3A_1031 = tpu.memref_squeeze %get3A_1030 : memref<1x64xf32, #tpu.memory_space<vmem>> -> memref<64xf32, #tpu.memory_space<vmem>>
        %get3A_1032 = arith.constant 16 : index
        %get3A_1033 = tpu.vector_load %get3A_1031[%get3A_1032] {strides = array<i32>} : memref<64xf32, #tpu.memory_space<vmem>>, vector<16xf32>,
        %add3A_1034 = arith.addf %add3A_982, %get3A_1033 : vector<16xf32>
        %get3A_1035 = arith.constant 0 : i32
        %get3A_1036 = tpu.memref_slice %arg7[%scan3A_1020, %get3A_1035] : memref<200x64xf32, #tpu.memory_space<vmem>> -> memref<1x64xf32, #tpu.memory_space<vmem>>
        %get3A_1037 = tpu.memref_squeeze %get3A_1036 : memref<1x64xf32, #tpu.memory_space<vmem>> -> memref<64xf32, #tpu.memory_space<vmem>>
        %get3A_1038 = arith.constant 32 : index
        %get3A_1039 = tpu.vector_load %get3A_1037[%get3A_1038] {strides = array<i32>} : memref<64xf32, #tpu.memory_space<vmem>>, vector<16xf32>,
        %add3A_1040 = arith.addf %add3A_988, %get3A_1039 : vector<16xf32>
        %get3A_1041 = arith.constant 0 : i32
        %get3A_1042 = tpu.memref_slice %arg7[%scan3A_1020, %get3A_1041] : memref<200x64xf32, #tpu.memory_space<vmem>> -> memref<1x64xf32, #tpu.memory_space<vmem>>
        %get3A_1043 = tpu.memref_squeeze %get3A_1042 : memref<1x64xf32, #tpu.memory_space<vmem>> -> memref<64xf32, #tpu.memory_space<vmem>>
        %get3A_1044 = arith.constant 48 : index
        %get3A_1045 = tpu.vector_load %get3A_1043[%get3A_1044] {strides = array<i32>} : memref<64xf32, #tpu.memory_space<vmem>>, vector<16xf32>,
        %add3A_1046 = arith.addf %add3A_994, %get3A_1045 : vector<16xf32>
        %get3A_1047 = arith.constant 0 : i32
        %get3A_1048 = tpu.memref_slice %arg7[%add3A_1022, %get3A_1047] : memref<200x64xf32, #tpu.memory_space<vmem>> -> memref<1x64xf32, #tpu.memory_space<vmem>>
        %get3A_1049 = tpu.memref_squeeze %get3A_1048 : memref<1x64xf32, #tpu.memory_space<vmem>> -> memref<64xf32, #tpu.memory_space<vmem>>
        %get3A_1050 = arith.constant 0 : index
        %get3A_1051 = tpu.vector_load %get3A_1049[%get3A_1050] {strides = array<i32>} : memref<64xf32, #tpu.memory_space<vmem>>, vector<16xf32>,
        %add3A_1052 = arith.addf %add3A_1000, %get3A_1051 : vector<16xf32>
        %get3A_1053 = arith.constant 0 : i32
        %get3A_1054 = tpu.memref_slice %arg7[%add3A_1022, %get3A_1053] : memref<200x64xf32, #tpu.memory_space<vmem>> -> memref<1x64xf32, #tpu.memory_space<vmem>>
        %get3A_1055 = tpu.memref_squeeze %get3A_1054 : memref<1x64xf32, #tpu.memory_space<vmem>> -> memref<64xf32, #tpu.memory_space<vmem>>
        %get3A_1056 = arith.constant 16 : index
        %get3A_1057 = tpu.vector_load %get3A_1055[%get3A_1056] {strides = array<i32>} : memref<64xf32, #tpu.memory_space<vmem>>, vector<16xf32>,
        %add3A_1058 = arith.addf %add3A_1006, %get3A_1057 : vector<16xf32>
        %get3A_1059 = arith.constant 0 : i32
        %get3A_1060 = tpu.memref_slice %arg7[%add3A_1022, %get3A_1059] : memref<200x64xf32, #tpu.memory_space<vmem>> -> memref<1x64xf32, #tpu.memory_space<vmem>>
        %get3A_1061 = tpu.memref_squeeze %get3A_1060 : memref<1x64xf32, #tpu.memory_space<vmem>> -> memref<64xf32, #tpu.memory_space<vmem>>
        %get3A_1062 = arith.constant 32 : index
        %get3A_1063 = tpu.vector_load %get3A_1061[%get3A_1062] {strides = array<i32>} : memref<64xf32, #tpu.memory_space<vmem>>, vector<16xf32>,
        %add3A_1064 = arith.addf %add3A_1012, %get3A_1063 : vector<16xf32>
        %get3A_1065 = arith.constant 0 : i32
        %get3A_1066 = tpu.memref_slice %arg7[%add3A_1022, %get3A_1065] : memref<200x64xf32, #tpu.memory_space<vmem>> -> memref<1x64xf32, #tpu.memory_space<vmem>>
        %get3A_1067 = tpu.memref_squeeze %get3A_1066 : memref<1x64xf32, #tpu.memory_space<vmem>> -> memref<64xf32, #tpu.memory_space<vmem>>
        %get3A_1068 = arith.constant 48 : index
        %get3A_1069 = tpu.vector_load %get3A_1067[%get3A_1068] {strides = array<i32>} : memref<64xf32, #tpu.memory_space<vmem>>, vector<16xf32>,
        %add3A_1070 = arith.addf %add3A_1018, %get3A_1069 : vector<16xf32>
        scf.yield %add3A_1028, %add3A_1034, %add3A_1040, %add3A_1046, %add3A_1052, %add3A_1058, %add3A_1064, %add3A_1070 : vector<16xf32>, vector<16xf32>, vector<16xf32>, vector<16xf32>, vector<16xf32>, vector<16xf32>, vector<16xf32>, vector<16xf32>
      }
      %scan3A_76 = arith.constant 96 : i32
      %scan3A_77 = arith.addi %scan3A_71, %scan3A_76 : i32
      %add3A_78 = arith.constant 100 : i32
      %add3A_79 = arith.addi %scan3A_77, %add3A_78 : i32
      %get3A_80 = arith.constant 0 : i32
      %get3A_81 = tpu.memref_slice %arg7[%scan3A_77, %get3A_80] : memref<200x64xf32, #tpu.memory_space<vmem>> -> memref<1x64xf32, #tpu.memory_space<vmem>>
      %get3A_82 = tpu.memref_squeeze %get3A_81 : memref<1x64xf32, #tpu.memory_space<vmem>> -> memref<64xf32, #tpu.memory_space<vmem>>
      %get3A_83 = arith.constant 0 : index
      %get3A_84 = tpu.vector_load %get3A_82[%get3A_83] {strides = array<i32>} : memref<64xf32, #tpu.memory_space<vmem>>, vector<16xf32>,
      %add3A_85 = arith.addf %scan3A_75#0, %get3A_84 : vector<16xf32>
      %get3A_86 = arith.constant 0 : i32
      %get3A_87 = tpu.memref_slice %arg7[%scan3A_77, %get3A_86] : memref<200x64xf32, #tpu.memory_space<vmem>> -> memref<1x64xf32, #tpu.memory_space<vmem>>
      %get3A_88 = tpu.memref_squeeze %get3A_87 : memref<1x64xf32, #tpu.memory_space<vmem>> -> memref<64xf32, #tpu.memory_space<vmem>>
      %get3A_89 = arith.constant 16 : index
      %get3A_90 = tpu.vector_load %get3A_88[%get3A_89] {strides = array<i32>} : memref<64xf32, #tpu.memory_space<vmem>>, vector<16xf32>,
      %add3A_91 = arith.addf %scan3A_75#1, %get3A_90 : vector<16xf32>
      %get3A_92 = arith.constant 0 : i32
      %get3A_93 = tpu.memref_slice %arg7[%scan3A_77, %get3A_92] : memref<200x64xf32, #tpu.memory_space<vmem>> -> memref<1x64xf32, #tpu.memory_space<vmem>>
      %get3A_94 = tpu.memref_squeeze %get3A_93 : memref<1x64xf32, #tpu.memory_space<vmem>> -> memref<64xf32, #tpu.memory_space<vmem>>
      %get3A_95 = arith.constant 32 : index
      %get3A_96 = tpu.vector_load %get3A_94[%get3A_95] {strides = array<i32>} : memref<64xf32, #tpu.memory_space<vmem>>, vector<16xf32>,
      %add3A_97 = arith.addf %scan3A_75#2, %get3A_96 : vector<16xf32>
      %get3A_98 = arith.constant 0 : i32
      %get3A_99 = tpu.memref_slice %arg7[%scan3A_77, %get3A_98] : memref<200x64xf32, #tpu.memory_space<vmem>> -> memref<1x64xf32, #tpu.memory_space<vmem>>
      %get3A_100 = tpu.memref_squeeze %get3A_99 : memref<1x64xf32, #tpu.memory_space<vmem>> -> memref<64xf32, #tpu.memory_space<vmem>>
      %get3A_101 = arith.constant 48 : index
      %get3A_102 = tpu.vector_load %get3A_100[%get3A_101] {strides = array<i32>} : memref<64xf32, #tpu.memory_space<vmem>>, vector<16xf32>,
      %add3A_103 = arith.addf %scan3A_75#3, %get3A_102 : vector<16xf32>
      %get3A_104 = arith.constant 0 : i32
      %get3A_105 = tpu.memref_slice %arg7[%add3A_79, %get3A_104] : memref<200x64xf32, #tpu.memory_space<vmem>> -> memref<1x64xf32, #tpu.memory_space<vmem>>
      %get3A_106 = tpu.memref_squeeze %get3A_105 : memref<1x64xf32, #tpu.memory_space<vmem>> -> memref<64xf32, #tpu.memory_space<vmem>>
      %get3A_107 = arith.constant 0 : index
      %get3A_108 = tpu.vector_load %get3A_106[%get3A_107] {strides = array<i32>} : memref<64xf32, #tpu.memory_space<vmem>>, vector<16xf32>,
      %add3A_109 = arith.addf %scan3A_75#4, %get3A_108 : vector<16xf32>
      %get3A_110 = arith.constant 0 : i32
      %get3A_111 = tpu.memref_slice %arg7[%add3A_79, %get3A_110] : memref<200x64xf32, #tpu.memory_space<vmem>> -> memref<1x64xf32, #tpu.memory_space<vmem>>
      %get3A_112 = tpu.memref_squeeze %get3A_111 : memref<1x64xf32, #tpu.memory_space<vmem>> -> memref<64xf32, #tpu.memory_space<vmem>>
      %get3A_113 = arith.constant 16 : index
      %get3A_114 = tpu.vector_load %get3A_112[%get3A_113] {strides = array<i32>} : memref<64xf32, #tpu.memory_space<vmem>>, vector<16xf32>,
      %add3A_115 = arith.addf %scan3A_75#5, %get3A_114 : vector<16xf32>
      %get3A_116 = arith.constant 0 : i32
      %get3A_117 = tpu.memref_slice %arg7[%add3A_79, %get3A_116] : memref<200x64xf32, #tpu.memory_space<vmem>> -> memref<1x64xf32, #tpu.memory_space<vmem>>
      %get3A_118 = tpu.memref_squeeze %get3A_117 : memref<1x64xf32, #tpu.memory_space<vmem>> -> memref<64xf32, #tpu.memory_space<vmem>>
      %get3A_119 = arith.constant 32 : index
      %get3A_120 = tpu.vector_load %get3A_118[%get3A_119] {strides = array<i32>} : memref<64xf32, #tpu.memory_space<vmem>>, vector<16xf32>,
      %add3A_121 = arith.addf %scan3A_75#6, %get3A_120 : vector<16xf32>
      %get3A_122 = arith.constant 0 : i32
      %get3A_123 = tpu.memref_slice %arg7[%add3A_79, %get3A_122] : memref<200x64xf32, #tpu.memory_space<vmem>> -> memref<1x64xf32, #tpu.memory_space<vmem>>
      %get3A_124 = tpu.memref_squeeze %get3A_123 : memref<1x64xf32, #tpu.memory_space<vmem>> -> memref<64xf32, #tpu.memory_space<vmem>>
      %get3A_125 = arith.constant 48 : index
      %get3A_126 = tpu.vector_load %get3A_124[%get3A_125] {strides = array<i32>} : memref<64xf32, #tpu.memory_space<vmem>>, vector<16xf32>,
      %add3A_127 = arith.addf %scan3A_75#7, %get3A_126 : vector<16xf32>
      %scan3A_128 = arith.constant 97 : i32
      %scan3A_129 = arith.addi %scan3A_71, %scan3A_128 : i32
      %add3A_130 = arith.constant 100 : i32
      %add3A_131 = arith.addi %scan3A_129, %add3A_130 : i32
      %get3A_132 = arith.constant 0 : i32
      %get3A_133 = tpu.memref_slice %arg7[%scan3A_129, %get3A_132] : memref<200x64xf32, #tpu.memory_space<vmem>> -> memref<1x64xf32, #tpu.memory_space<vmem>>
      %get3A_134 = tpu.memref_squeeze %get3A_133 : memref<1x64xf32, #tpu.memory_space<vmem>> -> memref<64xf32, #tpu.memory_space<vmem>>
      %get3A_135 = arith.constant 0 : index
      %get3A_136 = tpu.vector_load %get3A_134[%get3A_135] {strides = array<i32>} : memref<64xf32, #tpu.memory_space<vmem>>, vector<16xf32>,
      %add3A_137 = arith.addf %add3A_85, %get3A_136 : vector<16xf32>
      %get3A_138 = arith.constant 0 : i32
      %get3A_139 = tpu.memref_slice %arg7[%scan3A_129, %get3A_138] : memref<200x64xf32, #tpu.memory_space<vmem>> -> memref<1x64xf32, #tpu.memory_space<vmem>>
      %get3A_140 = tpu.memref_squeeze %get3A_139 : memref<1x64xf32, #tpu.memory_space<vmem>> -> memref<64xf32, #tpu.memory_space<vmem>>
      %get3A_141 = arith.constant 16 : index
      %get3A_142 = tpu.vector_load %get3A_140[%get3A_141] {strides = array<i32>} : memref<64xf32, #tpu.memory_space<vmem>>, vector<16xf32>,
      %add3A_143 = arith.addf %add3A_91, %get3A_142 : vector<16xf32>
      %get3A_144 = arith.constant 0 : i32
      %get3A_145 = tpu.memref_slice %arg7[%scan3A_129, %get3A_144] : memref<200x64xf32, #tpu.memory_space<vmem>> -> memref<1x64xf32, #tpu.memory_space<vmem>>
      %get3A_146 = tpu.memref_squeeze %get3A_145 : memref<1x64xf32, #tpu.memory_space<vmem>> -> memref<64xf32, #tpu.memory_space<vmem>>
      %get3A_147 = arith.constant 32 : index
      %get3A_148 = tpu.vector_load %get3A_146[%get3A_147] {strides = array<i32>} : memref<64xf32, #tpu.memory_space<vmem>>, vector<16xf32>,
      %add3A_149 = arith.addf %add3A_97, %get3A_148 : vector<16xf32>
      %get3A_150 = arith.constant 0 : i32
      %get3A_151 = tpu.memref_slice %arg7[%scan3A_129, %get3A_150] : memref<200x64xf32, #tpu.memory_space<vmem>> -> memref<1x64xf32, #tpu.memory_space<vmem>>
      %get3A_152 = tpu.memref_squeeze %get3A_151 : memref<1x64xf32, #tpu.memory_space<vmem>> -> memref<64xf32, #tpu.memory_space<vmem>>
      %get3A_153 = arith.constant 48 : index
      %get3A_154 = tpu.vector_load %get3A_152[%get3A_153] {strides = array<i32>} : memref<64xf32, #tpu.memory_space<vmem>>, vector<16xf32>,
      %add3A_155 = arith.addf %add3A_103, %get3A_154 : vector<16xf32>
      %get3A_156 = arith.constant 0 : i32
      %get3A_157 = tpu.memref_slice %arg7[%add3A_131, %get3A_156] : memref<200x64xf32, #tpu.memory_space<vmem>> -> memref<1x64xf32, #tpu.memory_space<vmem>>
      %get3A_158 = tpu.memref_squeeze %get3A_157 : memref<1x64xf32, #tpu.memory_space<vmem>> -> memref<64xf32, #tpu.memory_space<vmem>>
      %get3A_159 = arith.constant 0 : index
      %get3A_160 = tpu.vector_load %get3A_158[%get3A_159] {strides = array<i32>} : memref<64xf32, #tpu.memory_space<vmem>>, vector<16xf32>,
      %add3A_161 = arith.addf %add3A_109, %get3A_160 : vector<16xf32>
      %get3A_162 = arith.constant 0 : i32
      %get3A_163 = tpu.memref_slice %arg7[%add3A_131, %get3A_162] : memref<200x64xf32, #tpu.memory_space<vmem>> -> memref<1x64xf32, #tpu.memory_space<vmem>>
      %get3A_164 = tpu.memref_squeeze %get3A_163 : memref<1x64xf32, #tpu.memory_space<vmem>> -> memref<64xf32, #tpu.memory_space<vmem>>
      %get3A_165 = arith.constant 16 : index
      %get3A_166 = tpu.vector_load %get3A_164[%get3A_165] {strides = array<i32>} : memref<64xf32, #tpu.memory_space<vmem>>, vector<16xf32>,
      %add3A_167 = arith.addf %add3A_115, %get3A_166 : vector<16xf32>
      %get3A_168 = arith.constant 0 : i32
      %get3A_169 = tpu.memref_slice %arg7[%add3A_131, %get3A_168] : memref<200x64xf32, #tpu.memory_space<vmem>> -> memref<1x64xf32, #tpu.memory_space<vmem>>
      %get3A_170 = tpu.memref_squeeze %get3A_169 : memref<1x64xf32, #tpu.memory_space<vmem>> -> memref<64xf32, #tpu.memory_space<vmem>>
      %get3A_171 = arith.constant 32 : index
      %get3A_172 = tpu.vector_load %get3A_170[%get3A_171] {strides = array<i32>} : memref<64xf32, #tpu.memory_space<vmem>>, vector<16xf32>,
      %add3A_173 = arith.addf %add3A_121, %get3A_172 : vector<16xf32>
      %get3A_174 = arith.constant 0 : i32
      %get3A_175 = tpu.memref_slice %arg7[%add3A_131, %get3A_174] : memref<200x64xf32, #tpu.memory_space<vmem>> -> memref<1x64xf32, #tpu.memory_space<vmem>>
      %get3A_176 = tpu.memref_squeeze %get3A_175 : memref<1x64xf32, #tpu.memory_space<vmem>> -> memref<64xf32, #tpu.memory_space<vmem>>
      %get3A_177 = arith.constant 48 : index
      %get3A_178 = tpu.vector_load %get3A_176[%get3A_177] {strides = array<i32>} : memref<64xf32, #tpu.memory_space<vmem>>, vector<16xf32>,
      %add3A_179 = arith.addf %add3A_127, %get3A_178 : vector<16xf32>
      %scan3A_180 = arith.constant 98 : i32
      %scan3A_181 = arith.addi %scan3A_71, %scan3A_180 : i32
      %add3A_182 = arith.constant 100 : i32
      %add3A_183 = arith.addi %scan3A_181, %add3A_182 : i32
      %get3A_184 = arith.constant 0 : i32
      %get3A_185 = tpu.memref_slice %arg7[%scan3A_181, %get3A_184] : memref<200x64xf32, #tpu.memory_space<vmem>> -> memref<1x64xf32, #tpu.memory_space<vmem>>
      %get3A_186 = tpu.memref_squeeze %get3A_185 : memref<1x64xf32, #tpu.memory_space<vmem>> -> memref<64xf32, #tpu.memory_space<vmem>>
      %get3A_187 = arith.constant 0 : index
      %get3A_188 = tpu.vector_load %get3A_186[%get3A_187] {strides = array<i32>} : memref<64xf32, #tpu.memory_space<vmem>>, vector<16xf32>,
      %add3A_189 = arith.addf %add3A_137, %get3A_188 : vector<16xf32>
      %get3A_190 = arith.constant 0 : i32
      %get3A_191 = tpu.memref_slice %arg7[%scan3A_181, %get3A_190] : memref<200x64xf32, #tpu.memory_space<vmem>> -> memref<1x64xf32, #tpu.memory_space<vmem>>
      %get3A_192 = tpu.memref_squeeze %get3A_191 : memref<1x64xf32, #tpu.memory_space<vmem>> -> memref<64xf32, #tpu.memory_space<vmem>>
      %get3A_193 = arith.constant 16 : index
      %get3A_194 = tpu.vector_load %get3A_192[%get3A_193] {strides = array<i32>} : memref<64xf32, #tpu.memory_space<vmem>>, vector<16xf32>,
      %add3A_195 = arith.addf %add3A_143, %get3A_194 : vector<16xf32>
      %get3A_196 = arith.constant 0 : i32
      %get3A_197 = tpu.memref_slice %arg7[%scan3A_181, %get3A_196] : memref<200x64xf32, #tpu.memory_space<vmem>> -> memref<1x64xf32, #tpu.memory_space<vmem>>
      %get3A_198 = tpu.memref_squeeze %get3A_197 : memref<1x64xf32, #tpu.memory_space<vmem>> -> memref<64xf32, #tpu.memory_space<vmem>>
      %get3A_199 = arith.constant 32 : index
      %get3A_200 = tpu.vector_load %get3A_198[%get3A_199] {strides = array<i32>} : memref<64xf32, #tpu.memory_space<vmem>>, vector<16xf32>,
      %add3A_201 = arith.addf %add3A_149, %get3A_200 : vector<16xf32>
      %get3A_202 = arith.constant 0 : i32
      %get3A_203 = tpu.memref_slice %arg7[%scan3A_181, %get3A_202] : memref<200x64xf32, #tpu.memory_space<vmem>> -> memref<1x64xf32, #tpu.memory_space<vmem>>
      %get3A_204 = tpu.memref_squeeze %get3A_203 : memref<1x64xf32, #tpu.memory_space<vmem>> -> memref<64xf32, #tpu.memory_space<vmem>>
      %get3A_205 = arith.constant 48 : index
      %get3A_206 = tpu.vector_load %get3A_204[%get3A_205] {strides = array<i32>} : memref<64xf32, #tpu.memory_space<vmem>>, vector<16xf32>,
      %add3A_207 = arith.addf %add3A_155, %get3A_206 : vector<16xf32>
      %get3A_208 = arith.constant 0 : i32
      %get3A_209 = tpu.memref_slice %arg7[%add3A_183, %get3A_208] : memref<200x64xf32, #tpu.memory_space<vmem>> -> memref<1x64xf32, #tpu.memory_space<vmem>>
      %get3A_210 = tpu.memref_squeeze %get3A_209 : memref<1x64xf32, #tpu.memory_space<vmem>> -> memref<64xf32, #tpu.memory_space<vmem>>
      %get3A_211 = arith.constant 0 : index
      %get3A_212 = tpu.vector_load %get3A_210[%get3A_211] {strides = array<i32>} : memref<64xf32, #tpu.memory_space<vmem>>, vector<16xf32>,
      %add3A_213 = arith.addf %add3A_161, %get3A_212 : vector<16xf32>
      %get3A_214 = arith.constant 0 : i32
      %get3A_215 = tpu.memref_slice %arg7[%add3A_183, %get3A_214] : memref<200x64xf32, #tpu.memory_space<vmem>> -> memref<1x64xf32, #tpu.memory_space<vmem>>
      %get3A_216 = tpu.memref_squeeze %get3A_215 : memref<1x64xf32, #tpu.memory_space<vmem>> -> memref<64xf32, #tpu.memory_space<vmem>>
      %get3A_217 = arith.constant 16 : index
      %get3A_218 = tpu.vector_load %get3A_216[%get3A_217] {strides = array<i32>} : memref<64xf32, #tpu.memory_space<vmem>>, vector<16xf32>,
      %add3A_219 = arith.addf %add3A_167, %get3A_218 : vector<16xf32>
      %get3A_220 = arith.constant 0 : i32
      %get3A_221 = tpu.memref_slice %arg7[%add3A_183, %get3A_220] : memref<200x64xf32, #tpu.memory_space<vmem>> -> memref<1x64xf32, #tpu.memory_space<vmem>>
      %get3A_222 = tpu.memref_squeeze %get3A_221 : memref<1x64xf32, #tpu.memory_space<vmem>> -> memref<64xf32, #tpu.memory_space<vmem>>
      %get3A_223 = arith.constant 32 : index
      %get3A_224 = tpu.vector_load %get3A_222[%get3A_223] {strides = array<i32>} : memref<64xf32, #tpu.memory_space<vmem>>, vector<16xf32>,
      %add3A_225 = arith.addf %add3A_173, %get3A_224 : vector<16xf32>
      %get3A_226 = arith.constant 0 : i32
      %get3A_227 = tpu.memref_slice %arg7[%add3A_183, %get3A_226] : memref<200x64xf32, #tpu.memory_space<vmem>> -> memref<1x64xf32, #tpu.memory_space<vmem>>
      %get3A_228 = tpu.memref_squeeze %get3A_227 : memref<1x64xf32, #tpu.memory_space<vmem>> -> memref<64xf32, #tpu.memory_space<vmem>>
      %get3A_229 = arith.constant 48 : index
      %get3A_230 = tpu.vector_load %get3A_228[%get3A_229] {strides = array<i32>} : memref<64xf32, #tpu.memory_space<vmem>>, vector<16xf32>,
      %add3A_231 = arith.addf %add3A_179, %get3A_230 : vector<16xf32>
      %scan3A_232 = arith.constant 99 : i32
      %scan3A_233 = arith.addi %scan3A_71, %scan3A_232 : i32
      %add3A_234 = arith.constant 100 : i32
      %add3A_235 = arith.addi %scan3A_233, %add3A_234 : i32
      %get3A_236 = arith.constant 0 : i32
      %get3A_237 = tpu.memref_slice %arg7[%scan3A_233, %get3A_236] : memref<200x64xf32, #tpu.memory_space<vmem>> -> memref<1x64xf32, #tpu.memory_space<vmem>>
      %get3A_238 = tpu.memref_squeeze %get3A_237 : memref<1x64xf32, #tpu.memory_space<vmem>> -> memref<64xf32, #tpu.memory_space<vmem>>
      %get3A_239 = arith.constant 0 : index
      %get3A_240 = tpu.vector_load %get3A_238[%get3A_239] {strides = array<i32>} : memref<64xf32, #tpu.memory_space<vmem>>, vector<16xf32>,
      %add3A_241 = arith.addf %add3A_189, %get3A_240 : vector<16xf32>
      %get3A_242 = arith.constant 0 : i32
      %get3A_243 = tpu.memref_slice %arg7[%scan3A_233, %get3A_242] : memref<200x64xf32, #tpu.memory_space<vmem>> -> memref<1x64xf32, #tpu.memory_space<vmem>>
      %get3A_244 = tpu.memref_squeeze %get3A_243 : memref<1x64xf32, #tpu.memory_space<vmem>> -> memref<64xf32, #tpu.memory_space<vmem>>
      %get3A_245 = arith.constant 16 : index
      %get3A_246 = tpu.vector_load %get3A_244[%get3A_245] {strides = array<i32>} : memref<64xf32, #tpu.memory_space<vmem>>, vector<16xf32>,
      %add3A_247 = arith.addf %add3A_195, %get3A_246 : vector<16xf32>
      %get3A_248 = arith.constant 0 : i32
      %get3A_249 = tpu.memref_slice %arg7[%scan3A_233, %get3A_248] : memref<200x64xf32, #tpu.memory_space<vmem>> -> memref<1x64xf32, #tpu.memory_space<vmem>>
      %get3A_250 = tpu.memref_squeeze %get3A_249 : memref<1x64xf32, #tpu.memory_space<vmem>> -> memref<64xf32, #tpu.memory_space<vmem>>
      %get3A_251 = arith.constant 32 : index
      %get3A_252 = tpu.vector_load %get3A_250[%get3A_251] {strides = array<i32>} : memref<64xf32, #tpu.memory_space<vmem>>, vector<16xf32>,
      %add3A_253 = arith.addf %add3A_201, %get3A_252 : vector<16xf32>
      %get3A_254 = arith.constant 0 : i32
      %get3A_255 = tpu.memref_slice %arg7[%scan3A_233, %get3A_254] : memref<200x64xf32, #tpu.memory_space<vmem>> -> memref<1x64xf32, #tpu.memory_space<vmem>>
      %get3A_256 = tpu.memref_squeeze %get3A_255 : memref<1x64xf32, #tpu.memory_space<vmem>> -> memref<64xf32, #tpu.memory_space<vmem>>
      %get3A_257 = arith.constant 48 : index
      %get3A_258 = tpu.vector_load %get3A_256[%get3A_257] {strides = array<i32>} : memref<64xf32, #tpu.memory_space<vmem>>, vector<16xf32>,
      %add3A_259 = arith.addf %add3A_207, %get3A_258 : vector<16xf32>
      %get3A_260 = arith.constant 0 : i32
      %get3A_261 = tpu.memref_slice %arg7[%add3A_235, %get3A_260] : memref<200x64xf32, #tpu.memory_space<vmem>> -> memref<1x64xf32, #tpu.memory_space<vmem>>
      %get3A_262 = tpu.memref_squeeze %get3A_261 : memref<1x64xf32, #tpu.memory_space<vmem>> -> memref<64xf32, #tpu.memory_space<vmem>>
      %get3A_263 = arith.constant 0 : index
      %get3A_264 = tpu.vector_load %get3A_262[%get3A_263] {strides = array<i32>} : memref<64xf32, #tpu.memory_space<vmem>>, vector<16xf32>,
      %add3A_265 = arith.addf %add3A_213, %get3A_264 : vector<16xf32>
      %get3A_266 = arith.constant 0 : i32
      %get3A_267 = tpu.memref_slice %arg7[%add3A_235, %get3A_266] : memref<200x64xf32, #tpu.memory_space<vmem>> -> memref<1x64xf32, #tpu.memory_space<vmem>>
      %get3A_268 = tpu.memref_squeeze %get3A_267 : memref<1x64xf32, #tpu.memory_space<vmem>> -> memref<64xf32, #tpu.memory_space<vmem>>
      %get3A_269 = arith.constant 16 : index
      %get3A_270 = tpu.vector_load %get3A_268[%get3A_269] {strides = array<i32>} : memref<64xf32, #tpu.memory_space<vmem>>, vector<16xf32>,
      %add3A_271 = arith.addf %add3A_219, %get3A_270 : vector<16xf32>
      %get3A_272 = arith.constant 0 : i32
      %get3A_273 = tpu.memref_slice %arg7[%add3A_235, %get3A_272] : memref<200x64xf32, #tpu.memory_space<vmem>> -> memref<1x64xf32, #tpu.memory_space<vmem>>
      %get3A_274 = tpu.memref_squeeze %get3A_273 : memref<1x64xf32, #tpu.memory_space<vmem>> -> memref<64xf32, #tpu.memory_space<vmem>>
      %get3A_275 = arith.constant 32 : index
      %get3A_276 = tpu.vector_load %get3A_274[%get3A_275] {strides = array<i32>} : memref<64xf32, #tpu.memory_space<vmem>>, vector<16xf32>,
      %add3A_277 = arith.addf %add3A_225, %get3A_276 : vector<16xf32>
      %get3A_278 = arith.constant 0 : i32
      %get3A_279 = tpu.memref_slice %arg7[%add3A_235, %get3A_278] : memref<200x64xf32, #tpu.memory_space<vmem>> -> memref<1x64xf32, #tpu.memory_space<vmem>>
      %get3A_280 = tpu.memref_squeeze %get3A_279 : memref<1x64xf32, #tpu.memory_space<vmem>> -> memref<64xf32, #tpu.memory_space<vmem>>
      %get3A_281 = arith.constant 48 : index
      %get3A_282 = tpu.vector_load %get3A_280[%get3A_281] {strides = array<i32>} : memref<64xf32, #tpu.memory_space<vmem>>, vector<16xf32>,
      %add3A_283 = arith.addf %add3A_231, %get3A_282 : vector<16xf32>
      %scan3A_284 = arith.constant 100 : i32
      %add3A_285 = arith.addf %add3A_241, %add3A_265 : vector<16xf32>
      %add3A_286 = arith.addf %add3A_247, %add3A_271 : vector<16xf32>
      %add3A_287 = arith.addf %add3A_253, %add3A_277 : vector<16xf32>
      %add3A_288 = arith.addf %add3A_259, %add3A_283 : vector<16xf32>
      %mul3A_289 = arith.constant 5.000000e-03 : f32
      %mul3A_290 = vector.broadcast %mul3A_289 : f32 to vector<16xf32>
      %mul3A_291 = arith.mulf %add3A_285, %mul3A_290 : vector<16xf32>
      %neg3A = arith.constant 0.000000e+00 : f32
      %neg3A_292 = vector.broadcast %neg3A : f32 to vector<16xf32>
      %neg3A_293 = arith.subf %neg3A_292, %mul3A_291 : vector<16xf32>
      %exp3A = math.exp %neg3A_293 : vector<16xf32>
      %add3A_294 = arith.constant 1.000000e+00 : f32
      %add3A_295 = vector.broadcast %add3A_294 : f32 to vector<16xf32>
      %add3A_296 = arith.addf %add3A_295, %exp3A : vector<16xf32>
      %div3A = arith.constant 1.000000e+00 : f32
      %div3A_297 = vector.broadcast %div3A : f32 to vector<16xf32>
      %div3A_298 = arith.divf %div3A_297, %add3A_296 : vector<16xf32>
      %mul3A_299 = arith.constant 5.000000e-03 : f32
      %mul3A_300 = vector.broadcast %mul3A_299 : f32 to vector<16xf32>
      %mul3A_301 = arith.mulf %add3A_286, %mul3A_300 : vector<16xf32>
      %neg3A_302 = arith.constant 0.000000e+00 : f32
      %neg3A_303 = vector.broadcast %neg3A_302 : f32 to vector<16xf32>
      %neg3A_304 = arith.subf %neg3A_303, %mul3A_301 : vector<16xf32>
      %exp3A_305 = math.exp %neg3A_304 : vector<16xf32>
      %add3A_306 = arith.constant 1.000000e+00 : f32
      %add3A_307 = vector.broadcast %add3A_306 : f32 to vector<16xf32>
      %add3A_308 = arith.addf %add3A_307, %exp3A_305 : vector<16xf32>
      %div3A_309 = arith.constant 1.000000e+00 : f32
      %div3A_310 = vector.broadcast %div3A_309 : f32 to vector<16xf32>
      %div3A_311 = arith.divf %div3A_310, %add3A_308 : vector<16xf32>
      %mul3A_312 = arith.constant 5.000000e-03 : f32
      %mul3A_313 = vector.broadcast %mul3A_312 : f32 to vector<16xf32>
      %mul3A_314 = arith.mulf %add3A_287, %mul3A_313 : vector<16xf32>
      %neg3A_315 = arith.constant 0.000000e+00 : f32
      %neg3A_316 = vector.broadcast %neg3A_315 : f32 to vector<16xf32>
      %neg3A_317 = arith.subf %neg3A_316, %mul3A_314 : vector<16xf32>
      %exp3A_318 = math.exp %neg3A_317 : vector<16xf32>
      %add3A_319 = arith.constant 1.000000e+00 : f32
      %add3A_320 = vector.broadcast %add3A_319 : f32 to vector<16xf32>
      %add3A_321 = arith.addf %add3A_320, %exp3A_318 : vector<16xf32>
      %div3A_322 = arith.constant 1.000000e+00 : f32
      %div3A_323 = vector.broadcast %div3A_322 : f32 to vector<16xf32>
      %div3A_324 = arith.divf %div3A_323, %add3A_321 : vector<16xf32>
      %mul3A_325 = arith.constant 5.000000e-03 : f32
      %mul3A_326 = vector.broadcast %mul3A_325 : f32 to vector<16xf32>
      %mul3A_327 = arith.mulf %add3A_288, %mul3A_326 : vector<16xf32>
      %neg3A_328 = arith.constant 0.000000e+00 : f32
      %neg3A_329 = vector.broadcast %neg3A_328 : f32 to vector<16xf32>
      %neg3A_330 = arith.subf %neg3A_329, %mul3A_327 : vector<16xf32>
      %exp3A_331 = math.exp %neg3A_330 : vector<16xf32>
      %add3A_332 = arith.constant 1.000000e+00 : f32
      %add3A_333 = vector.broadcast %add3A_332 : f32 to vector<16xf32>
      %add3A_334 = arith.addf %add3A_333, %exp3A_331 : vector<16xf32>
      %div3A_335 = arith.constant 1.000000e+00 : f32
      %div3A_336 = vector.broadcast %div3A_335 : f32 to vector<16xf32>
      %div3A_337 = arith.divf %div3A_336, %add3A_334 : vector<16xf32>
      %mul3A_338 = arith.mulf %div3A_298, %get3A_3 : vector<16xf32>
      %mul3A_339 = arith.mulf %div3A_311, %get3A_5 : vector<16xf32>
      %add3A_340 = arith.addf %mul3A_338, %mul3A_339 : vector<16xf32>
      %mul3A_341 = arith.mulf %div3A_324, %get3A_7 : vector<16xf32>
      %add3A_342 = arith.addf %add3A_340, %mul3A_341 : vector<16xf32>
      %mul3A_343 = arith.mulf %div3A_337, %get3A_9 : vector<16xf32>
      %add3A_344 = arith.addf %add3A_342, %mul3A_343 : vector<16xf32>
      %add3A_345 = arith.addf %add3A_344, %get3A_11 : vector<16xf32>
      %reduce_sum3A = arith.constant true
      %reduce_sum3A_346 = vector.broadcast %reduce_sum3A : i1 to vector<16xi1>
      %reduce_sum3A_347 = tpu.scan <sum>, %add3A_345 masked %reduce_sum3A_346 : vector<16xf32>, vector<16xi1> -> vector<16xf32>
      %reduce_sum3A_348 = vector.extract %reduce_sum3A_347[15] : f32 from vector<16xf32>
      %swap3A = arith.index_cast %mul3A_44 : i32 to index
      %swap3A_349 = memref.load %arg11[%swap3A] : memref<512xf32, #tpu.memory_space<smem>>
      memref.store %reduce_sum3A_348, %arg11[%swap3A] : memref<512xf32, #tpu.memory_space<smem>>
      %add3A_350 = arith.constant 2 : i32
      %add3A_351 = arith.addi %mul3A_44, %add3A_350 : i32
      %lt3A = arith.constant 512 : i32
      %lt3A_352 = arith.cmpi slt, %add3A_351, %lt3A : i32
      %convert_element_type3A = arith.extui %lt3A_352 : i1 to i32
      %cond3A = arith.constant 0 : i32
      %cond3A_353 = arith.cmpi ne, %convert_element_type3A, %cond3A : i32
      scf.if %cond3A_353 {
        %add3A_648 = arith.constant 2 : i32
        %add3A_649 = arith.addi %mul3A_44, %add3A_648 : i32
        %dma_start3A_650 = arith.constant 0 : i32
        %dma_start3A_651 = arith.constant 0 : i32
        %dma_start3A_652 = tpu.memref_slice %arg7[%dma_start3A_650, %dma_start3A_651] : memref<200x64xf32, #tpu.memory_space<vmem>> -> memref<128x64xf32, #tpu.memory_space<vmem>>
        %dma_start3A_653 = arith.constant 0 : i32
        %dma_start3A_654 = tpu.memref_slice %arg6[%add3A_649, %dma_start3A_653] : memref<512x200xi32, #tpu.memory_space<vmem>> -> memref<1x128xi32, #tpu.memory_space<vmem>>
        %dma_start3A_655 = tpu.memref_squeeze %dma_start3A_654 : memref<1x128xi32, #tpu.memory_space<vmem>> -> memref<128xi32, #tpu.memory_space<vmem>>
        %dma_start3A_656 = arith.constant 0 : i32
        %dma_start3A_657 = arith.constant 0 : i32
        %dma_start3A_658 = tpu.memref_slice %arg4[%dma_start3A_656, %dma_start3A_657] : memref<1000704x64xf32, #tpu.memory_space<hbm>> -> memref<1000704x64xf32, #tpu.memory_space<hbm>>
        tpu.enqueue_indirect_dma source(%dma_start3A_658 : memref<1000704x64xf32, #tpu.memory_space<hbm>>) target(%dma_start3A_652 : memref<128x64xf32, #tpu.memory_space<vmem>>) offsets(%dma_start3A_655 : memref<128xi32, #tpu.memory_space<vmem>>) semaphore(%arg12 : memref<!tpu.dma_semaphore, #tpu.memory_space<semaphore_mem>>)
        %dma_start3A_659 = arith.constant 128 : i32
        %dma_start3A_660 = arith.constant 0 : i32
        %dma_start3A_661 = tpu.memref_slice %arg7[%dma_start3A_659, %dma_start3A_660] : memref<200x64xf32, #tpu.memory_space<vmem>> -> memref<72x64xf32, #tpu.memory_space<vmem>>
        %dma_start3A_662 = arith.constant 128 : i32
        %dma_start3A_663 = tpu.memref_slice %arg6[%add3A_649, %dma_start3A_662] : memref<512x200xi32, #tpu.memory_space<vmem>> -> memref<1x72xi32, #tpu.memory_space<vmem>>
        %dma_start3A_664 = tpu.memref_squeeze %dma_start3A_663 : memref<1x72xi32, #tpu.memory_space<vmem>> -> memref<72xi32, #tpu.memory_space<vmem>>
        %dma_start3A_665 = arith.constant 0 : i32
        %dma_start3A_666 = arith.constant 0 : i32
        %dma_start3A_667 = tpu.memref_slice %arg4[%dma_start3A_665, %dma_start3A_666] : memref<1000704x64xf32, #tpu.memory_space<hbm>> -> memref<1000704x64xf32, #tpu.memory_space<hbm>>
        tpu.enqueue_indirect_dma source(%dma_start3A_667 : memref<1000704x64xf32, #tpu.memory_space<hbm>>) target(%dma_start3A_661 : memref<72x64xf32, #tpu.memory_space<vmem>>) offsets(%dma_start3A_664 : memref<72xi32, #tpu.memory_space<vmem>>) semaphore(%arg12 : memref<!tpu.dma_semaphore, #tpu.memory_space<semaphore_mem>>)
      } else {
      }
      %dma_wait3A_354 = arith.constant 0 : i32
      %dma_wait3A_355 = arith.constant 0 : i32
      %dma_wait3A_356 = tpu.memref_slice %arg4[%dma_wait3A_354, %dma_wait3A_355] : memref<1000704x64xf32, #tpu.memory_space<hbm>> -> memref<200x64xf32, #tpu.memory_space<hbm>>
      %dma_wait3A_357 = arith.constant 0 : i32
      %dma_wait3A_358 = arith.constant 0 : i32
      %dma_wait3A_359 = tpu.memref_slice %arg4[%dma_wait3A_357, %dma_wait3A_358] : memref<1000704x64xf32, #tpu.memory_space<hbm>> -> memref<200x64xf32, #tpu.memory_space<hbm>>
      tpu.wait_dma2 semaphore(%arg13 : memref<!tpu.dma_semaphore, #tpu.memory_space<semaphore_mem>>) src(%dma_wait3A_359 : memref<200x64xf32, #tpu.memory_space<hbm>>) dst(%arg8 : memref<200x64xf32, #tpu.memory_space<vmem>>)
      %add3A_360 = arith.constant 1 : i32
      %add3A_361 = arith.addi %mul3A_44, %add3A_360 : i32
      %broadcast_in_dim3A_362 = arith.constant 0.000000e+00 : f32
      %broadcast_in_dim3A_363 = vector.broadcast %broadcast_in_dim3A_362 : f32 to vector<16xf32>
      %scan3A_364 = arith.constant 0 : i32
      %scan3A_365 = arith.constant 96 : i32
      %scan3A_366 = arith.addi %scan3A_364, %scan3A_365 : i32
      %scan3A_367 = arith.constant 8 : i32
      %scan3A_368:8 = scf.for %scan3A_648 = %scan3A_364 to %scan3A_366 step %scan3A_367 iter_args(%scan3A_649 = %broadcast_in_dim3A_363, %scan3A_650 = %broadcast_in_dim3A_363, %scan3A_651 = %broadcast_in_dim3A_363, %scan3A_652 = %broadcast_in_dim3A_363, %scan3A_653 = %broadcast_in_dim3A_363, %scan3A_654 = %broadcast_in_dim3A_363, %scan3A_655 = %broadcast_in_dim3A_363, %scan3A_656 = %broadcast_in_dim3A_363) -> (vector<16xf32>, vector<16xf32>, vector<16xf32>, vector<16xf32>, vector<16xf32>, vector<16xf32>, vector<16xf32>, vector<16xf32>)  : i32 {
        %add3A_657 = arith.constant 100 : i32
        %add3A_658 = arith.addi %scan3A_648, %add3A_657 : i32
        %get3A_659 = arith.constant 0 : i32
        %get3A_660 = tpu.memref_slice %arg8[%scan3A_648, %get3A_659] : memref<200x64xf32, #tpu.memory_space<vmem>> -> memref<1x64xf32, #tpu.memory_space<vmem>>
        %get3A_661 = tpu.memref_squeeze %get3A_660 : memref<1x64xf32, #tpu.memory_space<vmem>> -> memref<64xf32, #tpu.memory_space<vmem>>
        %get3A_662 = arith.constant 0 : index
        %get3A_663 = tpu.vector_load %get3A_661[%get3A_662] {strides = array<i32>} : memref<64xf32, #tpu.memory_space<vmem>>, vector<16xf32>,
        %add3A_664 = arith.addf %scan3A_649, %get3A_663 : vector<16xf32>
        %get3A_665 = arith.constant 0 : i32
        %get3A_666 = tpu.memref_slice %arg8[%scan3A_648, %get3A_665] : memref<200x64xf32, #tpu.memory_space<vmem>> -> memref<1x64xf32, #tpu.memory_space<vmem>>
        %get3A_667 = tpu.memref_squeeze %get3A_666 : memref<1x64xf32, #tpu.memory_space<vmem>> -> memref<64xf32, #tpu.memory_space<vmem>>
        %get3A_668 = arith.constant 16 : index
        %get3A_669 = tpu.vector_load %get3A_667[%get3A_668] {strides = array<i32>} : memref<64xf32, #tpu.memory_space<vmem>>, vector<16xf32>,
        %add3A_670 = arith.addf %scan3A_650, %get3A_669 : vector<16xf32>
        %get3A_671 = arith.constant 0 : i32
        %get3A_672 = tpu.memref_slice %arg8[%scan3A_648, %get3A_671] : memref<200x64xf32, #tpu.memory_space<vmem>> -> memref<1x64xf32, #tpu.memory_space<vmem>>
        %get3A_673 = tpu.memref_squeeze %get3A_672 : memref<1x64xf32, #tpu.memory_space<vmem>> -> memref<64xf32, #tpu.memory_space<vmem>>
        %get3A_674 = arith.constant 32 : index
        %get3A_675 = tpu.vector_load %get3A_673[%get3A_674] {strides = array<i32>} : memref<64xf32, #tpu.memory_space<vmem>>, vector<16xf32>,
        %add3A_676 = arith.addf %scan3A_651, %get3A_675 : vector<16xf32>
        %get3A_677 = arith.constant 0 : i32
        %get3A_678 = tpu.memref_slice %arg8[%scan3A_648, %get3A_677] : memref<200x64xf32, #tpu.memory_space<vmem>> -> memref<1x64xf32, #tpu.memory_space<vmem>>
        %get3A_679 = tpu.memref_squeeze %get3A_678 : memref<1x64xf32, #tpu.memory_space<vmem>> -> memref<64xf32, #tpu.memory_space<vmem>>
        %get3A_680 = arith.constant 48 : index
        %get3A_681 = tpu.vector_load %get3A_679[%get3A_680] {strides = array<i32>} : memref<64xf32, #tpu.memory_space<vmem>>, vector<16xf32>,
        %add3A_682 = arith.addf %scan3A_652, %get3A_681 : vector<16xf32>
        %get3A_683 = arith.constant 0 : i32
        %get3A_684 = tpu.memref_slice %arg8[%add3A_658, %get3A_683] : memref<200x64xf32, #tpu.memory_space<vmem>> -> memref<1x64xf32, #tpu.memory_space<vmem>>
        %get3A_685 = tpu.memref_squeeze %get3A_684 : memref<1x64xf32, #tpu.memory_space<vmem>> -> memref<64xf32, #tpu.memory_space<vmem>>
        %get3A_686 = arith.constant 0 : index
        %get3A_687 = tpu.vector_load %get3A_685[%get3A_686] {strides = array<i32>} : memref<64xf32, #tpu.memory_space<vmem>>, vector<16xf32>,
        %add3A_688 = arith.addf %scan3A_653, %get3A_687 : vector<16xf32>
        %get3A_689 = arith.constant 0 : i32
        %get3A_690 = tpu.memref_slice %arg8[%add3A_658, %get3A_689] : memref<200x64xf32, #tpu.memory_space<vmem>> -> memref<1x64xf32, #tpu.memory_space<vmem>>
        %get3A_691 = tpu.memref_squeeze %get3A_690 : memref<1x64xf32, #tpu.memory_space<vmem>> -> memref<64xf32, #tpu.memory_space<vmem>>
        %get3A_692 = arith.constant 16 : index
        %get3A_693 = tpu.vector_load %get3A_691[%get3A_692] {strides = array<i32>} : memref<64xf32, #tpu.memory_space<vmem>>, vector<16xf32>,
        %add3A_694 = arith.addf %scan3A_654, %get3A_693 : vector<16xf32>
        %get3A_695 = arith.constant 0 : i32
        %get3A_696 = tpu.memref_slice %arg8[%add3A_658, %get3A_695] : memref<200x64xf32, #tpu.memory_space<vmem>> -> memref<1x64xf32, #tpu.memory_space<vmem>>
        %get3A_697 = tpu.memref_squeeze %get3A_696 : memref<1x64xf32, #tpu.memory_space<vmem>> -> memref<64xf32, #tpu.memory_space<vmem>>
        %get3A_698 = arith.constant 32 : index
        %get3A_699 = tpu.vector_load %get3A_697[%get3A_698] {strides = array<i32>} : memref<64xf32, #tpu.memory_space<vmem>>, vector<16xf32>,
        %add3A_700 = arith.addf %scan3A_655, %get3A_699 : vector<16xf32>
        %get3A_701 = arith.constant 0 : i32
        %get3A_702 = tpu.memref_slice %arg8[%add3A_658, %get3A_701] : memref<200x64xf32, #tpu.memory_space<vmem>> -> memref<1x64xf32, #tpu.memory_space<vmem>>
        %get3A_703 = tpu.memref_squeeze %get3A_702 : memref<1x64xf32, #tpu.memory_space<vmem>> -> memref<64xf32, #tpu.memory_space<vmem>>
        %get3A_704 = arith.constant 48 : index
        %get3A_705 = tpu.vector_load %get3A_703[%get3A_704] {strides = array<i32>} : memref<64xf32, #tpu.memory_space<vmem>>, vector<16xf32>,
        %add3A_706 = arith.addf %scan3A_656, %get3A_705 : vector<16xf32>
        %scan3A_707 = arith.constant 1 : i32
        %scan3A_708 = arith.addi %scan3A_648, %scan3A_707 : i32
        %add3A_709 = arith.constant 100 : i32
        %add3A_710 = arith.addi %scan3A_708, %add3A_709 : i32
        %get3A_711 = arith.constant 0 : i32
        %get3A_712 = tpu.memref_slice %arg8[%scan3A_708, %get3A_711] : memref<200x64xf32, #tpu.memory_space<vmem>> -> memref<1x64xf32, #tpu.memory_space<vmem>>
        %get3A_713 = tpu.memref_squeeze %get3A_712 : memref<1x64xf32, #tpu.memory_space<vmem>> -> memref<64xf32, #tpu.memory_space<vmem>>
        %get3A_714 = arith.constant 0 : index
        %get3A_715 = tpu.vector_load %get3A_713[%get3A_714] {strides = array<i32>} : memref<64xf32, #tpu.memory_space<vmem>>, vector<16xf32>,
        %add3A_716 = arith.addf %add3A_664, %get3A_715 : vector<16xf32>
        %get3A_717 = arith.constant 0 : i32
        %get3A_718 = tpu.memref_slice %arg8[%scan3A_708, %get3A_717] : memref<200x64xf32, #tpu.memory_space<vmem>> -> memref<1x64xf32, #tpu.memory_space<vmem>>
        %get3A_719 = tpu.memref_squeeze %get3A_718 : memref<1x64xf32, #tpu.memory_space<vmem>> -> memref<64xf32, #tpu.memory_space<vmem>>
        %get3A_720 = arith.constant 16 : index
        %get3A_721 = tpu.vector_load %get3A_719[%get3A_720] {strides = array<i32>} : memref<64xf32, #tpu.memory_space<vmem>>, vector<16xf32>,
        %add3A_722 = arith.addf %add3A_670, %get3A_721 : vector<16xf32>
        %get3A_723 = arith.constant 0 : i32
        %get3A_724 = tpu.memref_slice %arg8[%scan3A_708, %get3A_723] : memref<200x64xf32, #tpu.memory_space<vmem>> -> memref<1x64xf32, #tpu.memory_space<vmem>>
        %get3A_725 = tpu.memref_squeeze %get3A_724 : memref<1x64xf32, #tpu.memory_space<vmem>> -> memref<64xf32, #tpu.memory_space<vmem>>
        %get3A_726 = arith.constant 32 : index
        %get3A_727 = tpu.vector_load %get3A_725[%get3A_726] {strides = array<i32>} : memref<64xf32, #tpu.memory_space<vmem>>, vector<16xf32>,
        %add3A_728 = arith.addf %add3A_676, %get3A_727 : vector<16xf32>
        %get3A_729 = arith.constant 0 : i32
        %get3A_730 = tpu.memref_slice %arg8[%scan3A_708, %get3A_729] : memref<200x64xf32, #tpu.memory_space<vmem>> -> memref<1x64xf32, #tpu.memory_space<vmem>>
        %get3A_731 = tpu.memref_squeeze %get3A_730 : memref<1x64xf32, #tpu.memory_space<vmem>> -> memref<64xf32, #tpu.memory_space<vmem>>
        %get3A_732 = arith.constant 48 : index
        %get3A_733 = tpu.vector_load %get3A_731[%get3A_732] {strides = array<i32>} : memref<64xf32, #tpu.memory_space<vmem>>, vector<16xf32>,
        %add3A_734 = arith.addf %add3A_682, %get3A_733 : vector<16xf32>
        %get3A_735 = arith.constant 0 : i32
        %get3A_736 = tpu.memref_slice %arg8[%add3A_710, %get3A_735] : memref<200x64xf32, #tpu.memory_space<vmem>> -> memref<1x64xf32, #tpu.memory_space<vmem>>
        %get3A_737 = tpu.memref_squeeze %get3A_736 : memref<1x64xf32, #tpu.memory_space<vmem>> -> memref<64xf32, #tpu.memory_space<vmem>>
        %get3A_738 = arith.constant 0 : index
        %get3A_739 = tpu.vector_load %get3A_737[%get3A_738] {strides = array<i32>} : memref<64xf32, #tpu.memory_space<vmem>>, vector<16xf32>,
        %add3A_740 = arith.addf %add3A_688, %get3A_739 : vector<16xf32>
        %get3A_741 = arith.constant 0 : i32
        %get3A_742 = tpu.memref_slice %arg8[%add3A_710, %get3A_741] : memref<200x64xf32, #tpu.memory_space<vmem>> -> memref<1x64xf32, #tpu.memory_space<vmem>>
        %get3A_743 = tpu.memref_squeeze %get3A_742 : memref<1x64xf32, #tpu.memory_space<vmem>> -> memref<64xf32, #tpu.memory_space<vmem>>
        %get3A_744 = arith.constant 16 : index
        %get3A_745 = tpu.vector_load %get3A_743[%get3A_744] {strides = array<i32>} : memref<64xf32, #tpu.memory_space<vmem>>, vector<16xf32>,
        %add3A_746 = arith.addf %add3A_694, %get3A_745 : vector<16xf32>
        %get3A_747 = arith.constant 0 : i32
        %get3A_748 = tpu.memref_slice %arg8[%add3A_710, %get3A_747] : memref<200x64xf32, #tpu.memory_space<vmem>> -> memref<1x64xf32, #tpu.memory_space<vmem>>
        %get3A_749 = tpu.memref_squeeze %get3A_748 : memref<1x64xf32, #tpu.memory_space<vmem>> -> memref<64xf32, #tpu.memory_space<vmem>>
        %get3A_750 = arith.constant 32 : index
        %get3A_751 = tpu.vector_load %get3A_749[%get3A_750] {strides = array<i32>} : memref<64xf32, #tpu.memory_space<vmem>>, vector<16xf32>,
        %add3A_752 = arith.addf %add3A_700, %get3A_751 : vector<16xf32>
        %get3A_753 = arith.constant 0 : i32
        %get3A_754 = tpu.memref_slice %arg8[%add3A_710, %get3A_753] : memref<200x64xf32, #tpu.memory_space<vmem>> -> memref<1x64xf32, #tpu.memory_space<vmem>>
        %get3A_755 = tpu.memref_squeeze %get3A_754 : memref<1x64xf32, #tpu.memory_space<vmem>> -> memref<64xf32, #tpu.memory_space<vmem>>
        %get3A_756 = arith.constant 48 : index
        %get3A_757 = tpu.vector_load %get3A_755[%get3A_756] {strides = array<i32>} : memref<64xf32, #tpu.memory_space<vmem>>, vector<16xf32>,
        %add3A_758 = arith.addf %add3A_706, %get3A_757 : vector<16xf32>
        %scan3A_759 = arith.constant 2 : i32
        %scan3A_760 = arith.addi %scan3A_648, %scan3A_759 : i32
        %add3A_761 = arith.constant 100 : i32
        %add3A_762 = arith.addi %scan3A_760, %add3A_761 : i32
        %get3A_763 = arith.constant 0 : i32
        %get3A_764 = tpu.memref_slice %arg8[%scan3A_760, %get3A_763] : memref<200x64xf32, #tpu.memory_space<vmem>> -> memref<1x64xf32, #tpu.memory_space<vmem>>
        %get3A_765 = tpu.memref_squeeze %get3A_764 : memref<1x64xf32, #tpu.memory_space<vmem>> -> memref<64xf32, #tpu.memory_space<vmem>>
        %get3A_766 = arith.constant 0 : index
        %get3A_767 = tpu.vector_load %get3A_765[%get3A_766] {strides = array<i32>} : memref<64xf32, #tpu.memory_space<vmem>>, vector<16xf32>,
        %add3A_768 = arith.addf %add3A_716, %get3A_767 : vector<16xf32>
        %get3A_769 = arith.constant 0 : i32
        %get3A_770 = tpu.memref_slice %arg8[%scan3A_760, %get3A_769] : memref<200x64xf32, #tpu.memory_space<vmem>> -> memref<1x64xf32, #tpu.memory_space<vmem>>
        %get3A_771 = tpu.memref_squeeze %get3A_770 : memref<1x64xf32, #tpu.memory_space<vmem>> -> memref<64xf32, #tpu.memory_space<vmem>>
        %get3A_772 = arith.constant 16 : index
        %get3A_773 = tpu.vector_load %get3A_771[%get3A_772] {strides = array<i32>} : memref<64xf32, #tpu.memory_space<vmem>>, vector<16xf32>,
        %add3A_774 = arith.addf %add3A_722, %get3A_773 : vector<16xf32>
        %get3A_775 = arith.constant 0 : i32
        %get3A_776 = tpu.memref_slice %arg8[%scan3A_760, %get3A_775] : memref<200x64xf32, #tpu.memory_space<vmem>> -> memref<1x64xf32, #tpu.memory_space<vmem>>
        %get3A_777 = tpu.memref_squeeze %get3A_776 : memref<1x64xf32, #tpu.memory_space<vmem>> -> memref<64xf32, #tpu.memory_space<vmem>>
        %get3A_778 = arith.constant 32 : index
        %get3A_779 = tpu.vector_load %get3A_777[%get3A_778] {strides = array<i32>} : memref<64xf32, #tpu.memory_space<vmem>>, vector<16xf32>,
        %add3A_780 = arith.addf %add3A_728, %get3A_779 : vector<16xf32>
        %get3A_781 = arith.constant 0 : i32
        %get3A_782 = tpu.memref_slice %arg8[%scan3A_760, %get3A_781] : memref<200x64xf32, #tpu.memory_space<vmem>> -> memref<1x64xf32, #tpu.memory_space<vmem>>
        %get3A_783 = tpu.memref_squeeze %get3A_782 : memref<1x64xf32, #tpu.memory_space<vmem>> -> memref<64xf32, #tpu.memory_space<vmem>>
        %get3A_784 = arith.constant 48 : index
        %get3A_785 = tpu.vector_load %get3A_783[%get3A_784] {strides = array<i32>} : memref<64xf32, #tpu.memory_space<vmem>>, vector<16xf32>,
        %add3A_786 = arith.addf %add3A_734, %get3A_785 : vector<16xf32>
        %get3A_787 = arith.constant 0 : i32
        %get3A_788 = tpu.memref_slice %arg8[%add3A_762, %get3A_787] : memref<200x64xf32, #tpu.memory_space<vmem>> -> memref<1x64xf32, #tpu.memory_space<vmem>>
        %get3A_789 = tpu.memref_squeeze %get3A_788 : memref<1x64xf32, #tpu.memory_space<vmem>> -> memref<64xf32, #tpu.memory_space<vmem>>
        %get3A_790 = arith.constant 0 : index
        %get3A_791 = tpu.vector_load %get3A_789[%get3A_790] {strides = array<i32>} : memref<64xf32, #tpu.memory_space<vmem>>, vector<16xf32>,
        %add3A_792 = arith.addf %add3A_740, %get3A_791 : vector<16xf32>
        %get3A_793 = arith.constant 0 : i32
        %get3A_794 = tpu.memref_slice %arg8[%add3A_762, %get3A_793] : memref<200x64xf32, #tpu.memory_space<vmem>> -> memref<1x64xf32, #tpu.memory_space<vmem>>
        %get3A_795 = tpu.memref_squeeze %get3A_794 : memref<1x64xf32, #tpu.memory_space<vmem>> -> memref<64xf32, #tpu.memory_space<vmem>>
        %get3A_796 = arith.constant 16 : index
        %get3A_797 = tpu.vector_load %get3A_795[%get3A_796] {strides = array<i32>} : memref<64xf32, #tpu.memory_space<vmem>>, vector<16xf32>,
        %add3A_798 = arith.addf %add3A_746, %get3A_797 : vector<16xf32>
        %get3A_799 = arith.constant 0 : i32
        %get3A_800 = tpu.memref_slice %arg8[%add3A_762, %get3A_799] : memref<200x64xf32, #tpu.memory_space<vmem>> -> memref<1x64xf32, #tpu.memory_space<vmem>>
        %get3A_801 = tpu.memref_squeeze %get3A_800 : memref<1x64xf32, #tpu.memory_space<vmem>> -> memref<64xf32, #tpu.memory_space<vmem>>
        %get3A_802 = arith.constant 32 : index
        %get3A_803 = tpu.vector_load %get3A_801[%get3A_802] {strides = array<i32>} : memref<64xf32, #tpu.memory_space<vmem>>, vector<16xf32>,
        %add3A_804 = arith.addf %add3A_752, %get3A_803 : vector<16xf32>
        %get3A_805 = arith.constant 0 : i32
        %get3A_806 = tpu.memref_slice %arg8[%add3A_762, %get3A_805] : memref<200x64xf32, #tpu.memory_space<vmem>> -> memref<1x64xf32, #tpu.memory_space<vmem>>
        %get3A_807 = tpu.memref_squeeze %get3A_806 : memref<1x64xf32, #tpu.memory_space<vmem>> -> memref<64xf32, #tpu.memory_space<vmem>>
        %get3A_808 = arith.constant 48 : index
        %get3A_809 = tpu.vector_load %get3A_807[%get3A_808] {strides = array<i32>} : memref<64xf32, #tpu.memory_space<vmem>>, vector<16xf32>,
        %add3A_810 = arith.addf %add3A_758, %get3A_809 : vector<16xf32>
        %scan3A_811 = arith.constant 3 : i32
        %scan3A_812 = arith.addi %scan3A_648, %scan3A_811 : i32
        %add3A_813 = arith.constant 100 : i32
        %add3A_814 = arith.addi %scan3A_812, %add3A_813 : i32
        %get3A_815 = arith.constant 0 : i32
        %get3A_816 = tpu.memref_slice %arg8[%scan3A_812, %get3A_815] : memref<200x64xf32, #tpu.memory_space<vmem>> -> memref<1x64xf32, #tpu.memory_space<vmem>>
        %get3A_817 = tpu.memref_squeeze %get3A_816 : memref<1x64xf32, #tpu.memory_space<vmem>> -> memref<64xf32, #tpu.memory_space<vmem>>
        %get3A_818 = arith.constant 0 : index
        %get3A_819 = tpu.vector_load %get3A_817[%get3A_818] {strides = array<i32>} : memref<64xf32, #tpu.memory_space<vmem>>, vector<16xf32>,
        %add3A_820 = arith.addf %add3A_768, %get3A_819 : vector<16xf32>
        %get3A_821 = arith.constant 0 : i32
        %get3A_822 = tpu.memref_slice %arg8[%scan3A_812, %get3A_821] : memref<200x64xf32, #tpu.memory_space<vmem>> -> memref<1x64xf32, #tpu.memory_space<vmem>>
        %get3A_823 = tpu.memref_squeeze %get3A_822 : memref<1x64xf32, #tpu.memory_space<vmem>> -> memref<64xf32, #tpu.memory_space<vmem>>
        %get3A_824 = arith.constant 16 : index
        %get3A_825 = tpu.vector_load %get3A_823[%get3A_824] {strides = array<i32>} : memref<64xf32, #tpu.memory_space<vmem>>, vector<16xf32>,
        %add3A_826 = arith.addf %add3A_774, %get3A_825 : vector<16xf32>
        %get3A_827 = arith.constant 0 : i32
        %get3A_828 = tpu.memref_slice %arg8[%scan3A_812, %get3A_827] : memref<200x64xf32, #tpu.memory_space<vmem>> -> memref<1x64xf32, #tpu.memory_space<vmem>>
        %get3A_829 = tpu.memref_squeeze %get3A_828 : memref<1x64xf32, #tpu.memory_space<vmem>> -> memref<64xf32, #tpu.memory_space<vmem>>
        %get3A_830 = arith.constant 32 : index
        %get3A_831 = tpu.vector_load %get3A_829[%get3A_830] {strides = array<i32>} : memref<64xf32, #tpu.memory_space<vmem>>, vector<16xf32>,
        %add3A_832 = arith.addf %add3A_780, %get3A_831 : vector<16xf32>
        %get3A_833 = arith.constant 0 : i32
        %get3A_834 = tpu.memref_slice %arg8[%scan3A_812, %get3A_833] : memref<200x64xf32, #tpu.memory_space<vmem>> -> memref<1x64xf32, #tpu.memory_space<vmem>>
        %get3A_835 = tpu.memref_squeeze %get3A_834 : memref<1x64xf32, #tpu.memory_space<vmem>> -> memref<64xf32, #tpu.memory_space<vmem>>
        %get3A_836 = arith.constant 48 : index
        %get3A_837 = tpu.vector_load %get3A_835[%get3A_836] {strides = array<i32>} : memref<64xf32, #tpu.memory_space<vmem>>, vector<16xf32>,
        %add3A_838 = arith.addf %add3A_786, %get3A_837 : vector<16xf32>
        %get3A_839 = arith.constant 0 : i32
        %get3A_840 = tpu.memref_slice %arg8[%add3A_814, %get3A_839] : memref<200x64xf32, #tpu.memory_space<vmem>> -> memref<1x64xf32, #tpu.memory_space<vmem>>
        %get3A_841 = tpu.memref_squeeze %get3A_840 : memref<1x64xf32, #tpu.memory_space<vmem>> -> memref<64xf32, #tpu.memory_space<vmem>>
        %get3A_842 = arith.constant 0 : index
        %get3A_843 = tpu.vector_load %get3A_841[%get3A_842] {strides = array<i32>} : memref<64xf32, #tpu.memory_space<vmem>>, vector<16xf32>,
        %add3A_844 = arith.addf %add3A_792, %get3A_843 : vector<16xf32>
        %get3A_845 = arith.constant 0 : i32
        %get3A_846 = tpu.memref_slice %arg8[%add3A_814, %get3A_845] : memref<200x64xf32, #tpu.memory_space<vmem>> -> memref<1x64xf32, #tpu.memory_space<vmem>>
        %get3A_847 = tpu.memref_squeeze %get3A_846 : memref<1x64xf32, #tpu.memory_space<vmem>> -> memref<64xf32, #tpu.memory_space<vmem>>
        %get3A_848 = arith.constant 16 : index
        %get3A_849 = tpu.vector_load %get3A_847[%get3A_848] {strides = array<i32>} : memref<64xf32, #tpu.memory_space<vmem>>, vector<16xf32>,
        %add3A_850 = arith.addf %add3A_798, %get3A_849 : vector<16xf32>
        %get3A_851 = arith.constant 0 : i32
        %get3A_852 = tpu.memref_slice %arg8[%add3A_814, %get3A_851] : memref<200x64xf32, #tpu.memory_space<vmem>> -> memref<1x64xf32, #tpu.memory_space<vmem>>
        %get3A_853 = tpu.memref_squeeze %get3A_852 : memref<1x64xf32, #tpu.memory_space<vmem>> -> memref<64xf32, #tpu.memory_space<vmem>>
        %get3A_854 = arith.constant 32 : index
        %get3A_855 = tpu.vector_load %get3A_853[%get3A_854] {strides = array<i32>} : memref<64xf32, #tpu.memory_space<vmem>>, vector<16xf32>,
        %add3A_856 = arith.addf %add3A_804, %get3A_855 : vector<16xf32>
        %get3A_857 = arith.constant 0 : i32
        %get3A_858 = tpu.memref_slice %arg8[%add3A_814, %get3A_857] : memref<200x64xf32, #tpu.memory_space<vmem>> -> memref<1x64xf32, #tpu.memory_space<vmem>>
        %get3A_859 = tpu.memref_squeeze %get3A_858 : memref<1x64xf32, #tpu.memory_space<vmem>> -> memref<64xf32, #tpu.memory_space<vmem>>
        %get3A_860 = arith.constant 48 : index
        %get3A_861 = tpu.vector_load %get3A_859[%get3A_860] {strides = array<i32>} : memref<64xf32, #tpu.memory_space<vmem>>, vector<16xf32>,
        %add3A_862 = arith.addf %add3A_810, %get3A_861 : vector<16xf32>
        %scan3A_863 = arith.constant 4 : i32
        %scan3A_864 = arith.addi %scan3A_648, %scan3A_863 : i32
        %add3A_865 = arith.constant 100 : i32
        %add3A_866 = arith.addi %scan3A_864, %add3A_865 : i32
        %get3A_867 = arith.constant 0 : i32
        %get3A_868 = tpu.memref_slice %arg8[%scan3A_864, %get3A_867] : memref<200x64xf32, #tpu.memory_space<vmem>> -> memref<1x64xf32, #tpu.memory_space<vmem>>
        %get3A_869 = tpu.memref_squeeze %get3A_868 : memref<1x64xf32, #tpu.memory_space<vmem>> -> memref<64xf32, #tpu.memory_space<vmem>>
        %get3A_870 = arith.constant 0 : index
        %get3A_871 = tpu.vector_load %get3A_869[%get3A_870] {strides = array<i32>} : memref<64xf32, #tpu.memory_space<vmem>>, vector<16xf32>,
        %add3A_872 = arith.addf %add3A_820, %get3A_871 : vector<16xf32>
        %get3A_873 = arith.constant 0 : i32
        %get3A_874 = tpu.memref_slice %arg8[%scan3A_864, %get3A_873] : memref<200x64xf32, #tpu.memory_space<vmem>> -> memref<1x64xf32, #tpu.memory_space<vmem>>
        %get3A_875 = tpu.memref_squeeze %get3A_874 : memref<1x64xf32, #tpu.memory_space<vmem>> -> memref<64xf32, #tpu.memory_space<vmem>>
        %get3A_876 = arith.constant 16 : index
        %get3A_877 = tpu.vector_load %get3A_875[%get3A_876] {strides = array<i32>} : memref<64xf32, #tpu.memory_space<vmem>>, vector<16xf32>,
        %add3A_878 = arith.addf %add3A_826, %get3A_877 : vector<16xf32>
        %get3A_879 = arith.constant 0 : i32
        %get3A_880 = tpu.memref_slice %arg8[%scan3A_864, %get3A_879] : memref<200x64xf32, #tpu.memory_space<vmem>> -> memref<1x64xf32, #tpu.memory_space<vmem>>
        %get3A_881 = tpu.memref_squeeze %get3A_880 : memref<1x64xf32, #tpu.memory_space<vmem>> -> memref<64xf32, #tpu.memory_space<vmem>>
        %get3A_882 = arith.constant 32 : index
        %get3A_883 = tpu.vector_load %get3A_881[%get3A_882] {strides = array<i32>} : memref<64xf32, #tpu.memory_space<vmem>>, vector<16xf32>,
        %add3A_884 = arith.addf %add3A_832, %get3A_883 : vector<16xf32>
        %get3A_885 = arith.constant 0 : i32
        %get3A_886 = tpu.memref_slice %arg8[%scan3A_864, %get3A_885] : memref<200x64xf32, #tpu.memory_space<vmem>> -> memref<1x64xf32, #tpu.memory_space<vmem>>
        %get3A_887 = tpu.memref_squeeze %get3A_886 : memref<1x64xf32, #tpu.memory_space<vmem>> -> memref<64xf32, #tpu.memory_space<vmem>>
        %get3A_888 = arith.constant 48 : index
        %get3A_889 = tpu.vector_load %get3A_887[%get3A_888] {strides = array<i32>} : memref<64xf32, #tpu.memory_space<vmem>>, vector<16xf32>,
        %add3A_890 = arith.addf %add3A_838, %get3A_889 : vector<16xf32>
        %get3A_891 = arith.constant 0 : i32
        %get3A_892 = tpu.memref_slice %arg8[%add3A_866, %get3A_891] : memref<200x64xf32, #tpu.memory_space<vmem>> -> memref<1x64xf32, #tpu.memory_space<vmem>>
        %get3A_893 = tpu.memref_squeeze %get3A_892 : memref<1x64xf32, #tpu.memory_space<vmem>> -> memref<64xf32, #tpu.memory_space<vmem>>
        %get3A_894 = arith.constant 0 : index
        %get3A_895 = tpu.vector_load %get3A_893[%get3A_894] {strides = array<i32>} : memref<64xf32, #tpu.memory_space<vmem>>, vector<16xf32>,
        %add3A_896 = arith.addf %add3A_844, %get3A_895 : vector<16xf32>
        %get3A_897 = arith.constant 0 : i32
        %get3A_898 = tpu.memref_slice %arg8[%add3A_866, %get3A_897] : memref<200x64xf32, #tpu.memory_space<vmem>> -> memref<1x64xf32, #tpu.memory_space<vmem>>
        %get3A_899 = tpu.memref_squeeze %get3A_898 : memref<1x64xf32, #tpu.memory_space<vmem>> -> memref<64xf32, #tpu.memory_space<vmem>>
        %get3A_900 = arith.constant 16 : index
        %get3A_901 = tpu.vector_load %get3A_899[%get3A_900] {strides = array<i32>} : memref<64xf32, #tpu.memory_space<vmem>>, vector<16xf32>,
        %add3A_902 = arith.addf %add3A_850, %get3A_901 : vector<16xf32>
        %get3A_903 = arith.constant 0 : i32
        %get3A_904 = tpu.memref_slice %arg8[%add3A_866, %get3A_903] : memref<200x64xf32, #tpu.memory_space<vmem>> -> memref<1x64xf32, #tpu.memory_space<vmem>>
        %get3A_905 = tpu.memref_squeeze %get3A_904 : memref<1x64xf32, #tpu.memory_space<vmem>> -> memref<64xf32, #tpu.memory_space<vmem>>
        %get3A_906 = arith.constant 32 : index
        %get3A_907 = tpu.vector_load %get3A_905[%get3A_906] {strides = array<i32>} : memref<64xf32, #tpu.memory_space<vmem>>, vector<16xf32>,
        %add3A_908 = arith.addf %add3A_856, %get3A_907 : vector<16xf32>
        %get3A_909 = arith.constant 0 : i32
        %get3A_910 = tpu.memref_slice %arg8[%add3A_866, %get3A_909] : memref<200x64xf32, #tpu.memory_space<vmem>> -> memref<1x64xf32, #tpu.memory_space<vmem>>
        %get3A_911 = tpu.memref_squeeze %get3A_910 : memref<1x64xf32, #tpu.memory_space<vmem>> -> memref<64xf32, #tpu.memory_space<vmem>>
        %get3A_912 = arith.constant 48 : index
        %get3A_913 = tpu.vector_load %get3A_911[%get3A_912] {strides = array<i32>} : memref<64xf32, #tpu.memory_space<vmem>>, vector<16xf32>,
        %add3A_914 = arith.addf %add3A_862, %get3A_913 : vector<16xf32>
        %scan3A_915 = arith.constant 5 : i32
        %scan3A_916 = arith.addi %scan3A_648, %scan3A_915 : i32
        %add3A_917 = arith.constant 100 : i32
        %add3A_918 = arith.addi %scan3A_916, %add3A_917 : i32
        %get3A_919 = arith.constant 0 : i32
        %get3A_920 = tpu.memref_slice %arg8[%scan3A_916, %get3A_919] : memref<200x64xf32, #tpu.memory_space<vmem>> -> memref<1x64xf32, #tpu.memory_space<vmem>>
        %get3A_921 = tpu.memref_squeeze %get3A_920 : memref<1x64xf32, #tpu.memory_space<vmem>> -> memref<64xf32, #tpu.memory_space<vmem>>
        %get3A_922 = arith.constant 0 : index
        %get3A_923 = tpu.vector_load %get3A_921[%get3A_922] {strides = array<i32>} : memref<64xf32, #tpu.memory_space<vmem>>, vector<16xf32>,
        %add3A_924 = arith.addf %add3A_872, %get3A_923 : vector<16xf32>
        %get3A_925 = arith.constant 0 : i32
        %get3A_926 = tpu.memref_slice %arg8[%scan3A_916, %get3A_925] : memref<200x64xf32, #tpu.memory_space<vmem>> -> memref<1x64xf32, #tpu.memory_space<vmem>>
        %get3A_927 = tpu.memref_squeeze %get3A_926 : memref<1x64xf32, #tpu.memory_space<vmem>> -> memref<64xf32, #tpu.memory_space<vmem>>
        %get3A_928 = arith.constant 16 : index
        %get3A_929 = tpu.vector_load %get3A_927[%get3A_928] {strides = array<i32>} : memref<64xf32, #tpu.memory_space<vmem>>, vector<16xf32>,
        %add3A_930 = arith.addf %add3A_878, %get3A_929 : vector<16xf32>
        %get3A_931 = arith.constant 0 : i32
        %get3A_932 = tpu.memref_slice %arg8[%scan3A_916, %get3A_931] : memref<200x64xf32, #tpu.memory_space<vmem>> -> memref<1x64xf32, #tpu.memory_space<vmem>>
        %get3A_933 = tpu.memref_squeeze %get3A_932 : memref<1x64xf32, #tpu.memory_space<vmem>> -> memref<64xf32, #tpu.memory_space<vmem>>
        %get3A_934 = arith.constant 32 : index
        %get3A_935 = tpu.vector_load %get3A_933[%get3A_934] {strides = array<i32>} : memref<64xf32, #tpu.memory_space<vmem>>, vector<16xf32>,
        %add3A_936 = arith.addf %add3A_884, %get3A_935 : vector<16xf32>
        %get3A_937 = arith.constant 0 : i32
        %get3A_938 = tpu.memref_slice %arg8[%scan3A_916, %get3A_937] : memref<200x64xf32, #tpu.memory_space<vmem>> -> memref<1x64xf32, #tpu.memory_space<vmem>>
        %get3A_939 = tpu.memref_squeeze %get3A_938 : memref<1x64xf32, #tpu.memory_space<vmem>> -> memref<64xf32, #tpu.memory_space<vmem>>
        %get3A_940 = arith.constant 48 : index
        %get3A_941 = tpu.vector_load %get3A_939[%get3A_940] {strides = array<i32>} : memref<64xf32, #tpu.memory_space<vmem>>, vector<16xf32>,
        %add3A_942 = arith.addf %add3A_890, %get3A_941 : vector<16xf32>
        %get3A_943 = arith.constant 0 : i32
        %get3A_944 = tpu.memref_slice %arg8[%add3A_918, %get3A_943] : memref<200x64xf32, #tpu.memory_space<vmem>> -> memref<1x64xf32, #tpu.memory_space<vmem>>
        %get3A_945 = tpu.memref_squeeze %get3A_944 : memref<1x64xf32, #tpu.memory_space<vmem>> -> memref<64xf32, #tpu.memory_space<vmem>>
        %get3A_946 = arith.constant 0 : index
        %get3A_947 = tpu.vector_load %get3A_945[%get3A_946] {strides = array<i32>} : memref<64xf32, #tpu.memory_space<vmem>>, vector<16xf32>,
        %add3A_948 = arith.addf %add3A_896, %get3A_947 : vector<16xf32>
        %get3A_949 = arith.constant 0 : i32
        %get3A_950 = tpu.memref_slice %arg8[%add3A_918, %get3A_949] : memref<200x64xf32, #tpu.memory_space<vmem>> -> memref<1x64xf32, #tpu.memory_space<vmem>>
        %get3A_951 = tpu.memref_squeeze %get3A_950 : memref<1x64xf32, #tpu.memory_space<vmem>> -> memref<64xf32, #tpu.memory_space<vmem>>
        %get3A_952 = arith.constant 16 : index
        %get3A_953 = tpu.vector_load %get3A_951[%get3A_952] {strides = array<i32>} : memref<64xf32, #tpu.memory_space<vmem>>, vector<16xf32>,
        %add3A_954 = arith.addf %add3A_902, %get3A_953 : vector<16xf32>
        %get3A_955 = arith.constant 0 : i32
        %get3A_956 = tpu.memref_slice %arg8[%add3A_918, %get3A_955] : memref<200x64xf32, #tpu.memory_space<vmem>> -> memref<1x64xf32, #tpu.memory_space<vmem>>
        %get3A_957 = tpu.memref_squeeze %get3A_956 : memref<1x64xf32, #tpu.memory_space<vmem>> -> memref<64xf32, #tpu.memory_space<vmem>>
        %get3A_958 = arith.constant 32 : index
        %get3A_959 = tpu.vector_load %get3A_957[%get3A_958] {strides = array<i32>} : memref<64xf32, #tpu.memory_space<vmem>>, vector<16xf32>,
        %add3A_960 = arith.addf %add3A_908, %get3A_959 : vector<16xf32>
        %get3A_961 = arith.constant 0 : i32
        %get3A_962 = tpu.memref_slice %arg8[%add3A_918, %get3A_961] : memref<200x64xf32, #tpu.memory_space<vmem>> -> memref<1x64xf32, #tpu.memory_space<vmem>>
        %get3A_963 = tpu.memref_squeeze %get3A_962 : memref<1x64xf32, #tpu.memory_space<vmem>> -> memref<64xf32, #tpu.memory_space<vmem>>
        %get3A_964 = arith.constant 48 : index
        %get3A_965 = tpu.vector_load %get3A_963[%get3A_964] {strides = array<i32>} : memref<64xf32, #tpu.memory_space<vmem>>, vector<16xf32>,
        %add3A_966 = arith.addf %add3A_914, %get3A_965 : vector<16xf32>
        %scan3A_967 = arith.constant 6 : i32
        %scan3A_968 = arith.addi %scan3A_648, %scan3A_967 : i32
        %add3A_969 = arith.constant 100 : i32
        %add3A_970 = arith.addi %scan3A_968, %add3A_969 : i32
        %get3A_971 = arith.constant 0 : i32
        %get3A_972 = tpu.memref_slice %arg8[%scan3A_968, %get3A_971] : memref<200x64xf32, #tpu.memory_space<vmem>> -> memref<1x64xf32, #tpu.memory_space<vmem>>
        %get3A_973 = tpu.memref_squeeze %get3A_972 : memref<1x64xf32, #tpu.memory_space<vmem>> -> memref<64xf32, #tpu.memory_space<vmem>>
        %get3A_974 = arith.constant 0 : index
        %get3A_975 = tpu.vector_load %get3A_973[%get3A_974] {strides = array<i32>} : memref<64xf32, #tpu.memory_space<vmem>>, vector<16xf32>,
        %add3A_976 = arith.addf %add3A_924, %get3A_975 : vector<16xf32>
        %get3A_977 = arith.constant 0 : i32
        %get3A_978 = tpu.memref_slice %arg8[%scan3A_968, %get3A_977] : memref<200x64xf32, #tpu.memory_space<vmem>> -> memref<1x64xf32, #tpu.memory_space<vmem>>
        %get3A_979 = tpu.memref_squeeze %get3A_978 : memref<1x64xf32, #tpu.memory_space<vmem>> -> memref<64xf32, #tpu.memory_space<vmem>>
        %get3A_980 = arith.constant 16 : index
        %get3A_981 = tpu.vector_load %get3A_979[%get3A_980] {strides = array<i32>} : memref<64xf32, #tpu.memory_space<vmem>>, vector<16xf32>,
        %add3A_982 = arith.addf %add3A_930, %get3A_981 : vector<16xf32>
        %get3A_983 = arith.constant 0 : i32
        %get3A_984 = tpu.memref_slice %arg8[%scan3A_968, %get3A_983] : memref<200x64xf32, #tpu.memory_space<vmem>> -> memref<1x64xf32, #tpu.memory_space<vmem>>
        %get3A_985 = tpu.memref_squeeze %get3A_984 : memref<1x64xf32, #tpu.memory_space<vmem>> -> memref<64xf32, #tpu.memory_space<vmem>>
        %get3A_986 = arith.constant 32 : index
        %get3A_987 = tpu.vector_load %get3A_985[%get3A_986] {strides = array<i32>} : memref<64xf32, #tpu.memory_space<vmem>>, vector<16xf32>,
        %add3A_988 = arith.addf %add3A_936, %get3A_987 : vector<16xf32>
        %get3A_989 = arith.constant 0 : i32
        %get3A_990 = tpu.memref_slice %arg8[%scan3A_968, %get3A_989] : memref<200x64xf32, #tpu.memory_space<vmem>> -> memref<1x64xf32, #tpu.memory_space<vmem>>
        %get3A_991 = tpu.memref_squeeze %get3A_990 : memref<1x64xf32, #tpu.memory_space<vmem>> -> memref<64xf32, #tpu.memory_space<vmem>>
        %get3A_992 = arith.constant 48 : index
        %get3A_993 = tpu.vector_load %get3A_991[%get3A_992] {strides = array<i32>} : memref<64xf32, #tpu.memory_space<vmem>>, vector<16xf32>,
        %add3A_994 = arith.addf %add3A_942, %get3A_993 : vector<16xf32>
        %get3A_995 = arith.constant 0 : i32
        %get3A_996 = tpu.memref_slice %arg8[%add3A_970, %get3A_995] : memref<200x64xf32, #tpu.memory_space<vmem>> -> memref<1x64xf32, #tpu.memory_space<vmem>>
        %get3A_997 = tpu.memref_squeeze %get3A_996 : memref<1x64xf32, #tpu.memory_space<vmem>> -> memref<64xf32, #tpu.memory_space<vmem>>
        %get3A_998 = arith.constant 0 : index
        %get3A_999 = tpu.vector_load %get3A_997[%get3A_998] {strides = array<i32>} : memref<64xf32, #tpu.memory_space<vmem>>, vector<16xf32>,
        %add3A_1000 = arith.addf %add3A_948, %get3A_999 : vector<16xf32>
        %get3A_1001 = arith.constant 0 : i32
        %get3A_1002 = tpu.memref_slice %arg8[%add3A_970, %get3A_1001] : memref<200x64xf32, #tpu.memory_space<vmem>> -> memref<1x64xf32, #tpu.memory_space<vmem>>
        %get3A_1003 = tpu.memref_squeeze %get3A_1002 : memref<1x64xf32, #tpu.memory_space<vmem>> -> memref<64xf32, #tpu.memory_space<vmem>>
        %get3A_1004 = arith.constant 16 : index
        %get3A_1005 = tpu.vector_load %get3A_1003[%get3A_1004] {strides = array<i32>} : memref<64xf32, #tpu.memory_space<vmem>>, vector<16xf32>,
        %add3A_1006 = arith.addf %add3A_954, %get3A_1005 : vector<16xf32>
        %get3A_1007 = arith.constant 0 : i32
        %get3A_1008 = tpu.memref_slice %arg8[%add3A_970, %get3A_1007] : memref<200x64xf32, #tpu.memory_space<vmem>> -> memref<1x64xf32, #tpu.memory_space<vmem>>
        %get3A_1009 = tpu.memref_squeeze %get3A_1008 : memref<1x64xf32, #tpu.memory_space<vmem>> -> memref<64xf32, #tpu.memory_space<vmem>>
        %get3A_1010 = arith.constant 32 : index
        %get3A_1011 = tpu.vector_load %get3A_1009[%get3A_1010] {strides = array<i32>} : memref<64xf32, #tpu.memory_space<vmem>>, vector<16xf32>,
        %add3A_1012 = arith.addf %add3A_960, %get3A_1011 : vector<16xf32>
        %get3A_1013 = arith.constant 0 : i32
        %get3A_1014 = tpu.memref_slice %arg8[%add3A_970, %get3A_1013] : memref<200x64xf32, #tpu.memory_space<vmem>> -> memref<1x64xf32, #tpu.memory_space<vmem>>
        %get3A_1015 = tpu.memref_squeeze %get3A_1014 : memref<1x64xf32, #tpu.memory_space<vmem>> -> memref<64xf32, #tpu.memory_space<vmem>>
        %get3A_1016 = arith.constant 48 : index
        %get3A_1017 = tpu.vector_load %get3A_1015[%get3A_1016] {strides = array<i32>} : memref<64xf32, #tpu.memory_space<vmem>>, vector<16xf32>,
        %add3A_1018 = arith.addf %add3A_966, %get3A_1017 : vector<16xf32>
        %scan3A_1019 = arith.constant 7 : i32
        %scan3A_1020 = arith.addi %scan3A_648, %scan3A_1019 : i32
        %add3A_1021 = arith.constant 100 : i32
        %add3A_1022 = arith.addi %scan3A_1020, %add3A_1021 : i32
        %get3A_1023 = arith.constant 0 : i32
        %get3A_1024 = tpu.memref_slice %arg8[%scan3A_1020, %get3A_1023] : memref<200x64xf32, #tpu.memory_space<vmem>> -> memref<1x64xf32, #tpu.memory_space<vmem>>
        %get3A_1025 = tpu.memref_squeeze %get3A_1024 : memref<1x64xf32, #tpu.memory_space<vmem>> -> memref<64xf32, #tpu.memory_space<vmem>>
        %get3A_1026 = arith.constant 0 : index
        %get3A_1027 = tpu.vector_load %get3A_1025[%get3A_1026] {strides = array<i32>} : memref<64xf32, #tpu.memory_space<vmem>>, vector<16xf32>,
        %add3A_1028 = arith.addf %add3A_976, %get3A_1027 : vector<16xf32>
        %get3A_1029 = arith.constant 0 : i32
        %get3A_1030 = tpu.memref_slice %arg8[%scan3A_1020, %get3A_1029] : memref<200x64xf32, #tpu.memory_space<vmem>> -> memref<1x64xf32, #tpu.memory_space<vmem>>
        %get3A_1031 = tpu.memref_squeeze %get3A_1030 : memref<1x64xf32, #tpu.memory_space<vmem>> -> memref<64xf32, #tpu.memory_space<vmem>>
        %get3A_1032 = arith.constant 16 : index
        %get3A_1033 = tpu.vector_load %get3A_1031[%get3A_1032] {strides = array<i32>} : memref<64xf32, #tpu.memory_space<vmem>>, vector<16xf32>,
        %add3A_1034 = arith.addf %add3A_982, %get3A_1033 : vector<16xf32>
        %get3A_1035 = arith.constant 0 : i32
        %get3A_1036 = tpu.memref_slice %arg8[%scan3A_1020, %get3A_1035] : memref<200x64xf32, #tpu.memory_space<vmem>> -> memref<1x64xf32, #tpu.memory_space<vmem>>
        %get3A_1037 = tpu.memref_squeeze %get3A_1036 : memref<1x64xf32, #tpu.memory_space<vmem>> -> memref<64xf32, #tpu.memory_space<vmem>>
        %get3A_1038 = arith.constant 32 : index
        %get3A_1039 = tpu.vector_load %get3A_1037[%get3A_1038] {strides = array<i32>} : memref<64xf32, #tpu.memory_space<vmem>>, vector<16xf32>,
        %add3A_1040 = arith.addf %add3A_988, %get3A_1039 : vector<16xf32>
        %get3A_1041 = arith.constant 0 : i32
        %get3A_1042 = tpu.memref_slice %arg8[%scan3A_1020, %get3A_1041] : memref<200x64xf32, #tpu.memory_space<vmem>> -> memref<1x64xf32, #tpu.memory_space<vmem>>
        %get3A_1043 = tpu.memref_squeeze %get3A_1042 : memref<1x64xf32, #tpu.memory_space<vmem>> -> memref<64xf32, #tpu.memory_space<vmem>>
        %get3A_1044 = arith.constant 48 : index
        %get3A_1045 = tpu.vector_load %get3A_1043[%get3A_1044] {strides = array<i32>} : memref<64xf32, #tpu.memory_space<vmem>>, vector<16xf32>,
        %add3A_1046 = arith.addf %add3A_994, %get3A_1045 : vector<16xf32>
        %get3A_1047 = arith.constant 0 : i32
        %get3A_1048 = tpu.memref_slice %arg8[%add3A_1022, %get3A_1047] : memref<200x64xf32, #tpu.memory_space<vmem>> -> memref<1x64xf32, #tpu.memory_space<vmem>>
        %get3A_1049 = tpu.memref_squeeze %get3A_1048 : memref<1x64xf32, #tpu.memory_space<vmem>> -> memref<64xf32, #tpu.memory_space<vmem>>
        %get3A_1050 = arith.constant 0 : index
        %get3A_1051 = tpu.vector_load %get3A_1049[%get3A_1050] {strides = array<i32>} : memref<64xf32, #tpu.memory_space<vmem>>, vector<16xf32>,
        %add3A_1052 = arith.addf %add3A_1000, %get3A_1051 : vector<16xf32>
        %get3A_1053 = arith.constant 0 : i32
        %get3A_1054 = tpu.memref_slice %arg8[%add3A_1022, %get3A_1053] : memref<200x64xf32, #tpu.memory_space<vmem>> -> memref<1x64xf32, #tpu.memory_space<vmem>>
        %get3A_1055 = tpu.memref_squeeze %get3A_1054 : memref<1x64xf32, #tpu.memory_space<vmem>> -> memref<64xf32, #tpu.memory_space<vmem>>
        %get3A_1056 = arith.constant 16 : index
        %get3A_1057 = tpu.vector_load %get3A_1055[%get3A_1056] {strides = array<i32>} : memref<64xf32, #tpu.memory_space<vmem>>, vector<16xf32>,
        %add3A_1058 = arith.addf %add3A_1006, %get3A_1057 : vector<16xf32>
        %get3A_1059 = arith.constant 0 : i32
        %get3A_1060 = tpu.memref_slice %arg8[%add3A_1022, %get3A_1059] : memref<200x64xf32, #tpu.memory_space<vmem>> -> memref<1x64xf32, #tpu.memory_space<vmem>>
        %get3A_1061 = tpu.memref_squeeze %get3A_1060 : memref<1x64xf32, #tpu.memory_space<vmem>> -> memref<64xf32, #tpu.memory_space<vmem>>
        %get3A_1062 = arith.constant 32 : index
        %get3A_1063 = tpu.vector_load %get3A_1061[%get3A_1062] {strides = array<i32>} : memref<64xf32, #tpu.memory_space<vmem>>, vector<16xf32>,
        %add3A_1064 = arith.addf %add3A_1012, %get3A_1063 : vector<16xf32>
        %get3A_1065 = arith.constant 0 : i32
        %get3A_1066 = tpu.memref_slice %arg8[%add3A_1022, %get3A_1065] : memref<200x64xf32, #tpu.memory_space<vmem>> -> memref<1x64xf32, #tpu.memory_space<vmem>>
        %get3A_1067 = tpu.memref_squeeze %get3A_1066 : memref<1x64xf32, #tpu.memory_space<vmem>> -> memref<64xf32, #tpu.memory_space<vmem>>
        %get3A_1068 = arith.constant 48 : index
        %get3A_1069 = tpu.vector_load %get3A_1067[%get3A_1068] {strides = array<i32>} : memref<64xf32, #tpu.memory_space<vmem>>, vector<16xf32>,
        %add3A_1070 = arith.addf %add3A_1018, %get3A_1069 : vector<16xf32>
        scf.yield %add3A_1028, %add3A_1034, %add3A_1040, %add3A_1046, %add3A_1052, %add3A_1058, %add3A_1064, %add3A_1070 : vector<16xf32>, vector<16xf32>, vector<16xf32>, vector<16xf32>, vector<16xf32>, vector<16xf32>, vector<16xf32>, vector<16xf32>
      }
      %scan3A_369 = arith.constant 96 : i32
      %scan3A_370 = arith.addi %scan3A_364, %scan3A_369 : i32
      %add3A_371 = arith.constant 100 : i32
      %add3A_372 = arith.addi %scan3A_370, %add3A_371 : i32
      %get3A_373 = arith.constant 0 : i32
      %get3A_374 = tpu.memref_slice %arg8[%scan3A_370, %get3A_373] : memref<200x64xf32, #tpu.memory_space<vmem>> -> memref<1x64xf32, #tpu.memory_space<vmem>>
      %get3A_375 = tpu.memref_squeeze %get3A_374 : memref<1x64xf32, #tpu.memory_space<vmem>> -> memref<64xf32, #tpu.memory_space<vmem>>
      %get3A_376 = arith.constant 0 : index
      %get3A_377 = tpu.vector_load %get3A_375[%get3A_376] {strides = array<i32>} : memref<64xf32, #tpu.memory_space<vmem>>, vector<16xf32>,
      %add3A_378 = arith.addf %scan3A_368#0, %get3A_377 : vector<16xf32>
      %get3A_379 = arith.constant 0 : i32
      %get3A_380 = tpu.memref_slice %arg8[%scan3A_370, %get3A_379] : memref<200x64xf32, #tpu.memory_space<vmem>> -> memref<1x64xf32, #tpu.memory_space<vmem>>
      %get3A_381 = tpu.memref_squeeze %get3A_380 : memref<1x64xf32, #tpu.memory_space<vmem>> -> memref<64xf32, #tpu.memory_space<vmem>>
      %get3A_382 = arith.constant 16 : index
      %get3A_383 = tpu.vector_load %get3A_381[%get3A_382] {strides = array<i32>} : memref<64xf32, #tpu.memory_space<vmem>>, vector<16xf32>,
      %add3A_384 = arith.addf %scan3A_368#1, %get3A_383 : vector<16xf32>
      %get3A_385 = arith.constant 0 : i32
      %get3A_386 = tpu.memref_slice %arg8[%scan3A_370, %get3A_385] : memref<200x64xf32, #tpu.memory_space<vmem>> -> memref<1x64xf32, #tpu.memory_space<vmem>>
      %get3A_387 = tpu.memref_squeeze %get3A_386 : memref<1x64xf32, #tpu.memory_space<vmem>> -> memref<64xf32, #tpu.memory_space<vmem>>
      %get3A_388 = arith.constant 32 : index
      %get3A_389 = tpu.vector_load %get3A_387[%get3A_388] {strides = array<i32>} : memref<64xf32, #tpu.memory_space<vmem>>, vector<16xf32>,
      %add3A_390 = arith.addf %scan3A_368#2, %get3A_389 : vector<16xf32>
      %get3A_391 = arith.constant 0 : i32
      %get3A_392 = tpu.memref_slice %arg8[%scan3A_370, %get3A_391] : memref<200x64xf32, #tpu.memory_space<vmem>> -> memref<1x64xf32, #tpu.memory_space<vmem>>
      %get3A_393 = tpu.memref_squeeze %get3A_392 : memref<1x64xf32, #tpu.memory_space<vmem>> -> memref<64xf32, #tpu.memory_space<vmem>>
      %get3A_394 = arith.constant 48 : index
      %get3A_395 = tpu.vector_load %get3A_393[%get3A_394] {strides = array<i32>} : memref<64xf32, #tpu.memory_space<vmem>>, vector<16xf32>,
      %add3A_396 = arith.addf %scan3A_368#3, %get3A_395 : vector<16xf32>
      %get3A_397 = arith.constant 0 : i32
      %get3A_398 = tpu.memref_slice %arg8[%add3A_372, %get3A_397] : memref<200x64xf32, #tpu.memory_space<vmem>> -> memref<1x64xf32, #tpu.memory_space<vmem>>
      %get3A_399 = tpu.memref_squeeze %get3A_398 : memref<1x64xf32, #tpu.memory_space<vmem>> -> memref<64xf32, #tpu.memory_space<vmem>>
      %get3A_400 = arith.constant 0 : index
      %get3A_401 = tpu.vector_load %get3A_399[%get3A_400] {strides = array<i32>} : memref<64xf32, #tpu.memory_space<vmem>>, vector<16xf32>,
      %add3A_402 = arith.addf %scan3A_368#4, %get3A_401 : vector<16xf32>
      %get3A_403 = arith.constant 0 : i32
      %get3A_404 = tpu.memref_slice %arg8[%add3A_372, %get3A_403] : memref<200x64xf32, #tpu.memory_space<vmem>> -> memref<1x64xf32, #tpu.memory_space<vmem>>
      %get3A_405 = tpu.memref_squeeze %get3A_404 : memref<1x64xf32, #tpu.memory_space<vmem>> -> memref<64xf32, #tpu.memory_space<vmem>>
      %get3A_406 = arith.constant 16 : index
      %get3A_407 = tpu.vector_load %get3A_405[%get3A_406] {strides = array<i32>} : memref<64xf32, #tpu.memory_space<vmem>>, vector<16xf32>,
      %add3A_408 = arith.addf %scan3A_368#5, %get3A_407 : vector<16xf32>
      %get3A_409 = arith.constant 0 : i32
      %get3A_410 = tpu.memref_slice %arg8[%add3A_372, %get3A_409] : memref<200x64xf32, #tpu.memory_space<vmem>> -> memref<1x64xf32, #tpu.memory_space<vmem>>
      %get3A_411 = tpu.memref_squeeze %get3A_410 : memref<1x64xf32, #tpu.memory_space<vmem>> -> memref<64xf32, #tpu.memory_space<vmem>>
      %get3A_412 = arith.constant 32 : index
      %get3A_413 = tpu.vector_load %get3A_411[%get3A_412] {strides = array<i32>} : memref<64xf32, #tpu.memory_space<vmem>>, vector<16xf32>,
      %add3A_414 = arith.addf %scan3A_368#6, %get3A_413 : vector<16xf32>
      %get3A_415 = arith.constant 0 : i32
      %get3A_416 = tpu.memref_slice %arg8[%add3A_372, %get3A_415] : memref<200x64xf32, #tpu.memory_space<vmem>> -> memref<1x64xf32, #tpu.memory_space<vmem>>
      %get3A_417 = tpu.memref_squeeze %get3A_416 : memref<1x64xf32, #tpu.memory_space<vmem>> -> memref<64xf32, #tpu.memory_space<vmem>>
      %get3A_418 = arith.constant 48 : index
      %get3A_419 = tpu.vector_load %get3A_417[%get3A_418] {strides = array<i32>} : memref<64xf32, #tpu.memory_space<vmem>>, vector<16xf32>,
      %add3A_420 = arith.addf %scan3A_368#7, %get3A_419 : vector<16xf32>
      %scan3A_421 = arith.constant 97 : i32
      %scan3A_422 = arith.addi %scan3A_364, %scan3A_421 : i32
      %add3A_423 = arith.constant 100 : i32
      %add3A_424 = arith.addi %scan3A_422, %add3A_423 : i32
      %get3A_425 = arith.constant 0 : i32
      %get3A_426 = tpu.memref_slice %arg8[%scan3A_422, %get3A_425] : memref<200x64xf32, #tpu.memory_space<vmem>> -> memref<1x64xf32, #tpu.memory_space<vmem>>
      %get3A_427 = tpu.memref_squeeze %get3A_426 : memref<1x64xf32, #tpu.memory_space<vmem>> -> memref<64xf32, #tpu.memory_space<vmem>>
      %get3A_428 = arith.constant 0 : index
      %get3A_429 = tpu.vector_load %get3A_427[%get3A_428] {strides = array<i32>} : memref<64xf32, #tpu.memory_space<vmem>>, vector<16xf32>,
      %add3A_430 = arith.addf %add3A_378, %get3A_429 : vector<16xf32>
      %get3A_431 = arith.constant 0 : i32
      %get3A_432 = tpu.memref_slice %arg8[%scan3A_422, %get3A_431] : memref<200x64xf32, #tpu.memory_space<vmem>> -> memref<1x64xf32, #tpu.memory_space<vmem>>
      %get3A_433 = tpu.memref_squeeze %get3A_432 : memref<1x64xf32, #tpu.memory_space<vmem>> -> memref<64xf32, #tpu.memory_space<vmem>>
      %get3A_434 = arith.constant 16 : index
      %get3A_435 = tpu.vector_load %get3A_433[%get3A_434] {strides = array<i32>} : memref<64xf32, #tpu.memory_space<vmem>>, vector<16xf32>,
      %add3A_436 = arith.addf %add3A_384, %get3A_435 : vector<16xf32>
      %get3A_437 = arith.constant 0 : i32
      %get3A_438 = tpu.memref_slice %arg8[%scan3A_422, %get3A_437] : memref<200x64xf32, #tpu.memory_space<vmem>> -> memref<1x64xf32, #tpu.memory_space<vmem>>
      %get3A_439 = tpu.memref_squeeze %get3A_438 : memref<1x64xf32, #tpu.memory_space<vmem>> -> memref<64xf32, #tpu.memory_space<vmem>>
      %get3A_440 = arith.constant 32 : index
      %get3A_441 = tpu.vector_load %get3A_439[%get3A_440] {strides = array<i32>} : memref<64xf32, #tpu.memory_space<vmem>>, vector<16xf32>,
      %add3A_442 = arith.addf %add3A_390, %get3A_441 : vector<16xf32>
      %get3A_443 = arith.constant 0 : i32
      %get3A_444 = tpu.memref_slice %arg8[%scan3A_422, %get3A_443] : memref<200x64xf32, #tpu.memory_space<vmem>> -> memref<1x64xf32, #tpu.memory_space<vmem>>
      %get3A_445 = tpu.memref_squeeze %get3A_444 : memref<1x64xf32, #tpu.memory_space<vmem>> -> memref<64xf32, #tpu.memory_space<vmem>>
      %get3A_446 = arith.constant 48 : index
      %get3A_447 = tpu.vector_load %get3A_445[%get3A_446] {strides = array<i32>} : memref<64xf32, #tpu.memory_space<vmem>>, vector<16xf32>,
      %add3A_448 = arith.addf %add3A_396, %get3A_447 : vector<16xf32>
      %get3A_449 = arith.constant 0 : i32
      %get3A_450 = tpu.memref_slice %arg8[%add3A_424, %get3A_449] : memref<200x64xf32, #tpu.memory_space<vmem>> -> memref<1x64xf32, #tpu.memory_space<vmem>>
      %get3A_451 = tpu.memref_squeeze %get3A_450 : memref<1x64xf32, #tpu.memory_space<vmem>> -> memref<64xf32, #tpu.memory_space<vmem>>
      %get3A_452 = arith.constant 0 : index
      %get3A_453 = tpu.vector_load %get3A_451[%get3A_452] {strides = array<i32>} : memref<64xf32, #tpu.memory_space<vmem>>, vector<16xf32>,
      %add3A_454 = arith.addf %add3A_402, %get3A_453 : vector<16xf32>
      %get3A_455 = arith.constant 0 : i32
      %get3A_456 = tpu.memref_slice %arg8[%add3A_424, %get3A_455] : memref<200x64xf32, #tpu.memory_space<vmem>> -> memref<1x64xf32, #tpu.memory_space<vmem>>
      %get3A_457 = tpu.memref_squeeze %get3A_456 : memref<1x64xf32, #tpu.memory_space<vmem>> -> memref<64xf32, #tpu.memory_space<vmem>>
      %get3A_458 = arith.constant 16 : index
      %get3A_459 = tpu.vector_load %get3A_457[%get3A_458] {strides = array<i32>} : memref<64xf32, #tpu.memory_space<vmem>>, vector<16xf32>,
      %add3A_460 = arith.addf %add3A_408, %get3A_459 : vector<16xf32>
      %get3A_461 = arith.constant 0 : i32
      %get3A_462 = tpu.memref_slice %arg8[%add3A_424, %get3A_461] : memref<200x64xf32, #tpu.memory_space<vmem>> -> memref<1x64xf32, #tpu.memory_space<vmem>>
      %get3A_463 = tpu.memref_squeeze %get3A_462 : memref<1x64xf32, #tpu.memory_space<vmem>> -> memref<64xf32, #tpu.memory_space<vmem>>
      %get3A_464 = arith.constant 32 : index
      %get3A_465 = tpu.vector_load %get3A_463[%get3A_464] {strides = array<i32>} : memref<64xf32, #tpu.memory_space<vmem>>, vector<16xf32>,
      %add3A_466 = arith.addf %add3A_414, %get3A_465 : vector<16xf32>
      %get3A_467 = arith.constant 0 : i32
      %get3A_468 = tpu.memref_slice %arg8[%add3A_424, %get3A_467] : memref<200x64xf32, #tpu.memory_space<vmem>> -> memref<1x64xf32, #tpu.memory_space<vmem>>
      %get3A_469 = tpu.memref_squeeze %get3A_468 : memref<1x64xf32, #tpu.memory_space<vmem>> -> memref<64xf32, #tpu.memory_space<vmem>>
      %get3A_470 = arith.constant 48 : index
      %get3A_471 = tpu.vector_load %get3A_469[%get3A_470] {strides = array<i32>} : memref<64xf32, #tpu.memory_space<vmem>>, vector<16xf32>,
      %add3A_472 = arith.addf %add3A_420, %get3A_471 : vector<16xf32>
      %scan3A_473 = arith.constant 98 : i32
      %scan3A_474 = arith.addi %scan3A_364, %scan3A_473 : i32
      %add3A_475 = arith.constant 100 : i32
      %add3A_476 = arith.addi %scan3A_474, %add3A_475 : i32
      %get3A_477 = arith.constant 0 : i32
      %get3A_478 = tpu.memref_slice %arg8[%scan3A_474, %get3A_477] : memref<200x64xf32, #tpu.memory_space<vmem>> -> memref<1x64xf32, #tpu.memory_space<vmem>>
      %get3A_479 = tpu.memref_squeeze %get3A_478 : memref<1x64xf32, #tpu.memory_space<vmem>> -> memref<64xf32, #tpu.memory_space<vmem>>
      %get3A_480 = arith.constant 0 : index
      %get3A_481 = tpu.vector_load %get3A_479[%get3A_480] {strides = array<i32>} : memref<64xf32, #tpu.memory_space<vmem>>, vector<16xf32>,
      %add3A_482 = arith.addf %add3A_430, %get3A_481 : vector<16xf32>
      %get3A_483 = arith.constant 0 : i32
      %get3A_484 = tpu.memref_slice %arg8[%scan3A_474, %get3A_483] : memref<200x64xf32, #tpu.memory_space<vmem>> -> memref<1x64xf32, #tpu.memory_space<vmem>>
      %get3A_485 = tpu.memref_squeeze %get3A_484 : memref<1x64xf32, #tpu.memory_space<vmem>> -> memref<64xf32, #tpu.memory_space<vmem>>
      %get3A_486 = arith.constant 16 : index
      %get3A_487 = tpu.vector_load %get3A_485[%get3A_486] {strides = array<i32>} : memref<64xf32, #tpu.memory_space<vmem>>, vector<16xf32>,
      %add3A_488 = arith.addf %add3A_436, %get3A_487 : vector<16xf32>
      %get3A_489 = arith.constant 0 : i32
      %get3A_490 = tpu.memref_slice %arg8[%scan3A_474, %get3A_489] : memref<200x64xf32, #tpu.memory_space<vmem>> -> memref<1x64xf32, #tpu.memory_space<vmem>>
      %get3A_491 = tpu.memref_squeeze %get3A_490 : memref<1x64xf32, #tpu.memory_space<vmem>> -> memref<64xf32, #tpu.memory_space<vmem>>
      %get3A_492 = arith.constant 32 : index
      %get3A_493 = tpu.vector_load %get3A_491[%get3A_492] {strides = array<i32>} : memref<64xf32, #tpu.memory_space<vmem>>, vector<16xf32>,
      %add3A_494 = arith.addf %add3A_442, %get3A_493 : vector<16xf32>
      %get3A_495 = arith.constant 0 : i32
      %get3A_496 = tpu.memref_slice %arg8[%scan3A_474, %get3A_495] : memref<200x64xf32, #tpu.memory_space<vmem>> -> memref<1x64xf32, #tpu.memory_space<vmem>>
      %get3A_497 = tpu.memref_squeeze %get3A_496 : memref<1x64xf32, #tpu.memory_space<vmem>> -> memref<64xf32, #tpu.memory_space<vmem>>
      %get3A_498 = arith.constant 48 : index
      %get3A_499 = tpu.vector_load %get3A_497[%get3A_498] {strides = array<i32>} : memref<64xf32, #tpu.memory_space<vmem>>, vector<16xf32>,
      %add3A_500 = arith.addf %add3A_448, %get3A_499 : vector<16xf32>
      %get3A_501 = arith.constant 0 : i32
      %get3A_502 = tpu.memref_slice %arg8[%add3A_476, %get3A_501] : memref<200x64xf32, #tpu.memory_space<vmem>> -> memref<1x64xf32, #tpu.memory_space<vmem>>
      %get3A_503 = tpu.memref_squeeze %get3A_502 : memref<1x64xf32, #tpu.memory_space<vmem>> -> memref<64xf32, #tpu.memory_space<vmem>>
      %get3A_504 = arith.constant 0 : index
      %get3A_505 = tpu.vector_load %get3A_503[%get3A_504] {strides = array<i32>} : memref<64xf32, #tpu.memory_space<vmem>>, vector<16xf32>,
      %add3A_506 = arith.addf %add3A_454, %get3A_505 : vector<16xf32>
      %get3A_507 = arith.constant 0 : i32
      %get3A_508 = tpu.memref_slice %arg8[%add3A_476, %get3A_507] : memref<200x64xf32, #tpu.memory_space<vmem>> -> memref<1x64xf32, #tpu.memory_space<vmem>>
      %get3A_509 = tpu.memref_squeeze %get3A_508 : memref<1x64xf32, #tpu.memory_space<vmem>> -> memref<64xf32, #tpu.memory_space<vmem>>
      %get3A_510 = arith.constant 16 : index
      %get3A_511 = tpu.vector_load %get3A_509[%get3A_510] {strides = array<i32>} : memref<64xf32, #tpu.memory_space<vmem>>, vector<16xf32>,
      %add3A_512 = arith.addf %add3A_460, %get3A_511 : vector<16xf32>
      %get3A_513 = arith.constant 0 : i32
      %get3A_514 = tpu.memref_slice %arg8[%add3A_476, %get3A_513] : memref<200x64xf32, #tpu.memory_space<vmem>> -> memref<1x64xf32, #tpu.memory_space<vmem>>
      %get3A_515 = tpu.memref_squeeze %get3A_514 : memref<1x64xf32, #tpu.memory_space<vmem>> -> memref<64xf32, #tpu.memory_space<vmem>>
      %get3A_516 = arith.constant 32 : index
      %get3A_517 = tpu.vector_load %get3A_515[%get3A_516] {strides = array<i32>} : memref<64xf32, #tpu.memory_space<vmem>>, vector<16xf32>,
      %add3A_518 = arith.addf %add3A_466, %get3A_517 : vector<16xf32>
      %get3A_519 = arith.constant 0 : i32
      %get3A_520 = tpu.memref_slice %arg8[%add3A_476, %get3A_519] : memref<200x64xf32, #tpu.memory_space<vmem>> -> memref<1x64xf32, #tpu.memory_space<vmem>>
      %get3A_521 = tpu.memref_squeeze %get3A_520 : memref<1x64xf32, #tpu.memory_space<vmem>> -> memref<64xf32, #tpu.memory_space<vmem>>
      %get3A_522 = arith.constant 48 : index
      %get3A_523 = tpu.vector_load %get3A_521[%get3A_522] {strides = array<i32>} : memref<64xf32, #tpu.memory_space<vmem>>, vector<16xf32>,
      %add3A_524 = arith.addf %add3A_472, %get3A_523 : vector<16xf32>
      %scan3A_525 = arith.constant 99 : i32
      %scan3A_526 = arith.addi %scan3A_364, %scan3A_525 : i32
      %add3A_527 = arith.constant 100 : i32
      %add3A_528 = arith.addi %scan3A_526, %add3A_527 : i32
      %get3A_529 = arith.constant 0 : i32
      %get3A_530 = tpu.memref_slice %arg8[%scan3A_526, %get3A_529] : memref<200x64xf32, #tpu.memory_space<vmem>> -> memref<1x64xf32, #tpu.memory_space<vmem>>
      %get3A_531 = tpu.memref_squeeze %get3A_530 : memref<1x64xf32, #tpu.memory_space<vmem>> -> memref<64xf32, #tpu.memory_space<vmem>>
      %get3A_532 = arith.constant 0 : index
      %get3A_533 = tpu.vector_load %get3A_531[%get3A_532] {strides = array<i32>} : memref<64xf32, #tpu.memory_space<vmem>>, vector<16xf32>,
      %add3A_534 = arith.addf %add3A_482, %get3A_533 : vector<16xf32>
      %get3A_535 = arith.constant 0 : i32
      %get3A_536 = tpu.memref_slice %arg8[%scan3A_526, %get3A_535] : memref<200x64xf32, #tpu.memory_space<vmem>> -> memref<1x64xf32, #tpu.memory_space<vmem>>
      %get3A_537 = tpu.memref_squeeze %get3A_536 : memref<1x64xf32, #tpu.memory_space<vmem>> -> memref<64xf32, #tpu.memory_space<vmem>>
      %get3A_538 = arith.constant 16 : index
      %get3A_539 = tpu.vector_load %get3A_537[%get3A_538] {strides = array<i32>} : memref<64xf32, #tpu.memory_space<vmem>>, vector<16xf32>,
      %add3A_540 = arith.addf %add3A_488, %get3A_539 : vector<16xf32>
      %get3A_541 = arith.constant 0 : i32
      %get3A_542 = tpu.memref_slice %arg8[%scan3A_526, %get3A_541] : memref<200x64xf32, #tpu.memory_space<vmem>> -> memref<1x64xf32, #tpu.memory_space<vmem>>
      %get3A_543 = tpu.memref_squeeze %get3A_542 : memref<1x64xf32, #tpu.memory_space<vmem>> -> memref<64xf32, #tpu.memory_space<vmem>>
      %get3A_544 = arith.constant 32 : index
      %get3A_545 = tpu.vector_load %get3A_543[%get3A_544] {strides = array<i32>} : memref<64xf32, #tpu.memory_space<vmem>>, vector<16xf32>,
      %add3A_546 = arith.addf %add3A_494, %get3A_545 : vector<16xf32>
      %get3A_547 = arith.constant 0 : i32
      %get3A_548 = tpu.memref_slice %arg8[%scan3A_526, %get3A_547] : memref<200x64xf32, #tpu.memory_space<vmem>> -> memref<1x64xf32, #tpu.memory_space<vmem>>
      %get3A_549 = tpu.memref_squeeze %get3A_548 : memref<1x64xf32, #tpu.memory_space<vmem>> -> memref<64xf32, #tpu.memory_space<vmem>>
      %get3A_550 = arith.constant 48 : index
      %get3A_551 = tpu.vector_load %get3A_549[%get3A_550] {strides = array<i32>} : memref<64xf32, #tpu.memory_space<vmem>>, vector<16xf32>,
      %add3A_552 = arith.addf %add3A_500, %get3A_551 : vector<16xf32>
      %get3A_553 = arith.constant 0 : i32
      %get3A_554 = tpu.memref_slice %arg8[%add3A_528, %get3A_553] : memref<200x64xf32, #tpu.memory_space<vmem>> -> memref<1x64xf32, #tpu.memory_space<vmem>>
      %get3A_555 = tpu.memref_squeeze %get3A_554 : memref<1x64xf32, #tpu.memory_space<vmem>> -> memref<64xf32, #tpu.memory_space<vmem>>
      %get3A_556 = arith.constant 0 : index
      %get3A_557 = tpu.vector_load %get3A_555[%get3A_556] {strides = array<i32>} : memref<64xf32, #tpu.memory_space<vmem>>, vector<16xf32>,
      %add3A_558 = arith.addf %add3A_506, %get3A_557 : vector<16xf32>
      %get3A_559 = arith.constant 0 : i32
      %get3A_560 = tpu.memref_slice %arg8[%add3A_528, %get3A_559] : memref<200x64xf32, #tpu.memory_space<vmem>> -> memref<1x64xf32, #tpu.memory_space<vmem>>
      %get3A_561 = tpu.memref_squeeze %get3A_560 : memref<1x64xf32, #tpu.memory_space<vmem>> -> memref<64xf32, #tpu.memory_space<vmem>>
      %get3A_562 = arith.constant 16 : index
      %get3A_563 = tpu.vector_load %get3A_561[%get3A_562] {strides = array<i32>} : memref<64xf32, #tpu.memory_space<vmem>>, vector<16xf32>,
      %add3A_564 = arith.addf %add3A_512, %get3A_563 : vector<16xf32>
      %get3A_565 = arith.constant 0 : i32
      %get3A_566 = tpu.memref_slice %arg8[%add3A_528, %get3A_565] : memref<200x64xf32, #tpu.memory_space<vmem>> -> memref<1x64xf32, #tpu.memory_space<vmem>>
      %get3A_567 = tpu.memref_squeeze %get3A_566 : memref<1x64xf32, #tpu.memory_space<vmem>> -> memref<64xf32, #tpu.memory_space<vmem>>
      %get3A_568 = arith.constant 32 : index
      %get3A_569 = tpu.vector_load %get3A_567[%get3A_568] {strides = array<i32>} : memref<64xf32, #tpu.memory_space<vmem>>, vector<16xf32>,
      %add3A_570 = arith.addf %add3A_518, %get3A_569 : vector<16xf32>
      %get3A_571 = arith.constant 0 : i32
      %get3A_572 = tpu.memref_slice %arg8[%add3A_528, %get3A_571] : memref<200x64xf32, #tpu.memory_space<vmem>> -> memref<1x64xf32, #tpu.memory_space<vmem>>
      %get3A_573 = tpu.memref_squeeze %get3A_572 : memref<1x64xf32, #tpu.memory_space<vmem>> -> memref<64xf32, #tpu.memory_space<vmem>>
      %get3A_574 = arith.constant 48 : index
      %get3A_575 = tpu.vector_load %get3A_573[%get3A_574] {strides = array<i32>} : memref<64xf32, #tpu.memory_space<vmem>>, vector<16xf32>,
      %add3A_576 = arith.addf %add3A_524, %get3A_575 : vector<16xf32>
      %scan3A_577 = arith.constant 100 : i32
      %add3A_578 = arith.addf %add3A_534, %add3A_558 : vector<16xf32>
      %add3A_579 = arith.addf %add3A_540, %add3A_564 : vector<16xf32>
      %add3A_580 = arith.addf %add3A_546, %add3A_570 : vector<16xf32>
      %add3A_581 = arith.addf %add3A_552, %add3A_576 : vector<16xf32>
      %mul3A_582 = arith.constant 5.000000e-03 : f32
      %mul3A_583 = vector.broadcast %mul3A_582 : f32 to vector<16xf32>
      %mul3A_584 = arith.mulf %add3A_578, %mul3A_583 : vector<16xf32>
      %neg3A_585 = arith.constant 0.000000e+00 : f32
      %neg3A_586 = vector.broadcast %neg3A_585 : f32 to vector<16xf32>
      %neg3A_587 = arith.subf %neg3A_586, %mul3A_584 : vector<16xf32>
      %exp3A_588 = math.exp %neg3A_587 : vector<16xf32>
      %add3A_589 = arith.constant 1.000000e+00 : f32
      %add3A_590 = vector.broadcast %add3A_589 : f32 to vector<16xf32>
      %add3A_591 = arith.addf %add3A_590, %exp3A_588 : vector<16xf32>
      %div3A_592 = arith.constant 1.000000e+00 : f32
      %div3A_593 = vector.broadcast %div3A_592 : f32 to vector<16xf32>
      %div3A_594 = arith.divf %div3A_593, %add3A_591 : vector<16xf32>
      %mul3A_595 = arith.constant 5.000000e-03 : f32
      %mul3A_596 = vector.broadcast %mul3A_595 : f32 to vector<16xf32>
      %mul3A_597 = arith.mulf %add3A_579, %mul3A_596 : vector<16xf32>
      %neg3A_598 = arith.constant 0.000000e+00 : f32
      %neg3A_599 = vector.broadcast %neg3A_598 : f32 to vector<16xf32>
      %neg3A_600 = arith.subf %neg3A_599, %mul3A_597 : vector<16xf32>
      %exp3A_601 = math.exp %neg3A_600 : vector<16xf32>
      %add3A_602 = arith.constant 1.000000e+00 : f32
      %add3A_603 = vector.broadcast %add3A_602 : f32 to vector<16xf32>
      %add3A_604 = arith.addf %add3A_603, %exp3A_601 : vector<16xf32>
      %div3A_605 = arith.constant 1.000000e+00 : f32
      %div3A_606 = vector.broadcast %div3A_605 : f32 to vector<16xf32>
      %div3A_607 = arith.divf %div3A_606, %add3A_604 : vector<16xf32>
      %mul3A_608 = arith.constant 5.000000e-03 : f32
      %mul3A_609 = vector.broadcast %mul3A_608 : f32 to vector<16xf32>
      %mul3A_610 = arith.mulf %add3A_580, %mul3A_609 : vector<16xf32>
      %neg3A_611 = arith.constant 0.000000e+00 : f32
      %neg3A_612 = vector.broadcast %neg3A_611 : f32 to vector<16xf32>
      %neg3A_613 = arith.subf %neg3A_612, %mul3A_610 : vector<16xf32>
      %exp3A_614 = math.exp %neg3A_613 : vector<16xf32>
      %add3A_615 = arith.constant 1.000000e+00 : f32
      %add3A_616 = vector.broadcast %add3A_615 : f32 to vector<16xf32>
      %add3A_617 = arith.addf %add3A_616, %exp3A_614 : vector<16xf32>
      %div3A_618 = arith.constant 1.000000e+00 : f32
      %div3A_619 = vector.broadcast %div3A_618 : f32 to vector<16xf32>
      %div3A_620 = arith.divf %div3A_619, %add3A_617 : vector<16xf32>
      %mul3A_621 = arith.constant 5.000000e-03 : f32
      %mul3A_622 = vector.broadcast %mul3A_621 : f32 to vector<16xf32>
      %mul3A_623 = arith.mulf %add3A_581, %mul3A_622 : vector<16xf32>
      %neg3A_624 = arith.constant 0.000000e+00 : f32
      %neg3A_625 = vector.broadcast %neg3A_624 : f32 to vector<16xf32>
      %neg3A_626 = arith.subf %neg3A_625, %mul3A_623 : vector<16xf32>
      %exp3A_627 = math.exp %neg3A_626 : vector<16xf32>
      %add3A_628 = arith.constant 1.000000e+00 : f32
      %add3A_629 = vector.broadcast %add3A_628 : f32 to vector<16xf32>
      %add3A_630 = arith.addf %add3A_629, %exp3A_627 : vector<16xf32>
      %div3A_631 = arith.constant 1.000000e+00 : f32
      %div3A_632 = vector.broadcast %div3A_631 : f32 to vector<16xf32>
      %div3A_633 = arith.divf %div3A_632, %add3A_630 : vector<16xf32>
      %mul3A_634 = arith.mulf %div3A_594, %get3A_3 : vector<16xf32>
      %mul3A_635 = arith.mulf %div3A_607, %get3A_5 : vector<16xf32>
      %add3A_636 = arith.addf %mul3A_634, %mul3A_635 : vector<16xf32>
      %mul3A_637 = arith.mulf %div3A_620, %get3A_7 : vector<16xf32>
      %add3A_638 = arith.addf %add3A_636, %mul3A_637 : vector<16xf32>
      %mul3A_639 = arith.mulf %div3A_633, %get3A_9 : vector<16xf32>
      %add3A_640 = arith.addf %add3A_638, %mul3A_639 : vector<16xf32>
      %add3A_641 = arith.addf %add3A_640, %get3A_11 : vector<16xf32>
      %reduce_sum3A_642 = arith.constant true
      %reduce_sum3A_643 = vector.broadcast %reduce_sum3A_642 : i1 to vector<16xi1>
      %reduce_sum3A_644 = tpu.scan <sum>, %add3A_641 masked %reduce_sum3A_643 : vector<16xf32>, vector<16xi1> -> vector<16xf32>
      %reduce_sum3A_645 = vector.extract %reduce_sum3A_644[15] : f32 from vector<16xf32>
      %swap3A_646 = arith.index_cast %add3A_361 : i32 to index
      %swap3A_647 = memref.load %arg11[%swap3A_646] : memref<512xf32, #tpu.memory_space<smem>>
      memref.store %reduce_sum3A_645, %arg11[%swap3A_646] : memref<512xf32, #tpu.memory_space<smem>>
    }
    %scan3A_35 = arith.constant 256 : i32
    %iota3A = tpu.iota {dimensions = array<i32: 0>} : vector<16xi32>
    %scan3A_36 = arith.constant 0 : i32
    %scan3A_37 = arith.constant 0 : i32
    %scan3A_38 = arith.constant 32 : i32
    %scan3A_39 = arith.addi %scan3A_37, %scan3A_38 : i32
    %scan3A_40 = arith.constant 1 : i32
    scf.for %scan3A_42 = %scan3A_37 to %scan3A_39 step %scan3A_40  : i32 {
      %broadcast_in_dim3A = arith.constant 0.000000e+00 : f32
      %broadcast_in_dim3A_43 = vector.broadcast %broadcast_in_dim3A : f32 to vector<16xf32>
      %scan3A_44 = arith.constant 0 : i32
      %scan3A_45 = arith.constant 16 : i32
      %scan3A_46 = arith.addi %scan3A_44, %scan3A_45 : i32
      %scan3A_47 = arith.constant 1 : i32
      %scan3A_48 = scf.for %scan3A_60 = %scan3A_44 to %scan3A_46 step %scan3A_47 iter_args(%scan3A_61 = %broadcast_in_dim3A_43) -> (vector<16xf32>)  : i32 {
        %eq3A = vector.broadcast %scan3A_60 : i32 to vector<16xi32>
        %eq3A_62 = arith.cmpi eq, %iota3A, %eq3A : vector<16xi32>
        %mul3A_63 = arith.constant 16 : i32
        %mul3A_64 = arith.muli %scan3A_42, %mul3A_63 : i32
        %add3A_65 = arith.addi %mul3A_64, %scan3A_60 : i32
        %get3A_66 = arith.index_cast %add3A_65 : i32 to index
        %get3A_67 = memref.load %arg11[%get3A_66] : memref<512xf32, #tpu.memory_space<smem>>
        %broadcast_in_dim3A_68 = vector.broadcast %get3A_67 : f32 to vector<16xf32>
        %select_n3A = arith.select %eq3A_62, %broadcast_in_dim3A_68, %scan3A_61 : vector<16xi1>, vector<16xf32>
        scf.yield %select_n3A : vector<16xf32>
      }
      %scan3A_49 = arith.constant 16 : i32
      %neg3A = arith.constant 0.000000e+00 : f32
      %neg3A_50 = vector.broadcast %neg3A : f32 to vector<16xf32>
      %neg3A_51 = arith.subf %neg3A_50, %scan3A_48 : vector<16xf32>
      %exp3A = math.exp %neg3A_51 : vector<16xf32>
      %add3A_52 = arith.constant 1.000000e+00 : f32
      %add3A_53 = vector.broadcast %add3A_52 : f32 to vector<16xf32>
      %add3A_54 = arith.addf %add3A_53, %exp3A : vector<16xf32>
      %div3A = arith.constant 1.000000e+00 : f32
      %div3A_55 = vector.broadcast %div3A : f32 to vector<16xf32>
      %div3A_56 = arith.divf %div3A_55, %add3A_54 : vector<16xf32>
      %mul3A_57 = arith.constant 16 : i32
      %mul3A_58 = arith.muli %scan3A_42, %mul3A_57 : i32
      %swap3A = arith.index_cast %mul3A_58 : i32 to index
      %swap3A_59 = tpu.vector_load %arg10[%swap3A] {strides = array<i32>} : memref<512xf32, #tpu.memory_space<vmem>>, vector<16xf32>,
      tpu.vector_store %arg10[%swap3A], %div3A_56 {strides = array<i32>} : memref<512xf32, #tpu.memory_space<vmem>>, vector<16xf32>,
    }
    %scan3A_41 = arith.constant 32 : i32
    "tpu.region"() ({
      %run_scoped3A = tpu.sem_alloc : memref<!tpu.dma_semaphore, #tpu.memory_space<semaphore_mem>>
      %dma_start3A_42 = tpu.memref_slice %arg5[%mul3A_2] : memref<16384xf32, #tpu.memory_space<hbm>> -> memref<512xf32, #tpu.memory_space<hbm>>
      %dma_start3A_43 = tpu.memref_slice %arg5[%mul3A_2] : memref<16384xf32, #tpu.memory_space<hbm>> -> memref<512xf32, #tpu.memory_space<hbm>>
      tpu.enqueue_dma source(%arg10 : memref<512xf32, #tpu.memory_space<vmem>>) target(%dma_start3A_43 : memref<512xf32, #tpu.memory_space<hbm>>) target_semaphore(%run_scoped3A : memref<!tpu.dma_semaphore, #tpu.memory_space<semaphore_mem>>)
      %dma_wait3A = tpu.memref_slice %arg5[%mul3A_2] : memref<16384xf32, #tpu.memory_space<hbm>> -> memref<512xf32, #tpu.memory_space<hbm>>
      %dma_wait3A_44 = tpu.memref_slice %arg5[%mul3A_2] : memref<16384xf32, #tpu.memory_space<hbm>> -> memref<512xf32, #tpu.memory_space<hbm>>
      tpu.wait_dma2 semaphore(%run_scoped3A : memref<!tpu.dma_semaphore, #tpu.memory_space<semaphore_mem>>) src(%arg10 : memref<512xf32, #tpu.memory_space<vmem>>) dst(%dma_wait3A_44 : memref<512xf32, #tpu.memory_space<hbm>>)
      tpu.yield
    }) : () -> ()
    return
  }
}

module attributes {stable_mosaic.version = 14 : i64} {
  func.func @_tr_body(%arg0: i32, %arg1: memref<64x8192xf32, #tpu.memory_space<vmem>>, %arg2: memref<64x8192xf32, #tpu.memory_space<vmem>>, %arg3: memref<8192x128xf32, #tpu.memory_space<vmem>>) attributes {dimension_semantics = [#tpu.dimension_semantics<arbitrary>], iteration_bounds = array<i64: 61>, scalar_prefetch = 0 : i64, scratch_operands = 0 : i64, tpu.core_type = #tpu.core_type<tc>, window_params = [{transform_indices = @transform_0, window_bounds = array<i64: 64, 8192>}, {transform_indices = @transform_1, window_bounds = array<i64: 64, 8192>}, {transform_indices = @transform_2, window_bounds = array<i64: 8192, 128>}]} {
    %get3A = arith.constant 0 : index
    %get3A_0 = arith.constant 0 : index
    %get3A_1 = vector.load %arg1[%get3A, %get3A_0] : memref<64x8192xf32, #tpu.memory_space<vmem>>, vector<64x1024xf32>
    %transpose3A = tpu.transpose %get3A_1, [1, 0] : vector<64x1024xf32> -> vector<1024x64xf32>
    %swap3A = arith.constant 0 : index
    %swap3A_2 = arith.constant 0 : index
    %swap3A_3 = vector.load %arg3[%swap3A, %swap3A_2] : memref<8192x128xf32, #tpu.memory_space<vmem>>, vector<1024x64xf32>
    tpu.vector_store %arg3[%swap3A, %swap3A_2], %transpose3A {strides = array<i32>} : memref<8192x128xf32, #tpu.memory_space<vmem>>, vector<1024x64xf32>,
    %get3A_4 = arith.constant 0 : index
    %get3A_5 = arith.constant 0 : index
    %get3A_6 = vector.load %arg2[%get3A_4, %get3A_5] : memref<64x8192xf32, #tpu.memory_space<vmem>>, vector<64x1024xf32>
    %transpose3A_7 = tpu.transpose %get3A_6, [1, 0] : vector<64x1024xf32> -> vector<1024x64xf32>
    %swap3A_8 = arith.constant 0 : index
    %swap3A_9 = arith.constant 64 : index
    %swap3A_10 = vector.load %arg3[%swap3A_8, %swap3A_9] : memref<8192x128xf32, #tpu.memory_space<vmem>>, vector<1024x64xf32>
    tpu.vector_store %arg3[%swap3A_8, %swap3A_9], %transpose3A_7 {strides = array<i32>} : memref<8192x128xf32, #tpu.memory_space<vmem>>, vector<1024x64xf32>,
    %get3A_11 = arith.constant 0 : index
    %get3A_12 = arith.constant 1024 : index
    %get3A_13 = vector.load %arg1[%get3A_11, %get3A_12] : memref<64x8192xf32, #tpu.memory_space<vmem>>, vector<64x1024xf32>
    %transpose3A_14 = tpu.transpose %get3A_13, [1, 0] : vector<64x1024xf32> -> vector<1024x64xf32>
    %swap3A_15 = arith.constant 1024 : index
    %swap3A_16 = arith.constant 0 : index
    %swap3A_17 = vector.load %arg3[%swap3A_15, %swap3A_16] : memref<8192x128xf32, #tpu.memory_space<vmem>>, vector<1024x64xf32>
    tpu.vector_store %arg3[%swap3A_15, %swap3A_16], %transpose3A_14 {strides = array<i32>} : memref<8192x128xf32, #tpu.memory_space<vmem>>, vector<1024x64xf32>,
    %get3A_18 = arith.constant 0 : index
    %get3A_19 = arith.constant 1024 : index
    %get3A_20 = vector.load %arg2[%get3A_18, %get3A_19] : memref<64x8192xf32, #tpu.memory_space<vmem>>, vector<64x1024xf32>
    %transpose3A_21 = tpu.transpose %get3A_20, [1, 0] : vector<64x1024xf32> -> vector<1024x64xf32>
    %swap3A_22 = arith.constant 1024 : index
    %swap3A_23 = arith.constant 64 : index
    %swap3A_24 = vector.load %arg3[%swap3A_22, %swap3A_23] : memref<8192x128xf32, #tpu.memory_space<vmem>>, vector<1024x64xf32>
    tpu.vector_store %arg3[%swap3A_22, %swap3A_23], %transpose3A_21 {strides = array<i32>} : memref<8192x128xf32, #tpu.memory_space<vmem>>, vector<1024x64xf32>,
    %get3A_25 = arith.constant 0 : index
    %get3A_26 = arith.constant 2048 : index
    %get3A_27 = vector.load %arg1[%get3A_25, %get3A_26] : memref<64x8192xf32, #tpu.memory_space<vmem>>, vector<64x1024xf32>
    %transpose3A_28 = tpu.transpose %get3A_27, [1, 0] : vector<64x1024xf32> -> vector<1024x64xf32>
    %swap3A_29 = arith.constant 2048 : index
    %swap3A_30 = arith.constant 0 : index
    %swap3A_31 = vector.load %arg3[%swap3A_29, %swap3A_30] : memref<8192x128xf32, #tpu.memory_space<vmem>>, vector<1024x64xf32>
    tpu.vector_store %arg3[%swap3A_29, %swap3A_30], %transpose3A_28 {strides = array<i32>} : memref<8192x128xf32, #tpu.memory_space<vmem>>, vector<1024x64xf32>,
    %get3A_32 = arith.constant 0 : index
    %get3A_33 = arith.constant 2048 : index
    %get3A_34 = vector.load %arg2[%get3A_32, %get3A_33] : memref<64x8192xf32, #tpu.memory_space<vmem>>, vector<64x1024xf32>
    %transpose3A_35 = tpu.transpose %get3A_34, [1, 0] : vector<64x1024xf32> -> vector<1024x64xf32>
    %swap3A_36 = arith.constant 2048 : index
    %swap3A_37 = arith.constant 64 : index
    %swap3A_38 = vector.load %arg3[%swap3A_36, %swap3A_37] : memref<8192x128xf32, #tpu.memory_space<vmem>>, vector<1024x64xf32>
    tpu.vector_store %arg3[%swap3A_36, %swap3A_37], %transpose3A_35 {strides = array<i32>} : memref<8192x128xf32, #tpu.memory_space<vmem>>, vector<1024x64xf32>,
    %get3A_39 = arith.constant 0 : index
    %get3A_40 = arith.constant 3072 : index
    %get3A_41 = vector.load %arg1[%get3A_39, %get3A_40] : memref<64x8192xf32, #tpu.memory_space<vmem>>, vector<64x1024xf32>
    %transpose3A_42 = tpu.transpose %get3A_41, [1, 0] : vector<64x1024xf32> -> vector<1024x64xf32>
    %swap3A_43 = arith.constant 3072 : index
    %swap3A_44 = arith.constant 0 : index
    %swap3A_45 = vector.load %arg3[%swap3A_43, %swap3A_44] : memref<8192x128xf32, #tpu.memory_space<vmem>>, vector<1024x64xf32>
    tpu.vector_store %arg3[%swap3A_43, %swap3A_44], %transpose3A_42 {strides = array<i32>} : memref<8192x128xf32, #tpu.memory_space<vmem>>, vector<1024x64xf32>,
    %get3A_46 = arith.constant 0 : index
    %get3A_47 = arith.constant 3072 : index
    %get3A_48 = vector.load %arg2[%get3A_46, %get3A_47] : memref<64x8192xf32, #tpu.memory_space<vmem>>, vector<64x1024xf32>
    %transpose3A_49 = tpu.transpose %get3A_48, [1, 0] : vector<64x1024xf32> -> vector<1024x64xf32>
    %swap3A_50 = arith.constant 3072 : index
    %swap3A_51 = arith.constant 64 : index
    %swap3A_52 = vector.load %arg3[%swap3A_50, %swap3A_51] : memref<8192x128xf32, #tpu.memory_space<vmem>>, vector<1024x64xf32>
    tpu.vector_store %arg3[%swap3A_50, %swap3A_51], %transpose3A_49 {strides = array<i32>} : memref<8192x128xf32, #tpu.memory_space<vmem>>, vector<1024x64xf32>,
    %get3A_53 = arith.constant 0 : index
    %get3A_54 = arith.constant 4096 : index
    %get3A_55 = vector.load %arg1[%get3A_53, %get3A_54] : memref<64x8192xf32, #tpu.memory_space<vmem>>, vector<64x1024xf32>
    %transpose3A_56 = tpu.transpose %get3A_55, [1, 0] : vector<64x1024xf32> -> vector<1024x64xf32>
    %swap3A_57 = arith.constant 4096 : index
    %swap3A_58 = arith.constant 0 : index
    %swap3A_59 = vector.load %arg3[%swap3A_57, %swap3A_58] : memref<8192x128xf32, #tpu.memory_space<vmem>>, vector<1024x64xf32>
    tpu.vector_store %arg3[%swap3A_57, %swap3A_58], %transpose3A_56 {strides = array<i32>} : memref<8192x128xf32, #tpu.memory_space<vmem>>, vector<1024x64xf32>,
    %get3A_60 = arith.constant 0 : index
    %get3A_61 = arith.constant 4096 : index
    %get3A_62 = vector.load %arg2[%get3A_60, %get3A_61] : memref<64x8192xf32, #tpu.memory_space<vmem>>, vector<64x1024xf32>
    %transpose3A_63 = tpu.transpose %get3A_62, [1, 0] : vector<64x1024xf32> -> vector<1024x64xf32>
    %swap3A_64 = arith.constant 4096 : index
    %swap3A_65 = arith.constant 64 : index
    %swap3A_66 = vector.load %arg3[%swap3A_64, %swap3A_65] : memref<8192x128xf32, #tpu.memory_space<vmem>>, vector<1024x64xf32>
    tpu.vector_store %arg3[%swap3A_64, %swap3A_65], %transpose3A_63 {strides = array<i32>} : memref<8192x128xf32, #tpu.memory_space<vmem>>, vector<1024x64xf32>,
    %get3A_67 = arith.constant 0 : index
    %get3A_68 = arith.constant 5120 : index
    %get3A_69 = vector.load %arg1[%get3A_67, %get3A_68] : memref<64x8192xf32, #tpu.memory_space<vmem>>, vector<64x1024xf32>
    %transpose3A_70 = tpu.transpose %get3A_69, [1, 0] : vector<64x1024xf32> -> vector<1024x64xf32>
    %swap3A_71 = arith.constant 5120 : index
    %swap3A_72 = arith.constant 0 : index
    %swap3A_73 = vector.load %arg3[%swap3A_71, %swap3A_72] : memref<8192x128xf32, #tpu.memory_space<vmem>>, vector<1024x64xf32>
    tpu.vector_store %arg3[%swap3A_71, %swap3A_72], %transpose3A_70 {strides = array<i32>} : memref<8192x128xf32, #tpu.memory_space<vmem>>, vector<1024x64xf32>,
    %get3A_74 = arith.constant 0 : index
    %get3A_75 = arith.constant 5120 : index
    %get3A_76 = vector.load %arg2[%get3A_74, %get3A_75] : memref<64x8192xf32, #tpu.memory_space<vmem>>, vector<64x1024xf32>
    %transpose3A_77 = tpu.transpose %get3A_76, [1, 0] : vector<64x1024xf32> -> vector<1024x64xf32>
    %swap3A_78 = arith.constant 5120 : index
    %swap3A_79 = arith.constant 64 : index
    %swap3A_80 = vector.load %arg3[%swap3A_78, %swap3A_79] : memref<8192x128xf32, #tpu.memory_space<vmem>>, vector<1024x64xf32>
    tpu.vector_store %arg3[%swap3A_78, %swap3A_79], %transpose3A_77 {strides = array<i32>} : memref<8192x128xf32, #tpu.memory_space<vmem>>, vector<1024x64xf32>,
    %get3A_81 = arith.constant 0 : index
    %get3A_82 = arith.constant 6144 : index
    %get3A_83 = vector.load %arg1[%get3A_81, %get3A_82] : memref<64x8192xf32, #tpu.memory_space<vmem>>, vector<64x1024xf32>
    %transpose3A_84 = tpu.transpose %get3A_83, [1, 0] : vector<64x1024xf32> -> vector<1024x64xf32>
    %swap3A_85 = arith.constant 6144 : index
    %swap3A_86 = arith.constant 0 : index
    %swap3A_87 = vector.load %arg3[%swap3A_85, %swap3A_86] : memref<8192x128xf32, #tpu.memory_space<vmem>>, vector<1024x64xf32>
    tpu.vector_store %arg3[%swap3A_85, %swap3A_86], %transpose3A_84 {strides = array<i32>} : memref<8192x128xf32, #tpu.memory_space<vmem>>, vector<1024x64xf32>,
    %get3A_88 = arith.constant 0 : index
    %get3A_89 = arith.constant 6144 : index
    %get3A_90 = vector.load %arg2[%get3A_88, %get3A_89] : memref<64x8192xf32, #tpu.memory_space<vmem>>, vector<64x1024xf32>
    %transpose3A_91 = tpu.transpose %get3A_90, [1, 0] : vector<64x1024xf32> -> vector<1024x64xf32>
    %swap3A_92 = arith.constant 6144 : index
    %swap3A_93 = arith.constant 64 : index
    %swap3A_94 = vector.load %arg3[%swap3A_92, %swap3A_93] : memref<8192x128xf32, #tpu.memory_space<vmem>>, vector<1024x64xf32>
    tpu.vector_store %arg3[%swap3A_92, %swap3A_93], %transpose3A_91 {strides = array<i32>} : memref<8192x128xf32, #tpu.memory_space<vmem>>, vector<1024x64xf32>,
    %get3A_95 = arith.constant 0 : index
    %get3A_96 = arith.constant 7168 : index
    %get3A_97 = vector.load %arg1[%get3A_95, %get3A_96] : memref<64x8192xf32, #tpu.memory_space<vmem>>, vector<64x1024xf32>
    %transpose3A_98 = tpu.transpose %get3A_97, [1, 0] : vector<64x1024xf32> -> vector<1024x64xf32>
    %swap3A_99 = arith.constant 7168 : index
    %swap3A_100 = arith.constant 0 : index
    %swap3A_101 = vector.load %arg3[%swap3A_99, %swap3A_100] : memref<8192x128xf32, #tpu.memory_space<vmem>>, vector<1024x64xf32>
    tpu.vector_store %arg3[%swap3A_99, %swap3A_100], %transpose3A_98 {strides = array<i32>} : memref<8192x128xf32, #tpu.memory_space<vmem>>, vector<1024x64xf32>,
    %get3A_102 = arith.constant 0 : index
    %get3A_103 = arith.constant 7168 : index
    %get3A_104 = vector.load %arg2[%get3A_102, %get3A_103] : memref<64x8192xf32, #tpu.memory_space<vmem>>, vector<64x1024xf32>
    %transpose3A_105 = tpu.transpose %get3A_104, [1, 0] : vector<64x1024xf32> -> vector<1024x64xf32>
    %swap3A_106 = arith.constant 7168 : index
    %swap3A_107 = arith.constant 64 : index
    %swap3A_108 = vector.load %arg3[%swap3A_106, %swap3A_107] : memref<8192x128xf32, #tpu.memory_space<vmem>>, vector<1024x64xf32>
    tpu.vector_store %arg3[%swap3A_106, %swap3A_107], %transpose3A_105 {strides = array<i32>} : memref<8192x128xf32, #tpu.memory_space<vmem>>, vector<1024x64xf32>,
    return
  }
  func.func @transform_0(%arg0: i32) -> (i32, i32) {
    %c0_i32 = arith.constant 0 : i32
    %c0_i32_0 = arith.constant 0 : i32
    return %c0_i32, %arg0 : i32, i32
  }
  func.func @transform_1(%arg0: i32) -> (i32, i32) {
    %add3A = arith.constant 61 : i32
    %add3A_0 = arith.addi %arg0, %add3A : i32
    %c0_i32 = arith.constant 0 : i32
    %c0_i32_1 = arith.constant 0 : i32
    return %c0_i32, %add3A_0 : i32, i32
  }
  func.func @transform_2(%arg0: i32) -> (i32, i32) {
    %c0_i32 = arith.constant 0 : i32
    %c0_i32_0 = arith.constant 0 : i32
    return %arg0, %c0_i32 : i32, i32
  }
}

module attributes {stable_mosaic.version = 14 : i64} {
  func.func @_tail_body(%arg0: i32, %arg1: memref<64x128xf32, #tpu.memory_space<vmem>>, %arg2: memref<500352x128xf32, #tpu.memory_space<any>>, %arg3: memref<128x128xf32, #tpu.memory_space<vmem>>) attributes {dimension_semantics = [#tpu.dimension_semantics<arbitrary>], iteration_bounds = array<i64: 5>, scalar_prefetch = 0 : i64, scratch_operands = 0 : i64, tpu.core_type = #tpu.core_type<tc>, window_params = [{transform_indices = @transform_0, window_bounds = array<i64: 64, 128>}, {}, {transform_indices = @transform_2, window_bounds = array<i64: 128, 128>}]} {
    %broadcast_in_dim3A = arith.constant 0.000000e+00 : f32
    %broadcast_in_dim3A_0 = vector.broadcast %broadcast_in_dim3A : f32 to vector<128x64xf32>
    %swap3A = arith.constant 0 : index
    %swap3A_1 = arith.constant 0 : index
    %swap3A_2 = vector.load %arg3[%swap3A, %swap3A_1] : memref<128x128xf32, #tpu.memory_space<vmem>>, vector<128x64xf32>
    tpu.vector_store %arg3[%swap3A, %swap3A_1], %broadcast_in_dim3A_0 {strides = array<i32>} : memref<128x128xf32, #tpu.memory_space<vmem>>, vector<128x64xf32>,
    %get3A = arith.constant 0 : index
    %get3A_3 = arith.constant 0 : index
    %get3A_4 = vector.load %arg1[%get3A, %get3A_3] : memref<64x128xf32, #tpu.memory_space<vmem>>, vector<64x128xf32>
    %transpose3A = tpu.transpose %get3A_4, [1, 0] : vector<64x128xf32> -> vector<128x64xf32>
    %swap3A_5 = arith.constant 0 : index
    %swap3A_6 = arith.constant 64 : index
    %swap3A_7 = vector.load %arg3[%swap3A_5, %swap3A_6] : memref<128x128xf32, #tpu.memory_space<vmem>>, vector<128x64xf32>
    tpu.vector_store %arg3[%swap3A_5, %swap3A_6], %transpose3A {strides = array<i32>} : memref<128x128xf32, #tpu.memory_space<vmem>>, vector<128x64xf32>,
    return
  }
  func.func @transform_0(%arg0: i32) -> (i32, i32) {
    %add3A = arith.constant 7808 : i32
    %add3A_0 = arith.addi %add3A, %arg0 : i32
    %c0_i32 = arith.constant 0 : i32
    %c0_i32_1 = arith.constant 0 : i32
    return %c0_i32, %add3A_0 : i32, i32
  }
  func.func @transform_2(%arg0: i32) -> (i32, i32) {
    %add3A = arith.constant 3904 : i32
    %add3A_0 = arith.addi %add3A, %arg0 : i32
    %c0_i32 = arith.constant 0 : i32
    %c0_i32_1 = arith.constant 0 : i32
    return %add3A_0, %c0_i32 : i32, i32
  }
}

module attributes {stable_mosaic.version = 14 : i64} {
  func.func @_remap_body(%arg0: i32, %arg1: memref<2048x200xi32, #tpu.memory_space<vmem>>, %arg2: memref<2048x200xi32, #tpu.memory_space<vmem>>) attributes {dimension_semantics = [#tpu.dimension_semantics<arbitrary>], iteration_bounds = array<i64: 8>, scalar_prefetch = 0 : i64, scratch_operands = 0 : i64, tpu.core_type = #tpu.core_type<tc>, window_params = [{transform_indices = @transform_0, window_bounds = array<i64: 2048, 200>}, {transform_indices = @transform_1, window_bounds = array<i64: 2048, 200>}]} {
    %get3A = arith.constant 0 : index
    %get3A_0 = arith.constant 0 : index
    %get3A_1 = vector.load %arg1[%get3A, %get3A_0] : memref<2048x200xi32, #tpu.memory_space<vmem>>, vector<2048x200xi32>
    %lt3A = arith.constant 499712 : i32
    %lt3A_2 = vector.broadcast %lt3A : i32 to vector<2048x200xi32>
    %lt3A_3 = arith.cmpi slt, %get3A_1, %lt3A_2 : vector<2048x200xi32>
    %mul3A = arith.constant 2 : i32
    %mul3A_4 = vector.broadcast %mul3A : i32 to vector<2048x200xi32>
    %mul3A_5 = arith.muli %mul3A_4, %get3A_1 : vector<2048x200xi32>
    %sub3A = arith.constant 499712 : i32
    %sub3A_6 = vector.broadcast %sub3A : i32 to vector<2048x200xi32>
    %sub3A_7 = arith.subi %get3A_1, %sub3A_6 : vector<2048x200xi32>
    %mul3A_8 = arith.constant 2 : i32
    %mul3A_9 = vector.broadcast %mul3A_8 : i32 to vector<2048x200xi32>
    %mul3A_10 = arith.muli %mul3A_9, %sub3A_7 : vector<2048x200xi32>
    %add3A = arith.constant 1 : i32
    %add3A_11 = vector.broadcast %add3A : i32 to vector<2048x200xi32>
    %add3A_12 = arith.addi %mul3A_10, %add3A_11 : vector<2048x200xi32>
    %select_n3A = arith.select %lt3A_3, %mul3A_5, %add3A_12 : vector<2048x200xi1>, vector<2048x200xi32>
    %swap3A = arith.constant 0 : index
    %swap3A_13 = arith.constant 0 : index
    %swap3A_14 = vector.load %arg2[%swap3A, %swap3A_13] : memref<2048x200xi32, #tpu.memory_space<vmem>>, vector<2048x200xi32>
    tpu.vector_store %arg2[%swap3A, %swap3A_13], %select_n3A {strides = array<i32>} : memref<2048x200xi32, #tpu.memory_space<vmem>>, vector<2048x200xi32>,
    return
  }
  func.func @transform_0(%arg0: i32) -> (i32, i32) {
    %c0_i32 = arith.constant 0 : i32
    %c0_i32_0 = arith.constant 0 : i32
    return %arg0, %c0_i32 : i32, i32
  }
  func.func @transform_1(%arg0: i32) -> (i32, i32) {
    %c0_i32 = arith.constant 0 : i32
    %c0_i32_0 = arith.constant 0 : i32
    return %arg0, %c0_i32 : i32, i32
  }
}

</mosaic_0001>

<sc_bundles>
// kernel: _run.6.cloned.1.call-start
scs
__scs_entry_jumppad:
0x0: {  	(pc) =	sbr.rel $0x88, $3  }
0x1: {  	(tag) =	ssettag $0x0;
	lr =	simm.s32 $0x1  }
0x2: {  	[smem:$0x3F9E] =	sst lr;
	_ =	strace $0xD0000000  }
0x3: {  	_ = 	snop  }
0x4: {  	_ = 	snop  }
0x5: {  	_ = 	snop  }
0x6: {  	_ = 	snop  }
0x7: {  	_ = 	snop  }
__scs_overlays_trampoline_lowered:
0x8: {  	[smem:$0x3FAD] =	sst s0  }
0x9: {  	[smem:$0x3FAE] =	sst s1  }
0xa: {  	[smem:$0x3FAF] =	sst s2  }
0xb: {  	[smem:$0x3FB0] =	sst s3  }
0xc: {  	[smem:$0x3FB1] =	sst s4  }
0xd: {  	[smem:$0x3FB2] =	sst s5  }
0xe: {  	[smem:$0x3FB3] =	sst s6  }
0xf: {  	[smem:$0x3FB4] =	sst s7  }
0x10: {  	[smem:$0x3FB5] =	sst s8  }
0x11: {  	[smem:$0x3FB6] =	sst s9;
	s0 =	simm.s32 @!p0 $0x0  }
0x12: {  	s1 =	sld [smem:$0x3F9C];
	s0 =	simm.s32 @p0 $0x1  }
0x13: {  	[smem:$0x3FB7] =	sst s0;
	s0 =	simm.s32 @!p1 $0x0  }
0x14: {  	s2 =	sld [smem:$0x3F9B];
	s0 =	simm.s32 @p1 $0x1  }
0x15: {  	[smem:$0x3FB8] =	sst s0;
	s0 =	simm.s32 @!p2 $0x0  }
0x16: {  	s3 =	sld [smem:$0x3FDB];
	s0 =	simm.s32 @p2 $0x1  }
0x17: {  	s4 =	simm.s32 $0x1BF5;
	[smem:$0x3FBA] =	sst s0  }
0x18: {  	s0 =	sld [smem:$0x3F9D];
	_ =	swait.ge [sflag:s4], $0x0  }
0x19: {  	s7 =	sld [smem:$0x3F9E]  }
0x1a: {  	s8 =	sadd.s32 $0xFFFFE003, lr  }
0x1b: {  	s9 =	sadd.s32 $0xFFFFFEF7, lr;
	s5 =	simm.s32 $0xFFFFFFFF;
	p2 =	slt.u32 s8, $0xFFFFF086  }
0x1c: {  	p1 =	slt.u32 s9, $0xF7A;
	s5 =	simm.s32 @!p2 $0x0  }
0x1d: {  	s5 =	simm.s32 @p1 $0x1;
	p0 =	seq.s32 s7, s2  }
0x1e: {  	s7 =	smul.u32 @!p0 $0xF7A, s2;
	p2 =	seq.s32 @!p0 s5, $0x0  }
0x1f: {  	s9 =	smul.u32 $0xF7A, s1;
	s8 =	simm.s32 @!p0 $0x1BF5;
	p2 =	por !p2, p0  }
0x20: {  	[sflag:s8] =	ssyncset.s32 @!p0 $0xFFFFF086;
	s6 =	sadd.s32 @!p0 s3, s7;
	s7 =	simm.s32 @!p0 $0x108  }
0x21: {  	s3 =	sadd.s32 s3, s9;
	s6 =	sadd.s32 @!p0 $0x88, s6;
	s7 =	simm.s32 @p2 $0x1082  }
0x22: {  	[simem:s7], [sflag:s8] =	dma.local @!p0 [hbm:s6], $0xF7A  }
0x23: {  	s9 =	sor.u32 $0xD0000000, s2;
	s6 =	simm.s32 $0x108;
	_ =	swait.ge @!p0 [sflag:s8], $0x0  }
0x24: {  	s3 =	sadd.s32 $0x88, s3;
	s6 =	simm.s32 @!p1 $0x1082;
	[sflag:s4] =	ssyncset.s32 $0xFFFFF086  }
0x25: {  	[simem:s6], [sflag:s4] =	dma.local [hbm:s3], $0xF7A  }
0x26: {  	[smem:$0x3F9E] =	sst s1;
	(tag) =	ssettag s2;
	_ =	strace s9  }
0x27: {  	s1 =	sld [smem:$0x3FAE]  }
0x28: {  	s2 =	sld [smem:$0x3FAF]  }
0x29: {  	s4 =	sld [smem:$0x3FB1]  }
0x2a: {  	p0 =	seq.s32 s5, $0x0;
	s5 =	sld [smem:$0x3FB2]  }
0x2b: {  	s6 =	sld [smem:$0x3FB3]  }
0x2c: {  	s7 =	sld [smem:$0x3FB4]  }
0x2d: {  	s3 =	simm.s32 $0x108;
	s8 =	sld [smem:$0x3FB5]  }
0x2e: {  	s3 =	simm.s32 @!p0 $0x1082;
	s9 =	sld [smem:$0x3FB6]  }
0x2f: {  	lr =	sadd.s32 s0, s3;
	s0 =	sld [smem:$0x3FAD]  }
0x30: {  	s3 =	sld [smem:$0x3FB0]  }
0x31: {  	[smem:$0x3FB9] =	sst s10  }
0x32: {  	s10 =	sld [smem:$0x3FB7];
	_ =	sdelay $0x3  }
0x33: {  	p0 =	seq.s32 s10, $0x1;
	s10 =	sld [smem:$0x3FB9];
	_ =	sdelay $0x3  }
0x34: {  	[smem:$0x3FB9] =	sst s10  }
0x35: {  	s10 =	sld [smem:$0x3FB8];
	_ =	sdelay $0x3  }
0x36: {  	p1 =	seq.s32 s10, $0x1;
	s10 =	sld [smem:$0x3FB9];
	_ =	sdelay $0x3  }
0x37: {  	[smem:$0x3FB9] =	sst s10  }
0x38: {  	s10 =	sld [smem:$0x3FBA]  }
0x39: {  	_ = 	snop;
	(pc) =	sbr.ind lr, $3  }
0x3a: {  	_ = 	snop  }
0x3b: {  	_ = 	snop  }
0x3c: {  	p2 =	seq.s32 s10, $0x1;
	s10 =	sld [smem:$0x3FB9]  }
0x3d: {  	_ =	shalt  }
0x3e: {  	_ =	shalt  }
0x3f: {  	_ =	shalt  }
0x40: {  	_ =	shalt  }
0x41: {  	_ =	shalt  }
0x42: {  	_ =	shalt  }
0x43: {  	_ =	shalt  }
0x44: {  	_ =	shalt  }
0x45: {  	_ =	shalt  }
0x46: {  	_ =	shalt  }
0x47: {  	_ =	shalt  }
0x48: {  	_ =	shalt  }
0x49: {  	_ =	shalt  }
0x4a: {  	_ =	shalt  }
0x4b: {  	_ =	shalt  }
0x4c: {  	_ =	shalt  }
0x4d: {  	_ =	shalt  }
0x4e: {  	_ =	shalt  }
0x4f: {  	_ =	shalt  }
0x50: {  	_ =	shalt  }
0x51: {  	_ =	shalt  }
0x52: {  	_ =	shalt  }
0x53: {  	_ =	shalt  }
0x54: {  	_ =	shalt  }
0x55: {  	_ =	shalt  }
0x56: {  	_ =	shalt  }
0x57: {  	_ =	shalt  }
0x58: {  	_ =	shalt  }
0x59: {  	_ =	shalt  }
0x5a: {  	_ =	shalt  }
0x5b: {  	_ =	shalt  }
0x5c: {  	_ =	shalt  }
0x5d: {  	_ =	shalt  }
0x5e: {  	_ =	shalt  }
0x5f: {  	_ =	shalt  }
0x60: {  	_ =	shalt  }
0x61: {  	_ =	shalt  }
0x62: {  	_ =	shalt  }
0x63: {  	_ =	shalt  }
0x64: {  	_ =	shalt  }
0x65: {  	_ =	shalt  }
0x66: {  	_ =	shalt  }
0x67: {  	_ =	shalt  }
0x68: {  	_ =	shalt  }
0x69: {  	_ =	shalt  }
0x6a: {  	_ =	shalt  }
0x6b: {  	_ =	shalt  }
0x6c: {  	_ =	shalt  }
0x6d: {  	_ =	shalt  }
0x6e: {  	_ =	shalt  }
0x6f: {  	_ =	shalt  }
0x70: {  	_ =	shalt  }
0x71: {  	_ =	shalt  }
0x72: {  	_ =	shalt  }
0x73: {  	_ =	shalt  }
0x74: {  	_ =	shalt  }
0x75: {  	_ =	shalt  }
0x76: {  	_ =	shalt  }
0x77: {  	_ =	shalt  }
0x78: {  	_ =	shalt  }
0x79: {  	_ =	shalt  }
0x7a: {  	_ =	shalt  }
0x7b: {  	_ =	shalt  }
0x7c: {  	_ =	shalt  }
0x7d: {  	_ =	shalt  }
0x7e: {  	_ =	shalt  }
0x7f: {  	_ =	shalt  }
0x80: {  	_ =	shalt  }
0x81: {  	_ =	shalt  }
0x82: {  	_ =	shalt  }
0x83: {  	_ =	shalt  }
0x84: {  	_ =	shalt  }
0x85: {  	_ =	shalt  }
0x86: {  	_ =	shalt  }
0x87: {  	_ =	shalt  }
.Lfunc_end0:
.L_simem_size_0:
called_computation_lowered:
.L_overlay_start_0:
0x88: {  	s2 =	sld [smem:$0x3FD9]  }
0x89: {  	s3 =	sld [smem:$0x3FFE];
	_ =	sdelay $0x1  }
0x8a: {  	s1 =	srdreg.scid  }
0x8b: {  	s0 =	sand.u32 $0x1, s1  }
0x8c: {  	s17 =	sshll.u32 s0, $0xA;
	s2 =	sadd.s32 s3, s2  }
0x8d: {  	s2 =	sadd.s32 s2, s17  }
0x8e: {  	[smem:$0x3FC5] =	sst s2  }
0x8f: {  	_ = 	snop  }
0x90: {  	s2 =	sld [smem:$0x3FC8]  }
0x91: {  	s18 =	sld [smem:$0x3FD0];
	(tm) =	ssettm $0x1  }
0x92: {  	s4 =	sld [smem:$0x3FFB];
	_ =	sdelay $0x3  }
0x93: {  	_ =	strace s4  }
0x94: {  	s4 =	sld [smem:$0x3FFC];
	_ =	sdelay $0x3  }
0x95: {  	_ =	strace s4  }
0x96: {  	s4 =	sld [smem:$0x3FFD];
	_ =	sdelay $0x3  }
0x97: {  	_ =	strace s4  }
0x98: {  	_ =	strace $0x8FFFFFFF  }
0x99: {  	s19 =	sld [smem:$0x3FDB];
	_ =	sdelay $0x1  }
0x9a: {  	s5 =	simm.s32 $_scs_section_size  }
0x9b: {  	s6 =	simm.s32 $_size__tile_overlayer_lowered;
	s7 =	simm.s32 $_tile_overlayer_lowered  }
0x9c: {  	s22 =	simm.s32 $0x1BFF;
	s21 =	sshll.u32 s7, $0x1;
	s4 =	sadd.s32 s5, s19  }
0x9d: {  	s8 =	simm.s32 $0x0;
	s20 =	sshll.u32 s6, $0x1;
	s6 =	sadd.s32 s21, s4  }
0x9e: {  	[timem:s8], [sflag:s22] =	dma.local [hbm:s6], s20  }
0x9f: {  	_ =	swait.ge [sflag:s22], s20  }
0xa0: {  	s5 =	ssub.s32 $0x0, s20;
	[sflag:s22] =	ssyncset.done $0x0  }
0xa1: {  	[sflag:s22] =	ssyncadd.s32 s5;
	_ =	sdelay $0x1  }
0xa2: {  	s23 =	simm.s32 $0x1B8B  }
0xa3: {  	_ =	swait.ge [sflag:s23], $0x1  }
0xa4: {  	[sflag:s23] =	ssyncset.done $0x0  }
0xa5: {  	s25 =	simm.s32 $0x1B8E;
	s24 =	sld [smem:$0x3FFE];
	[sflag:s23] =	ssyncadd.s32 $0xFFFFFFFF  }
0xa6: {  	s26 =	simm.s32 $execute0_lowered;
	[smem:$0x3FD2] =	sst s25  }
0xa7: {  	s6 =	sshll.u32 s26, $0x1;
	_ =	strace $0x80000046;
	[dreg:$0x1] =	wrdreg $0xFFFFFFFF  }
0xa8: {  	s28 =	simm.s32 $_size_execute0_lowered;
	s4 =	sadd.s32 s4, s6;
	[dreg:$0x0] =	wrdreg $0x0  }
0xa9: {  	s6 =	sshll.u32 s28, $0x1;
	[dreg:$0x2] =	wrdreg s4  }
0xaa: {  	[dreg:$0x3] =	wrdreg s6  }
0xab: {  	[dreg:$0x4] =	wrdreg $0xC0  }
0xac: {  	_ =	task [dreg:s8], $0x5FFFF  }
0xad: {  	[dreg:$0x1] =	wrdreg $0xFFFFFFFF  }
0xae: {  	[dreg:$0x0] =	wrdreg $0x60  }
0xaf: {  	[dreg:$0x2] =	wrdreg s24  }
0xb0: {  	[dreg:$0x3] =	wrdreg s2  }
0xb1: {  	[dreg:$0x4] =	wrdreg s18  }
0xb2: {  	[dreg:$0x5] =	wrdreg $0x9  }
0xb3: {  	_ =	task.clear_ibuf [dreg:s8], $0x6FFFF;
	_ =	strace $0x90000046  }
0xb4: {  	s29 =	simm.s32 $0x9;
	_ =	strace $0x80000048  }
0xb5: {  	_ =	swait.ge [sflag:s29], $0x1  }
0xb6: {  	[sflag:s29] =	ssyncadd.s32 $0xFFFFFFFF  }
0xb7: {  	_ =	strace $0x90000048  }
0xb8: {  	_ =	sfence  }
0xb9: {  	s30 =	sld [smem:$0x0];
	_ =	sdelay $0x2  }
0xba: {  	s31 =	sshll.u32 s1, $0xD;
	s1 =	sshrl.u32 s1, $0x2  }
0xbb: {  	s3 =	sand.u32 $0x4000, s31;
	s1 =	sadd.s32 s1, s30  }
0xbc: {  	s0 =	sor.u32 s3, s0;
	s1 =	sshll.u32 s1, $0x11  }
0xbd: {  	s0 =	sor.u32 s1, s0  }
0xbe: {  	s0 =	sadd.s32 $0x8F2B, s0  }
0xbf: {  	[sflag:s0] =	ssyncadd.remote.s32 $0x1  }
0xc0: {  	_ =	sfence.sel $0xFFFF  }
0xc1: {  	[dreg:$0x0] =	wrdreg $0xFFFFFFFF;
	(pc) =	sbr.abs _section_cstart, $3  }
0xc2: {  	[dreg:$0x1] =	wrdreg $0xFFFFFFFF  }
0xc3: {  	_ =	task.clear_ibuf [dreg:s8], $0x2FFFF;
	_ =	strace $0x9FFFFFFF  }
0xc4: {  	(tm) =	ssettm $0x7FFFFFFF  }
0xc5: {  	_ =	shalt  }
tec
execute0_lowered:
.L_overlay_start_1:
0x0: {  	(tag) =	ssettag $0x1  }
0x1: {  	s4 =	rddreg [dreg:$0x0]  }
0x2: {  	s1 =	srdreg.scid;
	s2 =	rddreg [dreg:$0x1]  }
0x3: {  	s0 =	stileid.u32;
	s6 =	rddreg [dreg:$0x2]  }
0x4: {  	s10 =	simm.s32 $0x80;
	s11 =	simm.s32 $0x19000;
	s12 =	simm.s32 $0x48  }
0x5: {  	s13 =	simm.s32 $0x1B000;
	s14 =	simm.s32 $0x1C200;
	s15 =	simm.s32 $0x1E200  }
0x6: {  	s16 =	simm.s32 $0x1;
	s17 =	simm.s32 $0x2;
	s18 =	simm.s32 $0x1F450  }
0x7: {  	s19 =	simm.s32 $0x0;
	s5 =	sand.u32 $0x1, s1;
	s31 =	sshll.u32 s0, $0xA  }
0x8: {  	s1 =	rddreg [dreg:$0x3];
	s3 =	sshll.u32 s5, $0x9;
	s5 =	ssub.s32 $0x2, s5  }
0x9: {  	s7 =	sor.u32 s3, s31;
	s3 =	simm.s32 $0x0;
	s9 =	sshrl.u32 s5, $0x1  }
0xa: {  	s8 =	smul.u32 $0x19, s7;
	[smem:$0x7FF] =	sst s3;
	s7 =	sshrl.u32 s7, $0x3  }
0xb: {  	s9 =	ssub.s32 s5, s9;
	_ =	strace $0x80000047;
	s6 =	sadd.s32 s6, s7  }
0xc: {  	s7 =	smax.u32 s9, $0x1;
	s9 =	simm.s32 $0x3;
	s8 =	sadd.s32 s8, s4  }
0xd: {  	v0 =	vlaneseq.u32;
	s4 =	sadd.s32 $0x600, s4;
	s5 =	sadd.s32 $0x7A2E00, s8;
	s8 =	simm.s32 $0x1F400  }
.LBB2_1:
0xe: {  	[tilespmem:s8], [sflag:$0x3] =	stream.linear.gather [hbm4b:s2+s3], $0x50, $0x38;
	[tilespmem:$0x1F650] =	vst v63  }
0xf: {  	_ =	swait.ge [sflag:s9], $0x50  }
0x10: {  	[sflag:s9] =	ssyncset.done $0x0  }
0x11: {  	[sflag:s9] =	ssyncadd.s32 $0xFFFFFFB0  }
0x12: {  	[tilespmem:s3], [sflag:$0x3] =	stream.linear.gather [hbm4b:s5+s3], $0x19000, $0x38;
	[tilespmem:$0x1F650] =	vst v63  }
0x13: {  	_ =	swait.ge [sflag:s9], $0x19000  }
0x14: {  	[sflag:s9] =	ssyncset.done $0x0  }
0x15: {  	[sflag:s9] =	ssyncadd.s32 $0xFFFE7000  }
0x16: {  	v1 =	vld [tilespmem:$0x1F400]  }
0x17: {  	v2 =	vld [tilespmem:$0x1F410]  }
0x18: {  	v3 =	vld [tilespmem:$0x1F420]  }
0x19: {  	v4 =	vld [tilespmem:$0x1F430]  }
0x1a: {  	v5 =	vld [tilespmem:$0x1F440];
	[tilespmem:s11], [sflag:$0x1] =	stream.indirect.gather [hbm4b:s4+s10], $0x40, s3, s10, $0xb8  }
0x1b: {  	s20 =	simm.s32 $0x0  }
0x1c: {  	[tilespmem:s13], [sflag:$0x1] =	stream.indirect.gather [hbm4b:s4+s12], $0x40, s10, s12, $0xb8;
	[tilespmem:$0x1F650] =	vst v63  }
.LBB2_2:
0x1d: {  	s21 =	smul.u32 $0x640, s20;
	_ =	sdelay $0x1  }
0x1e: {  	s21 =	sshra.s32 s21, $0x2  }
0x1f: {  	s22 =	sadd.s32 $0xC8, s21  }
0x20: {  	[tilespmem:s14], [sflag:$0x2] =	stream.indirect.gather [hbm4b:s4+s10], $0x40, s22, s10, $0xb8;
	[tilespmem:$0x1F650] =	vst v63  }
0x21: {  	s31 =	sadd.s32 $0x148, s21  }
0x22: {  	[tilespmem:s15], [sflag:$0x2] =	stream.indirect.gather [hbm4b:s4+s12], $0x40, s31, s12, $0xb8;
	[tilespmem:$0x1F650] =	vst v63  }
0x23: {  	_ =	swait.ge [sflag:s16], $0x3200  }
0x24: {  	[sflag:s16] =	ssyncset.done $0x0  }
0x25: {  	s23 =	simm.s32 $0x1AAF0;
	[sflag:s16] =	ssyncadd.s32 $0xFFFFCE00  }
0x26: {  	v10 =	vld [tilespmem:s23+$0xFFFFE6D0]  }
0x27: {  	v11 =	vld [tilespmem:s23+$0xFFFFE6E0]  }
0x28: {  	v14 =	vld [tilespmem:s23+$0xFFFFE6F0]  }
0x29: {  	v15 =	vld [tilespmem:s23+$0xFFFFE700]  }
0x2a: {  	v7 =	vld [tilespmem:s23+$0xFFFFFFD0]  }
0x2b: {  	v6 =	vld [tilespmem:s23+$0xFFFFFFE0]  }
0x2c: {  	v12 =	vld [tilespmem:s23+$0xFFFFE690]  }
0x2d: {  	v13 =	vld [tilespmem:s23+$0xFFFFE6A0]  }
0x2e: {  	v16 =	vld [tilespmem:s23+$0xFFFFE6B0]  }
0x2f: {  	v17 =	vld [tilespmem:s23+$0xFFFFE6C0]  }
0x30: {  	v9 =	vld [tilespmem:s23+$0xFFFFFF90]  }
0x31: {  	v8 =	vld [tilespmem:s23+$0xFFFFFFA0]  }
0x32: {  	v18 =	vld [tilespmem:s23+$0xFFFFE650]  }
0x33: {  	v19 =	vld [tilespmem:s23+$0xFFFFE660]  }
0x34: {  	v20 =	vld [tilespmem:s23+$0xFFFFE670]  }
0x35: {  	v21 =	vld [tilespmem:s23+$0xFFFFE680]  }
0x36: {  	v24 =	vld [tilespmem:s23+$0xFFFFFF50]  }
0x37: {  	v25 =	vld [tilespmem:s23+$0xFFFFFF60]  }
0x38: {  	v22 =	vld [tilespmem:s23+$0xFFFFE610]  }
0x39: {  	v23 =	vld [tilespmem:s23+$0xFFFFE620]  }
0x3a: {  	v26 =	vld [tilespmem:s23+$0xFFFFE630]  }
0x3b: {  	v27 =	vld [tilespmem:s23+$0xFFFFE640]  }
0x3c: {  	v28 =	vld [tilespmem:s23+$0xFFFFFF10]  }
0x3d: {  	v29 =	vld [tilespmem:s23+$0xFFFFFF20]  }
0x3e: {  	v30 =	vld [tilespmem:s23+$0xFFFFE5D0]  }
0x3f: {  	v31 =	vld [tilespmem:s23+$0xFFFFE5E0]  }
0x40: {  	v32 =	vld [tilespmem:s23+$0xFFFFE590]  }
0x41: {  	v33 =	vld [tilespmem:s23+$0xFFFFE5A0]  }
0x42: {  	v34 =	vld [tilespmem:s23+$0xFFFFE550]  }
0x43: {  	v35 =	vld [tilespmem:s23+$0xFFFFE560]  }
0x44: {  	v36 =	vld [tilespmem:s23+$0xFFFFE510]  }
0x45: {  	v37 =	vld [tilespmem:s23+$0xFFFFE520]  }
0x46: {  	v38 =	vld [tilespmem:s23+$0xFFFFE530]  }
0x47: {  	v39 =	vld [tilespmem:s23+$0xFFFFE540]  }
0x48: {  	v40 =	vld [tilespmem:s23+$0xFFFFE570]  }
0x49: {  	v41 =	vld [tilespmem:s23+$0xFFFFE580]  }
0x4a: {  	v42 =	vimm.f32 $0.0e+00;
	v43 =	vld [tilespmem:s23+$0xFFFFE5B0]  }
0x4b: {  	v44 =	vld [tilespmem:s23+$0xFFFFE5C0];
	v36 =	vadd.f32 v36, v42;
	v37 =	vadd.f32 v37, v42  }
0x4c: {  	v45 =	vld [tilespmem:s23+$0xFFFFE5F0];
	v38 =	vadd.f32 v38, v42;
	v39 =	vadd.f32 v39, v42  }
0x4d: {  	v49 =	vld [tilespmem:s23+$0xFFFFE600];
	v34 =	vadd.f32 v34, v36;
	v35 =	vadd.f32 v35, v37  }
0x4e: {  	v52 =	vld [tilespmem:s23+$0xFFFFFED0];
	v50 =	vadd.f32 v40, v38;
	v51 =	vadd.f32 v41, v39  }
0x4f: {  	v53 =	vld [tilespmem:s23+$0xFFFFFEE0];
	v32 =	vadd.f32 v32, v34;
	v33 =	vadd.f32 v33, v35  }
0x50: {  	v56 =	vld [tilespmem:s23+$0xFFFFFE90];
	v54 =	vadd.f32 v43, v50;
	v55 =	vadd.f32 v44, v51  }
0x51: {  	v57 =	vld [tilespmem:s23+$0xFFFFFEA0];
	v30 =	vadd.f32 v30, v32;
	v31 =	vadd.f32 v31, v33  }
0x52: {  	v58 =	vld [tilespmem:s23+$0xFFFFFE50];
	v59 =	vadd.f32 v45, v54;
	v60 =	vadd.f32 v49, v55  }
0x53: {  	v61 =	vld [tilespmem:s23+$0xFFFFFE60];
	v22 =	vadd.f32 v22, v30;
	v23 =	vadd.f32 v23, v31  }
0x54: {  	v62 =	vld [tilespmem:s23+$0xFFFFFE10];
	v26 =	vadd.f32 v26, v59;
	v27 =	vadd.f32 v27, v60  }
0x55: {  	v63 =	vld [tilespmem:s23+$0xFFFFFE20];
	v18 =	vadd.f32 v18, v22;
	v19 =	vadd.f32 v19, v23  }
0x56: {  	v22 =	vld [tilespmem:s23+$0xFFFFFE30];
	v20 =	vadd.f32 v20, v26;
	v21 =	vadd.f32 v21, v27  }
0x57: {  	v23 =	vld [tilespmem:s23+$0xFFFFFE40];
	v12 =	vadd.f32 v12, v18;
	v18 =	vadd.f32 v13, v19  }
0x58: {  	v19 =	vld [tilespmem:s23+$0xFFFFFE70];
	v16 =	vadd.f32 v16, v20;
	v17 =	vadd.f32 v17, v21  }
0x59: {  	v20 =	vld [tilespmem:s23+$0xFFFFFE80];
	v13 =	vadd.f32 v10, v12;
	v12 =	vadd.f32 v11, v18  }
0x5a: {  	v18 =	vld [tilespmem:s23+$0xFFFFFEB0];
	v11 =	vadd.f32 v14, v16;
	v10 =	vadd.f32 v15, v17  }
0x5b: {  	v14 =	vadd.f32 v62, v42;
	v15 =	vadd.f32 v63, v42;
	v16 =	vld [tilespmem:s23+$0xFFFFFEC0]  }
0x5c: {  	v17 =	vadd.f32 v22, v42;
	v21 =	vadd.f32 v23, v42;
	v22 =	vld [tilespmem:s23+$0xFFFFFEF0]  }
0x5d: {  	v23 =	vld [tilespmem:s23+$0xFFFFFF00];
	v14 =	vadd.f32 v58, v14;
	v15 =	vadd.f32 v61, v15  }
0x5e: {  	v26 =	vld [tilespmem:s23+$0xFFFFFF30];
	v17 =	vadd.f32 v19, v17;
	v19 =	vadd.f32 v20, v21  }
0x5f: {  	v27 =	vld [tilespmem:s23+$0xFFFFFF40];
	v14 =	vadd.f32 v56, v14;
	v15 =	vadd.f32 v57, v15  }
0x60: {  	v20 =	vld [tilespmem:s23+$0xFFFFFF70];
	v18 =	vadd.f32 v18, v17;
	v16 =	vadd.f32 v16, v19  }
0x61: {  	v17 =	vld [tilespmem:s23+$0xFFFFFF80];
	v14 =	vadd.f32 v52, v14;
	v15 =	vadd.f32 v53, v15  }
0x62: {  	v21 =	vld [tilespmem:s23+$0xFFFFFFB0];
	v18 =	vadd.f32 v22, v18;
	v16 =	vadd.f32 v23, v16  }
0x63: {  	v19 =	vld [tilespmem:s23+$0xFFFFFFC0];
	v14 =	vadd.f32 v28, v14;
	v15 =	vadd.f32 v29, v15  }
0x64: {  	v22 =	vld [tilespmem:s23+$0xFFFFFFF0];
	v23 =	vadd.f32 v26, v18;
	v18 =	vadd.f32 v27, v16  }
0x65: {  	s22 =	simm.s32 $0x0;
	v24 =	vadd.f32 v24, v14;
	v15 =	vadd.f32 v25, v15;
	v14 =	vld [tilespmem:s23+$0x0];
	s23 =	simm.s32 $0x1ACF0  }
.LBB2_3:
0x66: {  	v16 =	vld [tilespmem:s23+$0xFFFFE6D0];
	v20 =	vadd.f32 v20, v23;
	v23 =	vadd.f32 v17, v18  }
0x67: {  	v17 =	vld [tilespmem:s23+$0xFFFFE6E0];
	v9 =	vadd.f32 v9, v24;
	v8 =	vadd.f32 v8, v15  }
0x68: {  	v18 =	vld [tilespmem:s23+$0xFFFFE6F0];
	v15 =	vadd.f32 v21, v20;
	v24 =	vadd.f32 v19, v23  }
0x69: {  	v23 =	vld [tilespmem:s23+$0xFFFFE700];
	v19 =	vadd.f32 v7, v9;
	v20 =	vadd.f32 v6, v8  }
0x6a: {  	v7 =	vld [tilespmem:s23+$0xFFFFFFD0];
	v21 =	vadd.f32 v22, v15;
	v22 =	vadd.f32 v14, v24  }
0x6b: {  	v6 =	vld [tilespmem:s23+$0xFFFFFFE0]  }
0x6c: {  	v24 =	vld [tilespmem:s23+$0xFFFFE690]  }
0x6d: {  	v25 =	vld [tilespmem:s23+$0xFFFFE6A0]  }
0x6e: {  	v26 =	vld [tilespmem:s23+$0xFFFFE6B0]  }
0x6f: {  	v27 =	vld [tilespmem:s23+$0xFFFFE6C0]  }
0x70: {  	v9 =	vld [tilespmem:s23+$0xFFFFFF90]  }
0x71: {  	v8 =	vld [tilespmem:s23+$0xFFFFFFA0]  }
0x72: {  	v28 =	vld [tilespmem:s23+$0xFFFFE650]  }
0x73: {  	v29 =	vld [tilespmem:s23+$0xFFFFE660]  }
0x74: {  	v30 =	vld [tilespmem:s23+$0xFFFFE670]  }
0x75: {  	v31 =	vld [tilespmem:s23+$0xFFFFE680]  }
0x76: {  	v14 =	vld [tilespmem:s23+$0xFFFFFF50]  }
0x77: {  	v15 =	vld [tilespmem:s23+$0xFFFFFF60]  }
0x78: {  	v32 =	vld [tilespmem:s23+$0xFFFFE610]  }
0x79: {  	v33 =	vld [tilespmem:s23+$0xFFFFE620]  }
0x7a: {  	v34 =	vld [tilespmem:s23+$0xFFFFE630]  }
0x7b: {  	v35 =	vld [tilespmem:s23+$0xFFFFE640]  }
0x7c: {  	v36 =	vld [tilespmem:s23+$0xFFFFFF10]  }
0x7d: {  	v37 =	vld [tilespmem:s23+$0xFFFFFF20]  }
0x7e: {  	v38 =	vld [tilespmem:s23+$0xFFFFE5D0]  }
0x7f: {  	v39 =	vld [tilespmem:s23+$0xFFFFE5E0]  }
0x80: {  	v40 =	vld [tilespmem:s23+$0xFFFFE590]  }
0x81: {  	v41 =	vld [tilespmem:s23+$0xFFFFE5A0]  }
0x82: {  	v42 =	vld [tilespmem:s23+$0xFFFFE550]  }
0x83: {  	v43 =	vld [tilespmem:s23+$0xFFFFE560]  }
0x84: {  	v44 =	vld [tilespmem:s23+$0xFFFFE510]  }
0x85: {  	v45 =	vld [tilespmem:s23+$0xFFFFE520]  }
0x86: {  	v46 =	vld [tilespmem:s23+$0xFFFFE530]  }
0x87: {  	v47 =	vld [tilespmem:s23+$0xFFFFE540]  }
0x88: {  	v48 =	vld [tilespmem:s23+$0xFFFFE570]  }
0x89: {  	v49 =	vld [tilespmem:s23+$0xFFFFE580]  }
0x8a: {  	v50 =	vld [tilespmem:s23+$0xFFFFE5B0]  }
0x8b: {  	v13 =	vadd.f32 v44, v13;
	v12 =	vadd.f32 v45, v12;
	v44 =	vld [tilespmem:s23+$0xFFFFE5C0]  }
0x8c: {  	v11 =	vadd.f32 v46, v11;
	v10 =	vadd.f32 v47, v10;
	v45 =	vld [tilespmem:s23+$0xFFFFE5F0]  }
0x8d: {  	v13 =	vadd.f32 v42, v13;
	v12 =	vadd.f32 v43, v12;
	v42 =	vld [tilespmem:s23+$0xFFFFE600]  }
0x8e: {  	v11 =	vadd.f32 v48, v11;
	v10 =	vadd.f32 v49, v10;
	v43 =	vld [tilespmem:s23+$0xFFFFFED0]  }
0x8f: {  	v13 =	vadd.f32 v40, v13;
	v12 =	vadd.f32 v41, v12;
	v40 =	vld [tilespmem:s23+$0xFFFFFEE0]  }
0x90: {  	v11 =	vadd.f32 v50, v11;
	v10 =	vadd.f32 v44, v10;
	v41 =	vld [tilespmem:s23+$0xFFFFFE90]  }
0x91: {  	v13 =	vadd.f32 v38, v13;
	v12 =	vadd.f32 v39, v12;
	v44 =	vld [tilespmem:s23+$0xFFFFFEA0]  }
0x92: {  	v11 =	vadd.f32 v45, v11;
	v38 =	vld [tilespmem:s23+$0xFFFFFE50];
	v10 =	vadd.f32 v42, v10  }
0x93: {  	v13 =	vadd.f32 v32, v13;
	v12 =	vadd.f32 v33, v12;
	v39 =	vld [tilespmem:s23+$0xFFFFFE60]  }
0x94: {  	v11 =	vadd.f32 v34, v11;
	v32 =	vld [tilespmem:s23+$0xFFFFFE10];
	v10 =	vadd.f32 v35, v10  }
0x95: {  	v13 =	vadd.f32 v28, v13;
	v12 =	vadd.f32 v29, v12;
	v33 =	vld [tilespmem:s23+$0xFFFFFE20]  }
0x96: {  	v11 =	vadd.f32 v30, v11;
	v28 =	vld [tilespmem:s23+$0xFFFFFE30];
	v10 =	vadd.f32 v31, v10  }
0x97: {  	s22 =	sadd.s32 $0x8, s22;
	v13 =	vadd.f32 v24, v13;
	v12 =	vadd.f32 v25, v12;
	v29 =	vld [tilespmem:s23+$0xFFFFFE40]  }
0x98: {  	p0 =	slt.u32 s22, $0x58;
	v11 =	vadd.f32 v26, v11;
	v24 =	vld [tilespmem:s23+$0xFFFFFE70];
	v10 =	vadd.f32 v27, v10  }
0x99: {  	v13 =	vadd.f32 v16, v13;
	v12 =	vadd.f32 v17, v12;
	v25 =	vld [tilespmem:s23+$0xFFFFFE80]  }
0x9a: {  	v11 =	vadd.f32 v18, v11;
	v16 =	vld [tilespmem:s23+$0xFFFFFEB0];
	v10 =	vadd.f32 v23, v10  }
0x9b: {  	v17 =	vadd.f32 v32, v19;
	v18 =	vadd.f32 v33, v20;
	v19 =	vld [tilespmem:s23+$0xFFFFFEC0]  }
0x9c: {  	v20 =	vadd.f32 v28, v21;
	v21 =	vadd.f32 v29, v22;
	v22 =	vld [tilespmem:s23+$0xFFFFFEF0]  }
0x9d: {  	v17 =	vadd.f32 v38, v17;
	v18 =	vadd.f32 v39, v18;
	v23 =	vld [tilespmem:s23+$0xFFFFFF00]  }
0x9e: {  	v20 =	vadd.f32 v24, v20;
	v21 =	vadd.f32 v25, v21;
	v24 =	vld [tilespmem:s23+$0xFFFFFF30]  }
0x9f: {  	v17 =	vadd.f32 v41, v17;
	v18 =	vadd.f32 v44, v18;
	v25 =	vld [tilespmem:s23+$0xFFFFFF40]  }
0xa0: {  	v16 =	vadd.f32 v16, v20;
	v19 =	vadd.f32 v19, v21;
	v20 =	vld [tilespmem:s23+$0xFFFFFF70]  }
.Ltmp0:
0xa1: {  	v26 =	vadd.f32 v43, v17;
	v18 =	vadd.f32 v40, v18;
	v17 =	vld [tilespmem:s23+$0xFFFFFF80];
	(pc) =	sbr.rel @p0 .LBB2_3-.Ltmp0, $4  }
0xa2: {  	v16 =	vadd.f32 v22, v16;
	v22 =	vadd.f32 v23, v19;
	v21 =	vld [tilespmem:s23+$0xFFFFFFB0]  }
0xa3: {  	v26 =	vadd.f32 v36, v26;
	v27 =	vadd.f32 v37, v18;
	v19 =	vld [tilespmem:s23+$0xFFFFFFC0]  }
0xa4: {  	v23 =	vadd.f32 v24, v16;
	v18 =	vadd.f32 v25, v22;
	v22 =	vld [tilespmem:s23+$0xFFFFFFF0]  }
0xa5: {  	v24 =	vadd.f32 v14, v26;
	v15 =	vadd.f32 v15, v27;
	v14 =	vld [tilespmem:s23+$0x0];
	s23 =	sadd.s32 $0x200, s23  }
0xa6: {  	v16 =	vld [tilespmem:$0x1A800]  }
0xa7: {  	v25 =	vld [tilespmem:$0x1C100]  }
0xa8: {  	v26 =	vld [tilespmem:$0x1C140];
	v9 =	vadd.f32 v9, v24  }
0xa9: {  	v24 =	vld [tilespmem:$0x1A840]  }
0xaa: {  	v27 =	vld [tilespmem:$0x1C180];
	v7 =	vadd.f32 v7, v9  }
0xab: {  	v9 =	vld [tilespmem:$0x1A880]  }
0xac: {  	v13 =	vadd.f32 v16, v13;
	v7 =	vadd.f32 v25, v7;
	v16 =	vld [tilespmem:$0x1A8C0]  }
0xad: {  	v25 =	vld [tilespmem:$0x1C1C0]  }
0xae: {  	v13 =	vadd.f32 v24, v13;
	v7 =	vadd.f32 v26, v7;
	_ =	sdelay $0x1  }
0xaf: {  	v9 =	vadd.f32 v9, v13;
	v7 =	vadd.f32 v27, v7;
	_ =	sdelay $0x1  }
0xb0: {  	v9 =	vadd.f32 v16, v9;
	v7 =	vadd.f32 v25, v7  }
0xb1: {  	v13 =	vld [tilespmem:$0x1A810]  }
0xb2: {  	v16 =	vld [tilespmem:$0x1C110];
	v7 =	vadd.f32 v7, v9  }
0xb3: {  	v8 =	vadd.f32 v8, v15;
	v15 =	vld [tilespmem:$0x1C150]  }
0xb4: {  	v9 =	vld [tilespmem:$0x1A850];
	v7 =	vmul.f32 $4.999999890e-03, v7  }
0xb5: {  	v6 =	vadd.f32 v6, v8;
	v8 =	vld [tilespmem:$0x1A890]  }
0xb6: {  	v24 =	vld [tilespmem:$0x1C190];
	v7 =	vsub.f32 $0.0e+00, v7  }
0xb7: {  	v12 =	vadd.f32 v13, v12;
	v13 =	vld [tilespmem:$0x1A8D0];
	v6 =	vadd.f32 v16, v6  }
0xb8: {  	v16 =	vld [tilespmem:$0x1C1D0];
	v7 =	vmul.f32 $1.442695020e+00, v7  }
0xb9: {  	v9 =	vadd.f32 v9, v12;
	v6 =	vadd.f32 v15, v6  }
0xba: {  	(erf) = vpow2.f32 v7  }
0xbb: {  	v6 =	vadd.f32 v24, v6;
	v7 =	vadd.f32 v8, v9;
	_ =	sdelay $0x1  }
0xbc: {  	v6 =	vadd.f32 v16, v6;
	v7 =	vadd.f32 v13, v7  }
0xbd: {  	v8 =	vadd.f32 v20, v23;
	v9 =	vld [tilespmem:$0x1A820]  }
0xbe: {  	v12 =	vld [tilespmem:$0x1C120];
	v6 =	vadd.f32 v6, v7  }
0xbf: {  	v13 =	vld [tilespmem:$0x1C160];
	v7 =	vadd.f32 v21, v8  }
0xc0: {  	v8 =	vld [tilespmem:$0x1A860];
	v6 =	vmul.f32 $4.999999890e-03, v6  }
0xc1: {  	v15 =	vld [tilespmem:$0x1A8A0];
	v7 =	vadd.f32 v22, v7  }
0xc2: {  	v9 =	vadd.f32 v9, v11;
	v11 =	vld [tilespmem:$0x1C1A0];
	v6 =	vsub.f32 $0.0e+00, v6;
	v16 =	vpop (erf)  }
0xc3: {  	v20 =	vld [tilespmem:$0x1C1E0];
	v7 =	vadd.f32 v12, v7;
	v16 =	vadd.f32 $1.000000000e+00, v16  }
0xc4: {  	v12 =	vld [tilespmem:$0x1A8E0];
	v6 =	vmul.f32 $1.442695020e+00, v6  }
0xc5: {  	v8 =	vadd.f32 v8, v9;
	v7 =	vadd.f32 v13, v7;
	(erf) = vrcp.f32 v16  }
0xc6: {  	(erf) = vpow2.f32 v6  }
0xc7: {  	v7 =	vadd.f32 v11, v7;
	v6 =	vadd.f32 v15, v8;
	_ =	sdelay $0x1  }
0xc8: {  	v7 =	vadd.f32 v20, v7;
	v6 =	vadd.f32 v12, v6  }
0xc9: {  	v9 =	vld [tilespmem:$0x1A830];
	v8 =	vadd.f32 v17, v18  }
0xca: {  	v11 =	vld [tilespmem:$0x1C130];
	v6 =	vadd.f32 v7, v6  }
0xcb: {  	v12 =	vld [tilespmem:$0x1C170];
	v7 =	vadd.f32 v19, v8  }
0xcc: {  	v8 =	vld [tilespmem:$0x1A870];
	v6 =	vmul.f32 $4.999999890e-03, v6  }
0xcd: {  	v13 =	vld [tilespmem:$0x1A8B0];
	v7 =	vadd.f32 v14, v7;
	v14 =	vpop (erf)  }
0xce: {  	v9 =	vadd.f32 v9, v10;
	v10 =	vld [tilespmem:$0x1C1B0];
	v6 =	vsub.f32 $0.0e+00, v6;
	v15 =	vpop (erf)  }
0xcf: {  	v16 =	vld [tilespmem:$0x1C1F0];
	v7 =	vadd.f32 v11, v7;
	v15 =	vadd.f32 $1.000000000e+00, v15  }
0xd0: {  	v11 =	vld [tilespmem:$0x1A8F0];
	v6 =	vmul.f32 $1.442695020e+00, v6  }
0xd1: {  	v8 =	vadd.f32 v8, v9;
	v7 =	vadd.f32 v12, v7;
	(erf) = vrcp.f32 v15  }
0xd2: {  	(erf) = vpow2.f32 v6  }
0xd3: {  	v7 =	vadd.f32 v10, v7;
	v6 =	vadd.f32 v13, v8;
	_ =	sdelay $0x1  }
0xd4: {  	v7 =	vadd.f32 v16, v7;
	v6 =	vadd.f32 v11, v6;
	_ =	sdelay $0x1  }
0xd5: {  	v6 =	vadd.f32 v7, v6;
	_ =	sdelay $0x1  }
0xd6: {  	v6 =	vmul.f32 $4.999999890e-03, v6  }
0xd7: {  	v7 =	vpop (erf)  }
0xd8: {  	v6 =	vsub.f32 $0.0e+00, v6;
	v8 =	vpop (erf)  }
0xd9: {  	v8 =	vadd.f32 $1.000000000e+00, v8  }
0xda: {  	v6 =	vmul.f32 $1.442695020e+00, v6  }
0xdb: {  	(erf) = vrcp.f32 v8  }
0xdc: {  	(erf) = vpow2.f32 v6;
	_ =	sdelay $0x7  }
0xdd: {  	v6 =	vpop (erf)  }
0xde: {  	v8 =	vpop (erf)  }
0xdf: {  	v8 =	vadd.f32 $1.000000000e+00, v8;
	_ =	sdelay $0x1  }
0xe0: {  	(erf) = vrcp.f32 v8;
	_ =	sdelay $0x4  }
0xe1: {  	v8 =	vmul.f32 v14, v1  }
0xe2: {  	v7 =	vmul.f32 v7, v2;
	_ =	sdelay $0x1  }
0xe3: {  	v6 =	vmul.f32 v6, v3;
	v7 =	vadd.f32 v7, v8  }
0xe4: {  	v8 =	vpop (erf)  }
0xe5: {  	v6 =	vadd.f32 v6, v7;
	v7 =	vmul.f32 v8, v4;
	_ =	sdelay $0x1  }
0xe6: {  	v6 =	vadd.f32 v7, v6;
	_ =	sdelay $0x1  }
0xe7: {  	v6 =	vadd.f32 v6, v5;
	_ =	sdelay $0x1  }
0xe8: {  	(xrf2) =	vadd.scan.msk.f32 $0xffff, v6;
	_ =	sdelay $0x9  }
0xe9: {  	v6, _, _ =	vpop (xrf2)  }
0xea: {  	(v2sf) =	vpush v6, $0xF;
	_ =	sdelay $0xd  }
0xeb: {  	s22 =	sshll.u32 s20, $0x1;
	p0 =	seq.s32 s20, $0xFF  }
0xec: {  	s22 =	sand.u32 $0x3FFFFFFE, s22;
	s24 =	simm.s32 @!p0 $0x80;
	s23 =	spop (v2sf)  }
0xed: {  	s25 =	simm.s32 @!p0 $0x19000;
	[smem:s22] =	sst s23;
	s23 =	sadd.s32 @!p0 $0x190, s21  }
0xee: {  	[tilespmem:s25], [sflag:$0x1] =	stream.indirect.gather @!p0 [hbm4b:s4+s24], $0x40, s23, s24, $0xb8;
	[tilespmem:$0x1F650] =	vst v63  }
0xef: {  	s21 =	sadd.s32 @!p0 $0x210, s21;
	s23 =	simm.s32 @!p0 $0x48;
	s24 =	simm.s32 @!p0 $0x1B000  }
0xf0: {  	[tilespmem:s24], [sflag:$0x1] =	stream.indirect.gather @!p0 [hbm4b:s4+s23], $0x40, s21, s23, $0xb8;
	[tilespmem:$0x1F650] =	vst v63  }
0xf1: {  	_ =	swait.ge [sflag:s17], $0x3200  }
0xf2: {  	[sflag:s17] =	ssyncset.done $0x0  }
0xf3: {  	s31 =	simm.s32 $0x1DCF0;
	[sflag:s17] =	ssyncadd.s32 $0xFFFFCE00  }
0xf4: {  	v10 =	vld [tilespmem:s31+$0xFFFFE6D0]  }
0xf5: {  	v11 =	vld [tilespmem:s31+$0xFFFFE6E0]  }
0xf6: {  	v14 =	vld [tilespmem:s31+$0xFFFFE6F0]  }
0xf7: {  	v15 =	vld [tilespmem:s31+$0xFFFFE700]  }
0xf8: {  	v7 =	vld [tilespmem:s31+$0xFFFFFFD0]  }
0xf9: {  	v6 =	vld [tilespmem:s31+$0xFFFFFFE0]  }
0xfa: {  	v12 =	vld [tilespmem:s31+$0xFFFFE690]  }
0xfb: {  	v13 =	vld [tilespmem:s31+$0xFFFFE6A0]  }
0xfc: {  	v16 =	vld [tilespmem:s31+$0xFFFFE6B0]  }
0xfd: {  	v17 =	vld [tilespmem:s31+$0xFFFFE6C0]  }
0xfe: {  	v9 =	vld [tilespmem:s31+$0xFFFFFF90]  }
0xff: {  	v8 =	vld [tilespmem:s31+$0xFFFFFFA0]  }
0x100: {  	v18 =	vld [tilespmem:s31+$0xFFFFE650]  }
0x101: {  	v19 =	vld [tilespmem:s31+$0xFFFFE660]  }
0x102: {  	v20 =	vld [tilespmem:s31+$0xFFFFE670]  }
0x103: {  	v21 =	vld [tilespmem:s31+$0xFFFFE680]  }
0x104: {  	v24 =	vld [tilespmem:s31+$0xFFFFFF50]  }
0x105: {  	v25 =	vld [tilespmem:s31+$0xFFFFFF60]  }
0x106: {  	v22 =	vld [tilespmem:s31+$0xFFFFE610]  }
0x107: {  	v23 =	vld [tilespmem:s31+$0xFFFFE620]  }
0x108: {  	v26 =	vld [tilespmem:s31+$0xFFFFE630]  }
0x109: {  	v27 =	vld [tilespmem:s31+$0xFFFFE640]  }
0x10a: {  	v28 =	vld [tilespmem:s31+$0xFFFFFF10]  }
0x10b: {  	v29 =	vld [tilespmem:s31+$0xFFFFFF20]  }
0x10c: {  	v30 =	vld [tilespmem:s31+$0xFFFFE5D0]  }
0x10d: {  	v31 =	vld [tilespmem:s31+$0xFFFFE5E0]  }
0x10e: {  	v32 =	vld [tilespmem:s31+$0xFFFFE590]  }
0x10f: {  	v33 =	vld [tilespmem:s31+$0xFFFFE5A0]  }
0x110: {  	v34 =	vld [tilespmem:s31+$0xFFFFE550]  }
0x111: {  	v35 =	vld [tilespmem:s31+$0xFFFFE560]  }
0x112: {  	v36 =	vld [tilespmem:s31+$0xFFFFE510]  }
0x113: {  	v37 =	vld [tilespmem:s31+$0xFFFFE520]  }
0x114: {  	v38 =	vld [tilespmem:s31+$0xFFFFE530]  }
0x115: {  	v39 =	vld [tilespmem:s31+$0xFFFFE540]  }
0x116: {  	v40 =	vld [tilespmem:s31+$0xFFFFE570]  }
0x117: {  	v41 =	vld [tilespmem:s31+$0xFFFFE580]  }
0x118: {  	v42 =	vimm.f32 $0.0e+00;
	v43 =	vld [tilespmem:s31+$0xFFFFE5B0]  }
0x119: {  	v44 =	vld [tilespmem:s31+$0xFFFFE5C0];
	v36 =	vadd.f32 v36, v42;
	v37 =	vadd.f32 v37, v42  }
0x11a: {  	v45 =	vld [tilespmem:s31+$0xFFFFE5F0];
	v38 =	vadd.f32 v38, v42;
	v39 =	vadd.f32 v39, v42  }
0x11b: {  	v49 =	vld [tilespmem:s31+$0xFFFFE600];
	v34 =	vadd.f32 v34, v36;
	v35 =	vadd.f32 v35, v37  }
0x11c: {  	v52 =	vld [tilespmem:s31+$0xFFFFFED0];
	v50 =	vadd.f32 v40, v38;
	v51 =	vadd.f32 v41, v39  }
0x11d: {  	v53 =	vld [tilespmem:s31+$0xFFFFFEE0];
	v32 =	vadd.f32 v32, v34;
	v33 =	vadd.f32 v33, v35  }
0x11e: {  	v56 =	vld [tilespmem:s31+$0xFFFFFE90];
	v54 =	vadd.f32 v43, v50;
	v55 =	vadd.f32 v44, v51  }
0x11f: {  	v57 =	vld [tilespmem:s31+$0xFFFFFEA0];
	v30 =	vadd.f32 v30, v32;
	v31 =	vadd.f32 v31, v33  }
0x120: {  	v58 =	vld [tilespmem:s31+$0xFFFFFE50];
	v59 =	vadd.f32 v45, v54;
	v60 =	vadd.f32 v49, v55  }
0x121: {  	v61 =	vld [tilespmem:s31+$0xFFFFFE60];
	v22 =	vadd.f32 v22, v30;
	v23 =	vadd.f32 v23, v31  }
0x122: {  	v62 =	vld [tilespmem:s31+$0xFFFFFE10];
	v26 =	vadd.f32 v26, v59;
	v27 =	vadd.f32 v27, v60  }
0x123: {  	v63 =	vld [tilespmem:s31+$0xFFFFFE20];
	v18 =	vadd.f32 v18, v22;
	v19 =	vadd.f32 v19, v23  }
0x124: {  	v22 =	vld [tilespmem:s31+$0xFFFFFE30];
	v20 =	vadd.f32 v20, v26;
	v21 =	vadd.f32 v21, v27  }
0x125: {  	v23 =	vld [tilespmem:s31+$0xFFFFFE40];
	v12 =	vadd.f32 v12, v18;
	v18 =	vadd.f32 v13, v19  }
0x126: {  	v19 =	vld [tilespmem:s31+$0xFFFFFE70];
	v16 =	vadd.f32 v16, v20;
	v17 =	vadd.f32 v17, v21  }
0x127: {  	v20 =	vld [tilespmem:s31+$0xFFFFFE80];
	v13 =	vadd.f32 v10, v12;
	v12 =	vadd.f32 v11, v18  }
0x128: {  	v18 =	vld [tilespmem:s31+$0xFFFFFEB0];
	v11 =	vadd.f32 v14, v16;
	v10 =	vadd.f32 v15, v17  }
0x129: {  	v14 =	vadd.f32 v62, v42;
	v15 =	vadd.f32 v63, v42;
	v16 =	vld [tilespmem:s31+$0xFFFFFEC0]  }
0x12a: {  	v17 =	vadd.f32 v22, v42;
	v21 =	vadd.f32 v23, v42;
	v22 =	vld [tilespmem:s31+$0xFFFFFEF0]  }
0x12b: {  	v23 =	vld [tilespmem:s31+$0xFFFFFF00];
	v14 =	vadd.f32 v58, v14;
	v15 =	vadd.f32 v61, v15  }
0x12c: {  	v26 =	vld [tilespmem:s31+$0xFFFFFF30];
	v17 =	vadd.f32 v19, v17;
	v19 =	vadd.f32 v20, v21  }
0x12d: {  	v27 =	vld [tilespmem:s31+$0xFFFFFF40];
	v14 =	vadd.f32 v56, v14;
	v15 =	vadd.f32 v57, v15  }
0x12e: {  	v20 =	vld [tilespmem:s31+$0xFFFFFF70];
	v18 =	vadd.f32 v18, v17;
	v16 =	vadd.f32 v16, v19  }
0x12f: {  	v17 =	vld [tilespmem:s31+$0xFFFFFF80];
	v14 =	vadd.f32 v52, v14;
	v15 =	vadd.f32 v53, v15  }
0x130: {  	v21 =	vld [tilespmem:s31+$0xFFFFFFB0];
	v18 =	vadd.f32 v22, v18;
	v16 =	vadd.f32 v23, v16  }
0x131: {  	v19 =	vld [tilespmem:s31+$0xFFFFFFC0];
	v14 =	vadd.f32 v28, v14;
	v15 =	vadd.f32 v29, v15  }
0x132: {  	v22 =	vld [tilespmem:s31+$0xFFFFFFF0];
	v23 =	vadd.f32 v26, v18;
	v18 =	vadd.f32 v27, v16  }
0x133: {  	s21 =	simm.s32 $0x0;
	s23 =	simm.s32 $0x1DEF0;
	v24 =	vadd.f32 v24, v14;
	v15 =	vadd.f32 v25, v15;
	v14 =	vld [tilespmem:s31+$0x0]  }
.LBB2_5:
0x134: {  	v16 =	vld [tilespmem:s23+$0xFFFFE6D0];
	v20 =	vadd.f32 v20, v23;
	v23 =	vadd.f32 v17, v18  }
0x135: {  	v17 =	vld [tilespmem:s23+$0xFFFFE6E0];
	v9 =	vadd.f32 v9, v24;
	v8 =	vadd.f32 v8, v15  }
0x136: {  	v18 =	vld [tilespmem:s23+$0xFFFFE6F0];
	v15 =	vadd.f32 v21, v20;
	v24 =	vadd.f32 v19, v23  }
0x137: {  	v23 =	vld [tilespmem:s23+$0xFFFFE700];
	v19 =	vadd.f32 v7, v9;
	v20 =	vadd.f32 v6, v8  }
0x138: {  	v7 =	vld [tilespmem:s23+$0xFFFFFFD0];
	v21 =	vadd.f32 v22, v15;
	v22 =	vadd.f32 v14, v24  }
0x139: {  	v6 =	vld [tilespmem:s23+$0xFFFFFFE0]  }
0x13a: {  	v24 =	vld [tilespmem:s23+$0xFFFFE690]  }
0x13b: {  	v25 =	vld [tilespmem:s23+$0xFFFFE6A0]  }
0x13c: {  	v26 =	vld [tilespmem:s23+$0xFFFFE6B0]  }
0x13d: {  	v27 =	vld [tilespmem:s23+$0xFFFFE6C0]  }
0x13e: {  	v9 =	vld [tilespmem:s23+$0xFFFFFF90]  }
0x13f: {  	v8 =	vld [tilespmem:s23+$0xFFFFFFA0]  }
0x140: {  	v28 =	vld [tilespmem:s23+$0xFFFFE650]  }
0x141: {  	v29 =	vld [tilespmem:s23+$0xFFFFE660]  }
0x142: {  	v30 =	vld [tilespmem:s23+$0xFFFFE670]  }
0x143: {  	v31 =	vld [tilespmem:s23+$0xFFFFE680]  }
0x144: {  	v14 =	vld [tilespmem:s23+$0xFFFFFF50]  }
0x145: {  	v15 =	vld [tilespmem:s23+$0xFFFFFF60]  }
0x146: {  	v32 =	vld [tilespmem:s23+$0xFFFFE610]  }
0x147: {  	v33 =	vld [tilespmem:s23+$0xFFFFE620]  }
0x148: {  	v34 =	vld [tilespmem:s23+$0xFFFFE630]  }
0x149: {  	v35 =	vld [tilespmem:s23+$0xFFFFE640]  }
0x14a: {  	v36 =	vld [tilespmem:s23+$0xFFFFFF10]  }
0x14b: {  	v37 =	vld [tilespmem:s23+$0xFFFFFF20]  }
0x14c: {  	v38 =	vld [tilespmem:s23+$0xFFFFE5D0]  }
0x14d: {  	v39 =	vld [tilespmem:s23+$0xFFFFE5E0]  }
0x14e: {  	v40 =	vld [tilespmem:s23+$0xFFFFE590]  }
0x14f: {  	v41 =	vld [tilespmem:s23+$0xFFFFE5A0]  }
0x150: {  	v42 =	vld [tilespmem:s23+$0xFFFFE550]  }
0x151: {  	v43 =	vld [tilespmem:s23+$0xFFFFE560]  }
0x152: {  	v44 =	vld [tilespmem:s23+$0xFFFFE510]  }
0x153: {  	v45 =	vld [tilespmem:s23+$0xFFFFE520]  }
0x154: {  	v46 =	vld [tilespmem:s23+$0xFFFFE530]  }
0x155: {  	v47 =	vld [tilespmem:s23+$0xFFFFE540]  }
0x156: {  	v48 =	vld [tilespmem:s23+$0xFFFFE570]  }
0x157: {  	v49 =	vld [tilespmem:s23+$0xFFFFE580]  }
0x158: {  	v50 =	vld [tilespmem:s23+$0xFFFFE5B0]  }
0x159: {  	v13 =	vadd.f32 v44, v13;
	v12 =	vadd.f32 v45, v12;
	v44 =	vld [tilespmem:s23+$0xFFFFE5C0]  }
0x15a: {  	v11 =	vadd.f32 v46, v11;
	v10 =	vadd.f32 v47, v10;
	v45 =	vld [tilespmem:s23+$0xFFFFE5F0]  }
0x15b: {  	v13 =	vadd.f32 v42, v13;
	v12 =	vadd.f32 v43, v12;
	v42 =	vld [tilespmem:s23+$0xFFFFE600]  }
0x15c: {  	v11 =	vadd.f32 v48, v11;
	v10 =	vadd.f32 v49, v10;
	v43 =	vld [tilespmem:s23+$0xFFFFFED0]  }
0x15d: {  	v13 =	vadd.f32 v40, v13;
	v12 =	vadd.f32 v41, v12;
	v40 =	vld [tilespmem:s23+$0xFFFFFEE0]  }
0x15e: {  	v11 =	vadd.f32 v50, v11;
	v10 =	vadd.f32 v44, v10;
	v41 =	vld [tilespmem:s23+$0xFFFFFE90]  }
0x15f: {  	v13 =	vadd.f32 v38, v13;
	v12 =	vadd.f32 v39, v12;
	v44 =	vld [tilespmem:s23+$0xFFFFFEA0]  }
0x160: {  	v11 =	vadd.f32 v45, v11;
	v38 =	vld [tilespmem:s23+$0xFFFFFE50];
	v10 =	vadd.f32 v42, v10  }
0x161: {  	v13 =	vadd.f32 v32, v13;
	v12 =	vadd.f32 v33, v12;
	v39 =	vld [tilespmem:s23+$0xFFFFFE60]  }
0x162: {  	v11 =	vadd.f32 v34, v11;
	v32 =	vld [tilespmem:s23+$0xFFFFFE10];
	v10 =	vadd.f32 v35, v10  }
0x163: {  	v13 =	vadd.f32 v28, v13;
	v12 =	vadd.f32 v29, v12;
	v33 =	vld [tilespmem:s23+$0xFFFFFE20]  }
0x164: {  	v11 =	vadd.f32 v30, v11;
	v28 =	vld [tilespmem:s23+$0xFFFFFE30];
	v10 =	vadd.f32 v31, v10  }
0x165: {  	s21 =	sadd.s32 $0x8, s21;
	v13 =	vadd.f32 v24, v13;
	v12 =	vadd.f32 v25, v12;
	v29 =	vld [tilespmem:s23+$0xFFFFFE40]  }
0x166: {  	p0 =	slt.u32 s21, $0x58;
	v11 =	vadd.f32 v26, v11;
	v24 =	vld [tilespmem:s23+$0xFFFFFE70];
	v10 =	vadd.f32 v27, v10  }
0x167: {  	v13 =	vadd.f32 v16, v13;
	v12 =	vadd.f32 v17, v12;
	v25 =	vld [tilespmem:s23+$0xFFFFFE80]  }
0x168: {  	v11 =	vadd.f32 v18, v11;
	v16 =	vld [tilespmem:s23+$0xFFFFFEB0];
	v10 =	vadd.f32 v23, v10  }
0x169: {  	v17 =	vadd.f32 v32, v19;
	v18 =	vadd.f32 v33, v20;
	v19 =	vld [tilespmem:s23+$0xFFFFFEC0]  }
0x16a: {  	v20 =	vadd.f32 v28, v21;
	v21 =	vadd.f32 v29, v22;
	v22 =	vld [tilespmem:s23+$0xFFFFFEF0]  }
0x16b: {  	v17 =	vadd.f32 v38, v17;
	v18 =	vadd.f32 v39, v18;
	v23 =	vld [tilespmem:s23+$0xFFFFFF00]  }
0x16c: {  	v20 =	vadd.f32 v24, v20;
	v21 =	vadd.f32 v25, v21;
	v24 =	vld [tilespmem:s23+$0xFFFFFF30]  }
0x16d: {  	v17 =	vadd.f32 v41, v17;
	v18 =	vadd.f32 v44, v18;
	v25 =	vld [tilespmem:s23+$0xFFFFFF40]  }
0x16e: {  	v16 =	vadd.f32 v16, v20;
	v19 =	vadd.f32 v19, v21;
	v20 =	vld [tilespmem:s23+$0xFFFFFF70]  }
.Ltmp1:
0x16f: {  	v26 =	vadd.f32 v43, v17;
	v18 =	vadd.f32 v40, v18;
	v17 =	vld [tilespmem:s23+$0xFFFFFF80];
	(pc) =	sbr.rel @p0 .LBB2_5-.Ltmp1, $4  }
0x170: {  	v16 =	vadd.f32 v22, v16;
	v22 =	vadd.f32 v23, v19;
	v21 =	vld [tilespmem:s23+$0xFFFFFFB0]  }
0x171: {  	v26 =	vadd.f32 v36, v26;
	v27 =	vadd.f32 v37, v18;
	v19 =	vld [tilespmem:s23+$0xFFFFFFC0]  }
0x172: {  	v23 =	vadd.f32 v24, v16;
	v18 =	vadd.f32 v25, v22;
	v22 =	vld [tilespmem:s23+$0xFFFFFFF0]  }
0x173: {  	v24 =	vadd.f32 v14, v26;
	v15 =	vadd.f32 v15, v27;
	v14 =	vld [tilespmem:s23+$0x0];
	s23 =	sadd.s32 $0x200, s23  }
0x174: {  	v16 =	vld [tilespmem:$0x1DA00]  }
0x175: {  	v25 =	vld [tilespmem:$0x1F300]  }
0x176: {  	v62 =	vld [tilespmem:$0x1DA40];
	v9 =	vadd.f32 v9, v24  }
0x177: {  	v26 =	vld [tilespmem:$0x1F340]  }
0x178: {  	v63 =	vld [tilespmem:$0x1DA80];
	v7 =	vadd.f32 v7, v9  }
0x179: {  	v27 =	vld [tilespmem:$0x1F380]  }
0x17a: {  	v29 =	vld [tilespmem:$0x1DAC0];
	v13 =	vadd.f32 v16, v13;
	v7 =	vadd.f32 v25, v7  }
0x17b: {  	v30 =	vld [tilespmem:$0x1F3C0]  }
0x17c: {  	v13 =	vadd.f32 v62, v13;
	v7 =	vadd.f32 v26, v7;
	_ =	sdelay $0x1  }
0x17d: {  	v9 =	vadd.f32 v63, v13;
	v7 =	vadd.f32 v27, v7;
	_ =	sdelay $0x1  }
0x17e: {  	v9 =	vadd.f32 v29, v9;
	v7 =	vadd.f32 v30, v7  }
0x17f: {  	v31 =	vld [tilespmem:$0x1DA10]  }
0x180: {  	v32 =	vld [tilespmem:$0x1F310];
	v7 =	vadd.f32 v7, v9  }
0x181: {  	v33 =	vld [tilespmem:$0x1DA50];
	v8 =	vadd.f32 v8, v15  }
0x182: {  	v34 =	vld [tilespmem:$0x1F350];
	v7 =	vmul.f32 $4.999999890e-03, v7  }
0x183: {  	v35 =	vld [tilespmem:$0x1DA90];
	v6 =	vadd.f32 v6, v8  }
0x184: {  	v36 =	vld [tilespmem:$0x1F390];
	v7 =	vsub.f32 $0.0e+00, v7  }
0x185: {  	v37 =	vld [tilespmem:$0x1DAD0];
	v12 =	vadd.f32 v31, v12;
	v6 =	vadd.f32 v32, v6  }
0x186: {  	v38 =	vld [tilespmem:$0x1F3D0];
	v7 =	vmul.f32 $1.442695020e+00, v7  }
0x187: {  	v6 =	vadd.f32 v34, v6;
	v9 =	vadd.f32 v33, v12  }
0x188: {  	(erf) = vpow2.f32 v7  }
0x189: {  	v6 =	vadd.f32 v36, v6;
	v7 =	vadd.f32 v35, v9;
	_ =	sdelay $0x1  }
0x18a: {  	v6 =	vadd.f32 v38, v6;
	v7 =	vadd.f32 v37, v7  }
0x18b: {  	v39 =	vadd.f32 v20, v23;
	v40 =	vld [tilespmem:$0x1DA20]  }
0x18c: {  	v41 =	vld [tilespmem:$0x1F320];
	v6 =	vadd.f32 v6, v7  }
0x18d: {  	v42 =	vld [tilespmem:$0x1DA60];
	v7 =	vadd.f32 v21, v39  }
0x18e: {  	v43 =	vld [tilespmem:$0x1F360];
	v6 =	vmul.f32 $4.999999890e-03, v6  }
0x18f: {  	v44 =	vld [tilespmem:$0x1DAA0];
	v7 =	vadd.f32 v22, v7  }
0x190: {  	v45 =	vld [tilespmem:$0x1F3A0];
	v9 =	vadd.f32 v40, v11;
	v6 =	vsub.f32 $0.0e+00, v6;
	v46 =	vpop (erf)  }
0x191: {  	v47 =	vld [tilespmem:$0x1DAE0];
	v7 =	vadd.f32 v41, v7;
	v16 =	vadd.f32 $1.000000000e+00, v46  }
0x192: {  	v48 =	vld [tilespmem:$0x1F3E0];
	v6 =	vmul.f32 $1.442695020e+00, v6  }
0x193: {  	v8 =	vadd.f32 v42, v9;
	v7 =	vadd.f32 v43, v7;
	(erf) = vrcp.f32 v16  }
0x194: {  	(erf) = vpow2.f32 v6  }
0x195: {  	v7 =	vadd.f32 v45, v7;
	v6 =	vadd.f32 v44, v8;
	_ =	sdelay $0x1  }
0x196: {  	v7 =	vadd.f32 v48, v7;
	v6 =	vadd.f32 v47, v6  }
0x197: {  	v49 =	vadd.f32 v17, v18;
	v50 =	vld [tilespmem:$0x1DA30]  }
0x198: {  	v51 =	vld [tilespmem:$0x1F330];
	v6 =	vadd.f32 v7, v6  }
0x199: {  	v52 =	vld [tilespmem:$0x1DA70];
	v7 =	vadd.f32 v19, v49  }
0x19a: {  	v53 =	vld [tilespmem:$0x1F370];
	v6 =	vmul.f32 $4.999999890e-03, v6  }
0x19b: {  	v54 =	vld [tilespmem:$0x1DAB0];
	v7 =	vadd.f32 v14, v7;
	v55 =	vpop (erf)  }
0x19c: {  	v56 =	vld [tilespmem:$0x1F3B0];
	v9 =	vadd.f32 v50, v10;
	v6 =	vsub.f32 $0.0e+00, v6;
	v57 =	vpop (erf)  }
0x19d: {  	v58 =	vld [tilespmem:$0x1DAF0];
	v7 =	vadd.f32 v51, v7;
	v15 =	vadd.f32 $1.000000000e+00, v57  }
0x19e: {  	v59 =	vld [tilespmem:$0x1F3F0];
	v6 =	vmul.f32 $1.442695020e+00, v6  }
0x19f: {  	v8 =	vadd.f32 v52, v9;
	v7 =	vadd.f32 v53, v7;
	(erf) = vrcp.f32 v15  }
0x1a0: {  	(erf) = vpow2.f32 v6  }
0x1a1: {  	v7 =	vadd.f32 v56, v7;
	v6 =	vadd.f32 v54, v8;
	_ =	sdelay $0x1  }
0x1a2: {  	v7 =	vadd.f32 v59, v7;
	v6 =	vadd.f32 v58, v6;
	_ =	sdelay $0x1  }
0x1a3: {  	v6 =	vadd.f32 v7, v6;
	_ =	sdelay $0x1  }
0x1a4: {  	v6 =	vmul.f32 $4.999999890e-03, v6  }
0x1a5: {  	v7 =	vpop (erf)  }
0x1a6: {  	v6 =	vsub.f32 $0.0e+00, v6;
	v60 =	vpop (erf)  }
0x1a7: {  	v8 =	vadd.f32 $1.000000000e+00, v60  }
0x1a8: {  	v6 =	vmul.f32 $1.442695020e+00, v6  }
0x1a9: {  	(erf) = vrcp.f32 v8  }
0x1aa: {  	(erf) = vpow2.f32 v6;
	_ =	sdelay $0x7  }
0x1ab: {  	v6 =	vpop (erf)  }
0x1ac: {  	v61 =	vpop (erf)  }
0x1ad: {  	v8 =	vadd.f32 $1.000000000e+00, v61;
	_ =	sdelay $0x1  }
0x1ae: {  	(erf) = vrcp.f32 v8;
	_ =	sdelay $0x5  }
0x1af: {  	v62 =	vmul.f32 v55, v1;
	v7 =	vmul.f32 v7, v2;
	_ =	sdelay $0x1  }
0x1b0: {  	v7 =	vadd.f32 v7, v62;
	v6 =	vmul.f32 v6, v3  }
0x1b1: {  	v63 =	vpop (erf)  }
0x1b2: {  	v6 =	vadd.f32 v6, v7;
	v7 =	vmul.f32 v63, v4;
	_ =	sdelay $0x1  }
0x1b3: {  	v6 =	vadd.f32 v7, v6;
	_ =	sdelay $0x1  }
0x1b4: {  	v6 =	vadd.f32 v6, v5;
	_ =	sdelay $0x1  }
0x1b5: {  	(xrf2) =	vadd.scan.msk.f32 $0xffff, v6;
	_ =	sdelay $0x9  }
0x1b6: {  	v6, _, _ =	vpop (xrf2)  }
0x1b7: {  	(v2sf) =	vpush v6, $0xF;
	_ =	sdelay $0x9  }
0x1b8: {  	s20 =	sadd.s32 $0x1, s20  }
0x1b9: {  	p0 =	sne.s32 s20, $0x100  }
.Ltmp2:
0x1ba: {  	_ = 	snop;
	(pc) =	sbr.rel @p0 .LBB2_2-.Ltmp2, $3  }
0x1bb: {  	_ =	sdelay $0x1  }
0x1bc: {  	s22 =	sadd.s32 $0x1, s22;
	s21 =	spop (v2sf)  }
0x1bd: {  	[smem:s22] =	sst s21;
	s21 =	simm.s32 $0x0  }
0x1be: {  	s20 =	simm.s32 $0x0;
	s22 =	simm.s32 $0x0  }
.LBB2_8:
0x1bf: {  	v2 =	vmov s21;
	s26 =	sld [smem:s20+$0x0]  }
0x1c0: {  	s23 =	sshll.u32 s22, $0x6;
	v1 =	vimm.f32 $0.0e+00;
	s24 =	simm.s32 $0x1;
	s25 =	smov.u32 s20;
	vm0 =	veq.s32 v2, v0  }
.LBB2_9:
0x1c1: {  	p0 =	sne.s32 s24, $0xF  }
0x1c2: {  	v1 =	vsel vm0, s26, v1;
	s25 =	sadd.s32 $0x1, s25;
	s28 =	smov.u32 s24;
	s24 =	sadd.s32 $0x1, s24  }
.Ltmp3:
0x1c3: {  	(pc) =	sbr.rel @p0 .LBB2_9-.Ltmp3, $4  }
0x1c4: {  	_ = 	snop  }
0x1c5: {  	s26 =	sld [smem:s25+$0x0]  }
0x1c6: {  	v2 =	vmov s28  }
0x1c7: {  	vm0 =	veq.s32 v2, v0  }
0x1c8: {  	v1 =	vsel vm0, s26, v1  }
0x1c9: {  	v1 =	vsub.f32 $0.0e+00, v1;
	_ =	sdelay $0x1  }
0x1ca: {  	v1 =	vmul.f32 $1.442695020e+00, v1;
	_ =	sdelay $0x1  }
0x1cb: {  	(erf) = vpow2.f32 v1;
	_ =	sdelay $0x8  }
0x1cc: {  	v1 =	vpop (erf)  }
0x1cd: {  	v1 =	vadd.f32 $1.000000000e+00, v1;
	_ =	sdelay $0x1  }
0x1ce: {  	(erf) = vrcp.f32 v1;
	_ =	sdelay $0x3  }
0x1cf: {  	s22 =	sadd.s32 $0x1, s22  }
0x1d0: {  	p0 =	sne.s32 s22, $0x20  }
.Ltmp4:
0x1d1: {  	_ = 	snop;
	(pc) =	sbr.rel @p0 .LBB2_8-.Ltmp4, $3  }
0x1d2: {  	_ =	sdelay $0x1  }
0x1d3: {  	s23 =	sshrl.u32 s23, $0x2;
	v1 =	vpop (erf)  }
0x1d4: {  	s20 =	sadd.s32 $0x10, s20;
	[tilespmem:s23+$0x1F450] =	vst v1  }
0x1d5: {  	s19 =	sadd.s32 $0x1, s19  }
0x1d6: {  	p0 =	sne.s32 s19, s7  }
.Ltmp5:
0x1d7: {  	_ = 	snop;
	(pc) =	sbr.rel @p0 .LBB2_1-.Ltmp5, $4  }
0x1d8: {  	[hbm4b:s6+s3] =	stream.linear.scatter [tilespmem:s18], [sflag:$0x3], $0x200, $0x38;
	[tilespmem:$0x1F650] =	vst v63  }
0x1d9: {  	_ =	swait.ge [sflag:s9], $0x200  }
0x1da: {  	[sflag:s9] =	ssyncset.done $0x0  }
0x1db: {  	[sflag:s9] =	ssyncadd.s32 $0xFFFFFE00  }
0x1dc: {  	_ =	sfence.sel $0x180000  }
0x1dd: {  	[bflag:$0x0] =	sbarrier.arrive $0xFFFF  }
0x1de: {  	p0 =	sne.s32 s0, $0x0;
	_ =	strace $0x90000047  }
0x1df: {  	s0 =	sadd.s32 @!p0 $0x100000, s1;
	[bflag:$0x2] =	sbarrier.arrive $0xFFFF  }
0x1e0: {  	[sflag:s0] =	ssyncadd.tile.s32 @!p0 $0x1;
	_ =	shalt  }
.Lfunc_end2:
_tile_overlayer_lowered:
.L_overlay_start_2:
0x1e1: {  	(tag) =	ssettag $0x2  }
0x1e2: {  	s0 =	rddreg [dreg:$0x0];
	s2 =	stileid.u32  }
0x1e3: {  	s1 =	rddreg [dreg:$0x1];
	p0 =	sne.s32 s2, $0x0  }
0x1e4: {  	s3 =	rddreg [dreg:$0x2];
	[bflag:$0x3] =	sbarrier.arrive $0xFFFF;
	s2 =	simm.s32 @!p0 $0x1C03  }
0x1e5: {  	[timem:s3], [sflag:s2] =	dma.local @!p0 [hbm:s0], s1  }
0x1e6: {  	s0 =	simm.s32 @!p0 $0x3  }
0x1e7: {  	_ =	swait.ge @!p0 [sflag:s0], s1  }
0x1e8: {  	s1 =	ssub.s32 @!p0 $0x0, s1;
	[sflag:s0] =	ssyncset.done @!p0 $0x0  }
0x1e9: {  	[sflag:s0] =	ssyncadd.s32 @!p0 s1  }
0x1ea: {  	[bflag:$0x3] =	sbarrier.arrive $0xFFFF  }
0x1eb: {  	_ =	shalt  }

</sc_bundles>
